<compile_context>
chip_gen: v7x
topology: tpu7x:2x2x1
jax: 0.10.2.dev20260603
libtpu: 0.0.44.dev20260713+nightly
codegen_flags: <defaults>
</compile_context>

<pallas_src>
import functools

import jax
import jax.numpy as jnp
from jax import lax
from jax.experimental import pallas as pl
from jax.experimental.pallas import tpu as pltpu
from jax.experimental.pallas import tpu_sc as plsc

N = 10000
E = 320000
D = 128
D_OUT = 64

NC, NS = 2, 16
NW = NC * NS
EW = E // NW
C = 125
NCHUNK = EW // C
NPAD = 10240
RT = NPAD // NS

R = 5000
G = N // R


def _sc_mesh():
    return plsc.VectorSubcoreMesh(core_axis_name="c", subcore_axis_name="s")


def _deg_call(dst3, ones_c, zeros_deg):
    @functools.partial(
        pl.kernel,
        mesh=_sc_mesh(),
        out_type=jax.ShapeDtypeStruct((NC * NPAD,), jnp.float32),
        scratch_types=[
            pltpu.VMEM((NCHUNK, C), jnp.int32),
            pltpu.VMEM((C,), jnp.float32),
            pltpu.SemaphoreType.DMA,
            pltpu.VMEM_SHARED((NPAD,), jnp.float32),
        ],
    )
    def deg_k(dst_hbm, ones_hbm, zeros_hbm, out_hbm,
              dst_all, ones_v, sem, acc_sh):
        cid = lax.axis_index("c")
        sid = lax.axis_index("s")
        w = cid * NS + sid
        pltpu.sync_copy(zeros_hbm, acc_sh.at[pl.ds(sid * RT, RT)])
        pltpu.sync_copy(ones_hbm, ones_v)
        pltpu.sync_copy(dst_hbm.at[w], dst_all)
        plsc.subcore_barrier()

        WDEPTH = 16
        for k in range(WDEPTH):
            pltpu.async_copy(ones_v, acc_sh.at[dst_all.at[k]], sem, add=True)

        def body(i, carry):
            pltpu.make_async_copy(ones_v, acc_sh.at[dst_all.at[0]], sem).wait()
            pltpu.async_copy(ones_v, acc_sh.at[dst_all.at[i + WDEPTH]], sem,
                             add=True)
            return carry

        lax.fori_loop(0, NCHUNK - WDEPTH, body, 0)
        for k in range(WDEPTH):
            pltpu.make_async_copy(ones_v, acc_sh.at[dst_all.at[0]], sem).wait()
        plsc.subcore_barrier()
        pltpu.sync_copy(acc_sh.at[pl.ds(sid * RT, RT)],
                        out_hbm.at[pl.ds(cid * NPAD + sid * RT, RT)])

    return deg_k(dst3, ones_c, zeros_deg)


def _prop_call(v, src3, dst3):
    @functools.partial(
        pl.kernel,
        mesh=_sc_mesh(),
        out_type=jax.ShapeDtypeStruct((NC, NPAD, D), jnp.float32),
        scratch_types=[
            pltpu.VMEM((NCHUNK, C), jnp.int32),
            pltpu.VMEM((C,), jnp.int32),
            pltpu.VMEM((C,), jnp.int32),
            pltpu.VMEM((C, D), jnp.float32),
            pltpu.VMEM((C, D), jnp.float32),
            pltpu.SemaphoreType.DMA,
            pltpu.SemaphoreType.DMA,
            pltpu.SemaphoreType.DMA,
            pltpu.SemaphoreType.DMA,
            pltpu.VMEM_SHARED((NPAD, D), jnp.float32),
        ],
    )
    def prop_k(v_hbm, src_hbm, dst_hbm, out_hbm,
               src_all, d0, d1, rows0, rows1,
               semg0, semg1, semd0, semd1, acc_sh):
        cid = lax.axis_index("c")
        sid = lax.axis_index("s")
        w = cid * NS + sid

        zvec = jnp.zeros((16,), jnp.float32)

        def zbody(a, carry):
            for b in range(D // 16):
                rows0[a, pl.ds(b * 16, 16)] = zvec
            return carry

        lax.fori_loop(0, 120, zbody, 0)
        for off in range(0, 600, 120):
            pltpu.sync_copy(rows0.at[pl.ds(0, 120)],
                            acc_sh.at[pl.ds(sid * RT + off, 120)])
        pltpu.sync_copy(rows0.at[pl.ds(0, 40)],
                        acc_sh.at[pl.ds(sid * RT + 600, 40)])
        pltpu.sync_copy(src_hbm.at[w], src_all)
        plsc.subcore_barrier()

        pltpu.async_copy(v_hbm.at[src_all.at[0]], rows0, semg0)
        pltpu.async_copy(v_hbm.at[src_all.at[1]], rows1, semg1)
        pltpu.async_copy(dst_hbm.at[w, 0], d0, semd0)
        pltpu.async_copy(dst_hbm.at[w, 1], d1, semd1)

        def step(i_cur, i_next, rows, d, semg, semd):
            pltpu.make_async_copy(v_hbm.at[src_all.at[i_cur]], rows, semg).wait()
            pltpu.make_async_copy(dst_hbm.at[0, 0], d, semd).wait()
            pltpu.sync_copy(rows, acc_sh.at[d], add=True)
            pltpu.async_copy(v_hbm.at[src_all.at[i_next]], rows, semg)
            pltpu.async_copy(dst_hbm.at[w, i_next], d, semd)

        def body(j, carry):
            i2 = jnp.minimum(2 * j + 2, NCHUNK - 1)
            i3 = jnp.minimum(2 * j + 3, NCHUNK - 1)
            step(2 * j, i2, rows0, d0, semg0, semd0)
            step(2 * j + 1, i3, rows1, d1, semg1, semd1)
            return carry

        lax.fori_loop(0, NCHUNK // 2, body, 0)
        pltpu.make_async_copy(v_hbm.at[src_all.at[0]], rows0, semg0).wait()
        pltpu.make_async_copy(v_hbm.at[src_all.at[0]], rows1, semg1).wait()
        pltpu.make_async_copy(dst_hbm.at[0, 0], d0, semd0).wait()
        pltpu.make_async_copy(dst_hbm.at[0, 0], d1, semd1).wait()
        plsc.subcore_barrier()
        pltpu.sync_copy(acc_sh.at[pl.ds(sid * RT, RT)],
                        out_hbm.at[cid, pl.ds(sid * RT, RT)])

    return prop_k(v, src3, dst3)


def _t1_call(x, w1, dis2):
    def body(x_ref, w_ref, dis_ref, o_ref):
        xs = x_ref[...] * dis_ref[...]
        o_ref[...] = jnp.dot(xs, w_ref[...], preferred_element_type=jnp.float32)

    return pl.pallas_call(
        body,
        grid=(G,),
        in_specs=[pl.BlockSpec((R, D), lambda i: (i, 0)),
                  pl.BlockSpec((D, D), lambda i: (0, 0)),
                  pl.BlockSpec((R, 1), lambda i: (i, 0))],
        out_specs=pl.BlockSpec((R, D), lambda i: (i, 0)),
        out_shape=jax.ShapeDtypeStruct((N, D), jnp.float32),
    )(x, w1, dis2)


def _t2_call(z, v1, dis2, b1, w2):
    def body(z0_ref, z1_ref, v1_ref, dis_ref, b_ref, w_ref, o_ref):
        dis = dis_ref[...]
        p = dis * (z0_ref[0] + z1_ref[0] + v1_ref[...]) + b_ref[...]
        h = jnp.maximum(p, 0.0)
        o_ref[...] = jnp.dot(h * dis, w_ref[...],
                             preferred_element_type=jnp.float32)

    return pl.pallas_call(
        body,
        grid=(G,),
        in_specs=[pl.BlockSpec((1, R, D), lambda i: (0, i, 0)),
                  pl.BlockSpec((1, R, D), lambda i: (1, i, 0)),
                  pl.BlockSpec((R, D), lambda i: (i, 0)),
                  pl.BlockSpec((R, 1), lambda i: (i, 0)),
                  pl.BlockSpec((1, D), lambda i: (0, 0)),
                  pl.BlockSpec((D, D), lambda i: (0, 0))],
        out_specs=pl.BlockSpec((R, D), lambda i: (i, 0)),
        out_shape=jax.ShapeDtypeStruct((N, D), jnp.float32),
    )(z, z, v1, dis2, b1.reshape(1, D), w2)


def _t3_call(z, v2, dis2, b2, wfc, bfc):
    def body(z0_ref, z1_ref, v2_ref, dis_ref, b_ref, w_ref, bo_ref, o_ref):
        p = dis_ref[...] * (z0_ref[0] + z1_ref[0] + v2_ref[...]) + b_ref[...]
        o_ref[...] = jnp.dot(p, w_ref[...],
                             preferred_element_type=jnp.float32) + bo_ref[...]

    return pl.pallas_call(
        body,
        grid=(G,),
        in_specs=[pl.BlockSpec((1, R, D), lambda i: (0, i, 0)),
                  pl.BlockSpec((1, R, D), lambda i: (1, i, 0)),
                  pl.BlockSpec((R, D), lambda i: (i, 0)),
                  pl.BlockSpec((R, 1), lambda i: (i, 0)),
                  pl.BlockSpec((1, D), lambda i: (0, 0)),
                  pl.BlockSpec((D, D_OUT), lambda i: (0, 0)),
                  pl.BlockSpec((1, D_OUT), lambda i: (0, 0))],
        out_specs=pl.BlockSpec((R, D_OUT), lambda i: (i, 0)),
        out_shape=jax.ShapeDtypeStruct((N, D_OUT), jnp.float32),
    )(z, z, v2, dis2, b2.reshape(1, D), wfc, bfc.reshape(1, D_OUT))


def kernel(x, edge_index, W1, b1, W2, b2, Wfc, bfc):
    src3 = edge_index[0].reshape(NW, NCHUNK, C)
    dst3 = edge_index[1].reshape(NW, NCHUNK, C)
    ones_c = jnp.ones((C,), jnp.float32)
    zeros_deg = jnp.zeros((RT,), jnp.float32)

    deg2 = _deg_call(dst3, ones_c, zeros_deg)
    deg = deg2[:N] + deg2[NPAD:NPAD + N] + 1.0
    dis2 = lax.rsqrt(deg)[:, None]

    v1 = _t1_call(x, W1, dis2)
    z1 = _prop_call(v1, src3, dst3)
    v2 = _t2_call(z1, v1, dis2, b1, W2)
    z2 = _prop_call(v2, src3, dst3)
    return _t3_call(z2, v2, dis2, b2, Wfc, bfc)

# --- scband reference (transcript-rebuilt; emitter-appended) ---
"""Pipeline reference for scband-gcnnode-classifier-9466107920639 (READ-ONLY COPY).

The authoritative reference and input builder live on the scoring server;
editing this copy changes nothing except your own understanding.
"""

import jax, jax.numpy as jnp
import numpy as np

N = 10000
E = 320000
D_IN = 128
D_H = 128
D_OUT = 64


def setup_inputs(seed: int = 0) -> dict:
    key = jax.random.key(seed)
    ks = jax.random.split(key, 8)
    x = jax.random.normal(ks[0], (N, D_IN), dtype=jnp.float32)
    edge_index = jax.random.randint(ks[1], (2, E), 0, N, dtype=jnp.int32)
    W1 = jax.random.normal(ks[2], (D_IN, D_H), dtype=jnp.float32) * (1.0 / np.sqrt(D_IN))
    b1 = jnp.zeros((D_H,), dtype=jnp.float32)
    W2 = jax.random.normal(ks[3], (D_H, D_H), dtype=jnp.float32) * (1.0 / np.sqrt(D_H))
    b2 = jnp.zeros((D_H,), dtype=jnp.float32)
    Wfc = jax.random.normal(ks[4], (D_H, D_OUT), dtype=jnp.float32) * (1.0 / np.sqrt(D_H))
    bfc = jnp.zeros((D_OUT,), dtype=jnp.float32)
    return {"x": x, "edge_index": edge_index, "W1": W1, "b1": b1, "W2": W2, "b2": b2, "Wfc": Wfc, "bfc": bfc}


def _gcn_conv(x, src, dst, norm, W, b):
    # PyG GCNConv: h = x @ W; out[dst] += norm * h[src]; out += b
    h = x @ W
    msg = jnp.take(h, src, axis=0) * norm[:, None]
    out = jax.ops.segment_sum(msg, dst, num_segments=N)
    return out + b


def reference(x, edge_index, W1, b1, W2, b2, Wfc, bfc):
    # add self-loops
    loop = jnp.arange(N, dtype=edge_index.dtype)
    src = jnp.concatenate([edge_index[0], loop])
    dst = jnp.concatenate([edge_index[1], loop])
    # symmetric normalization deg^{-1/2}[src] * deg^{-1/2}[dst]
    deg = jax.ops.segment_sum(jnp.ones_like(dst, dtype=jnp.float32), dst, num_segments=N)
    dis = jnp.where(deg > 0, 1.0 / jnp.sqrt(deg), 0.0)
    norm = jnp.take(dis, src) * jnp.take(dis, dst)

    h = _gcn_conv(x, src, dst, norm, W1, b1)
    h = jax.nn.relu(h)
    h = _gcn_conv(h, src, dst, norm, W2, b2)
    return h @ Wfc + bfc

if __name__ == "__main__":
    import jax
    _d = setup_inputs()
    print(jax.jit(kernel)(*tuple(_d.values())))

</pallas_src>

<mosaic_0001>
#map = affine_map<(d0, d1) -> (0, 0, 0)>
#map1 = affine_map<(d0, d1) -> (0)>
module attributes {stable_mosaic.version = 14 : i64} {
  func.func @deg_k(%arg0: i32, %arg1: i32, %arg2: memref<32x80x125xi32, #tpu.memory_space<hbm>>, %arg3: memref<125xf32, #tpu.memory_space<hbm>>, %arg4: memref<640xf32, #tpu.memory_space<hbm>>, %arg5: memref<20480xf32, #tpu.memory_space<hbm>>, %arg6: memref<80x125xi32, #tpu.memory_space<vmem>>, %arg7: memref<125xf32, #tpu.memory_space<vmem>>, %arg8: memref<!tpu.dma_semaphore, #tpu.memory_space<semaphore_mem>>, %arg9: memref<10240xf32, #tpu.memory_space<vmem_shared>>) attributes {dimension_semantics = [#tpu.dimension_semantics<core_parallel>, #tpu.dimension_semantics<subcore_parallel>], iteration_bounds = array<i64: 2, 16>, scalar_prefetch = 0 : i64, scratch_operands = 4 : i64, tpu.core_type = #tpu.core_type<sc_vector_subcore>, window_params = [{transform_indices = #map}, {transform_indices = #map1}, {transform_indices = #map1}, {transform_indices = #map1}]} {
    %mul3A = arith.constant 16 : i32
    %mul3A_0 = arith.muli %arg0, %mul3A : i32
    %add3A = arith.addi %mul3A_0, %arg1 : i32
    %mul3A_1 = arith.constant 640 : i32
    %mul3A_2 = arith.muli %arg1, %mul3A_1 : i32
    "tpu.region"() ({
      %run_scoped3A = tpu.sem_alloc : memref<!tpu.dma_semaphore, #tpu.memory_space<semaphore_mem>>
      %dma_start3A_206 = tpu.memref_slice %arg9[%mul3A_2] : memref<10240xf32, #tpu.memory_space<vmem_shared>> -> memref<640xf32, #tpu.memory_space<vmem_shared>>
      tpu.enqueue_dma source(%arg4 : memref<640xf32, #tpu.memory_space<hbm>>) target(%dma_start3A_206 : memref<640xf32, #tpu.memory_space<vmem_shared>>) target_semaphore(%run_scoped3A : memref<!tpu.dma_semaphore, #tpu.memory_space<semaphore_mem>>)
      %dma_wait3A_207 = tpu.memref_slice %arg9[%mul3A_2] : memref<10240xf32, #tpu.memory_space<vmem_shared>> -> memref<640xf32, #tpu.memory_space<vmem_shared>>
      tpu.wait_dma2 semaphore(%run_scoped3A : memref<!tpu.dma_semaphore, #tpu.memory_space<semaphore_mem>>) src(%arg4 : memref<640xf32, #tpu.memory_space<hbm>>) dst(%dma_wait3A_207 : memref<640xf32, #tpu.memory_space<vmem_shared>>)
      tpu.yield
    }) : () -> ()
    "tpu.region"() ({
      %run_scoped3A = tpu.sem_alloc : memref<!tpu.dma_semaphore, #tpu.memory_space<semaphore_mem>>
      tpu.enqueue_dma source(%arg3 : memref<125xf32, #tpu.memory_space<hbm>>) target(%arg7 : memref<125xf32, #tpu.memory_space<vmem>>) target_semaphore(%run_scoped3A : memref<!tpu.dma_semaphore, #tpu.memory_space<semaphore_mem>>)
      tpu.wait_dma2 semaphore(%run_scoped3A : memref<!tpu.dma_semaphore, #tpu.memory_space<semaphore_mem>>) src(%arg3 : memref<125xf32, #tpu.memory_space<hbm>>) dst(%arg7 : memref<125xf32, #tpu.memory_space<vmem>>)
      tpu.yield
    }) : () -> ()
    "tpu.region"() ({
      %run_scoped3A = tpu.sem_alloc : memref<!tpu.dma_semaphore, #tpu.memory_space<semaphore_mem>>
      %dma_start3A_206 = arith.constant 0 : i32
      %dma_start3A_207 = arith.constant 0 : i32
      %dma_start3A_208 = tpu.memref_slice %arg2[%add3A, %dma_start3A_206, %dma_start3A_207] : memref<32x80x125xi32, #tpu.memory_space<hbm>> -> memref<1x80x125xi32, #tpu.memory_space<hbm>>
      %dma_start3A_209 = tpu.memref_squeeze %dma_start3A_208 : memref<1x80x125xi32, #tpu.memory_space<hbm>> -> memref<80x125xi32, #tpu.memory_space<hbm>>
      %dma_start3A_210 = arith.constant 0 : i32
      %dma_start3A_211 = arith.constant 0 : i32
      %dma_start3A_212 = tpu.memref_slice %arg2[%add3A, %dma_start3A_210, %dma_start3A_211] : memref<32x80x125xi32, #tpu.memory_space<hbm>> -> memref<1x80x125xi32, #tpu.memory_space<hbm>>
      %dma_start3A_213 = tpu.memref_squeeze %dma_start3A_212 : memref<1x80x125xi32, #tpu.memory_space<hbm>> -> memref<80x125xi32, #tpu.memory_space<hbm>>
      tpu.enqueue_dma source(%dma_start3A_213 : memref<80x125xi32, #tpu.memory_space<hbm>>) target(%arg6 : memref<80x125xi32, #tpu.memory_space<vmem>>) target_semaphore(%run_scoped3A : memref<!tpu.dma_semaphore, #tpu.memory_space<semaphore_mem>>)
      %dma_wait3A_214 = arith.constant 0 : i32
      %dma_wait3A_215 = arith.constant 0 : i32
      %dma_wait3A_216 = tpu.memref_slice %arg2[%add3A, %dma_wait3A_214, %dma_wait3A_215] : memref<32x80x125xi32, #tpu.memory_space<hbm>> -> memref<1x80x125xi32, #tpu.memory_space<hbm>>
      %dma_wait3A_217 = tpu.memref_squeeze %dma_wait3A_216 : memref<1x80x125xi32, #tpu.memory_space<hbm>> -> memref<80x125xi32, #tpu.memory_space<hbm>>
      %dma_wait3A_218 = arith.constant 0 : i32
      %dma_wait3A_219 = arith.constant 0 : i32
      %dma_wait3A_220 = tpu.memref_slice %arg2[%add3A, %dma_wait3A_218, %dma_wait3A_219] : memref<32x80x125xi32, #tpu.memory_space<hbm>> -> memref<1x80x125xi32, #tpu.memory_space<hbm>>
      %dma_wait3A_221 = tpu.memref_squeeze %dma_wait3A_220 : memref<1x80x125xi32, #tpu.memory_space<hbm>> -> memref<80x125xi32, #tpu.memory_space<hbm>>
      tpu.wait_dma2 semaphore(%run_scoped3A : memref<!tpu.dma_semaphore, #tpu.memory_space<semaphore_mem>>) src(%dma_wait3A_221 : memref<80x125xi32, #tpu.memory_space<hbm>>) dst(%arg6 : memref<80x125xi32, #tpu.memory_space<vmem>>)
      tpu.yield
    }) : () -> ()
    %barrier3A = arith.constant 0 : index
    tpu.barrier barrier_id(%barrier3A)
    %dma_start3A = arith.constant 0 : i32
    %dma_start3A_3 = arith.constant 0 : i32
    %dma_start3A_4 = tpu.memref_slice %arg6[%dma_start3A, %dma_start3A_3] : memref<80x125xi32, #tpu.memory_space<vmem>> -> memref<1x125xi32, #tpu.memory_space<vmem>>
    %dma_start3A_5 = tpu.memref_squeeze %dma_start3A_4 : memref<1x125xi32, #tpu.memory_space<vmem>> -> memref<125xi32, #tpu.memory_space<vmem>>
    %dma_start3A_6 = arith.constant 0 : i32
    %dma_start3A_7 = tpu.memref_slice %arg9[%dma_start3A_6] : memref<10240xf32, #tpu.memory_space<vmem_shared>> -> memref<10240xf32, #tpu.memory_space<vmem_shared>>
    tpu.enqueue_indirect_dma source(%arg7 : memref<125xf32, #tpu.memory_space<vmem>>) target(%dma_start3A_7 : memref<10240xf32, #tpu.memory_space<vmem_shared>>) offsets(%dma_start3A_5 : memref<125xi32, #tpu.memory_space<vmem>>) semaphore(%arg8 : memref<!tpu.dma_semaphore, #tpu.memory_space<semaphore_mem>>) {add = true}
    %dma_start3A_8 = arith.constant 1 : i32
    %dma_start3A_9 = arith.constant 0 : i32
    %dma_start3A_10 = tpu.memref_slice %arg6[%dma_start3A_8, %dma_start3A_9] : memref<80x125xi32, #tpu.memory_space<vmem>> -> memref<1x125xi32, #tpu.memory_space<vmem>>
    %dma_start3A_11 = tpu.memref_squeeze %dma_start3A_10 : memref<1x125xi32, #tpu.memory_space<vmem>> -> memref<125xi32, #tpu.memory_space<vmem>>
    %dma_start3A_12 = arith.constant 0 : i32
    %dma_start3A_13 = tpu.memref_slice %arg9[%dma_start3A_12] : memref<10240xf32, #tpu.memory_space<vmem_shared>> -> memref<10240xf32, #tpu.memory_space<vmem_shared>>
    tpu.enqueue_indirect_dma source(%arg7 : memref<125xf32, #tpu.memory_space<vmem>>) target(%dma_start3A_13 : memref<10240xf32, #tpu.memory_space<vmem_shared>>) offsets(%dma_start3A_11 : memref<125xi32, #tpu.memory_space<vmem>>) semaphore(%arg8 : memref<!tpu.dma_semaphore, #tpu.memory_space<semaphore_mem>>) {add = true}
    %dma_start3A_14 = arith.constant 2 : i32
    %dma_start3A_15 = arith.constant 0 : i32
    %dma_start3A_16 = tpu.memref_slice %arg6[%dma_start3A_14, %dma_start3A_15] : memref<80x125xi32, #tpu.memory_space<vmem>> -> memref<1x125xi32, #tpu.memory_space<vmem>>
    %dma_start3A_17 = tpu.memref_squeeze %dma_start3A_16 : memref<1x125xi32, #tpu.memory_space<vmem>> -> memref<125xi32, #tpu.memory_space<vmem>>
    %dma_start3A_18 = arith.constant 0 : i32
    %dma_start3A_19 = tpu.memref_slice %arg9[%dma_start3A_18] : memref<10240xf32, #tpu.memory_space<vmem_shared>> -> memref<10240xf32, #tpu.memory_space<vmem_shared>>
    tpu.enqueue_indirect_dma source(%arg7 : memref<125xf32, #tpu.memory_space<vmem>>) target(%dma_start3A_19 : memref<10240xf32, #tpu.memory_space<vmem_shared>>) offsets(%dma_start3A_17 : memref<125xi32, #tpu.memory_space<vmem>>) semaphore(%arg8 : memref<!tpu.dma_semaphore, #tpu.memory_space<semaphore_mem>>) {add = true}
    %dma_start3A_20 = arith.constant 3 : i32
    %dma_start3A_21 = arith.constant 0 : i32
    %dma_start3A_22 = tpu.memref_slice %arg6[%dma_start3A_20, %dma_start3A_21] : memref<80x125xi32, #tpu.memory_space<vmem>> -> memref<1x125xi32, #tpu.memory_space<vmem>>
    %dma_start3A_23 = tpu.memref_squeeze %dma_start3A_22 : memref<1x125xi32, #tpu.memory_space<vmem>> -> memref<125xi32, #tpu.memory_space<vmem>>
    %dma_start3A_24 = arith.constant 0 : i32
    %dma_start3A_25 = tpu.memref_slice %arg9[%dma_start3A_24] : memref<10240xf32, #tpu.memory_space<vmem_shared>> -> memref<10240xf32, #tpu.memory_space<vmem_shared>>
    tpu.enqueue_indirect_dma source(%arg7 : memref<125xf32, #tpu.memory_space<vmem>>) target(%dma_start3A_25 : memref<10240xf32, #tpu.memory_space<vmem_shared>>) offsets(%dma_start3A_23 : memref<125xi32, #tpu.memory_space<vmem>>) semaphore(%arg8 : memref<!tpu.dma_semaphore, #tpu.memory_space<semaphore_mem>>) {add = true}
    %dma_start3A_26 = arith.constant 4 : i32
    %dma_start3A_27 = arith.constant 0 : i32
    %dma_start3A_28 = tpu.memref_slice %arg6[%dma_start3A_26, %dma_start3A_27] : memref<80x125xi32, #tpu.memory_space<vmem>> -> memref<1x125xi32, #tpu.memory_space<vmem>>
    %dma_start3A_29 = tpu.memref_squeeze %dma_start3A_28 : memref<1x125xi32, #tpu.memory_space<vmem>> -> memref<125xi32, #tpu.memory_space<vmem>>
    %dma_start3A_30 = arith.constant 0 : i32
    %dma_start3A_31 = tpu.memref_slice %arg9[%dma_start3A_30] : memref<10240xf32, #tpu.memory_space<vmem_shared>> -> memref<10240xf32, #tpu.memory_space<vmem_shared>>
    tpu.enqueue_indirect_dma source(%arg7 : memref<125xf32, #tpu.memory_space<vmem>>) target(%dma_start3A_31 : memref<10240xf32, #tpu.memory_space<vmem_shared>>) offsets(%dma_start3A_29 : memref<125xi32, #tpu.memory_space<vmem>>) semaphore(%arg8 : memref<!tpu.dma_semaphore, #tpu.memory_space<semaphore_mem>>) {add = true}
    %dma_start3A_32 = arith.constant 5 : i32
    %dma_start3A_33 = arith.constant 0 : i32
    %dma_start3A_34 = tpu.memref_slice %arg6[%dma_start3A_32, %dma_start3A_33] : memref<80x125xi32, #tpu.memory_space<vmem>> -> memref<1x125xi32, #tpu.memory_space<vmem>>
    %dma_start3A_35 = tpu.memref_squeeze %dma_start3A_34 : memref<1x125xi32, #tpu.memory_space<vmem>> -> memref<125xi32, #tpu.memory_space<vmem>>
    %dma_start3A_36 = arith.constant 0 : i32
    %dma_start3A_37 = tpu.memref_slice %arg9[%dma_start3A_36] : memref<10240xf32, #tpu.memory_space<vmem_shared>> -> memref<10240xf32, #tpu.memory_space<vmem_shared>>
    tpu.enqueue_indirect_dma source(%arg7 : memref<125xf32, #tpu.memory_space<vmem>>) target(%dma_start3A_37 : memref<10240xf32, #tpu.memory_space<vmem_shared>>) offsets(%dma_start3A_35 : memref<125xi32, #tpu.memory_space<vmem>>) semaphore(%arg8 : memref<!tpu.dma_semaphore, #tpu.memory_space<semaphore_mem>>) {add = true}
    %dma_start3A_38 = arith.constant 6 : i32
    %dma_start3A_39 = arith.constant 0 : i32
    %dma_start3A_40 = tpu.memref_slice %arg6[%dma_start3A_38, %dma_start3A_39] : memref<80x125xi32, #tpu.memory_space<vmem>> -> memref<1x125xi32, #tpu.memory_space<vmem>>
    %dma_start3A_41 = tpu.memref_squeeze %dma_start3A_40 : memref<1x125xi32, #tpu.memory_space<vmem>> -> memref<125xi32, #tpu.memory_space<vmem>>
    %dma_start3A_42 = arith.constant 0 : i32
    %dma_start3A_43 = tpu.memref_slice %arg9[%dma_start3A_42] : memref<10240xf32, #tpu.memory_space<vmem_shared>> -> memref<10240xf32, #tpu.memory_space<vmem_shared>>
    tpu.enqueue_indirect_dma source(%arg7 : memref<125xf32, #tpu.memory_space<vmem>>) target(%dma_start3A_43 : memref<10240xf32, #tpu.memory_space<vmem_shared>>) offsets(%dma_start3A_41 : memref<125xi32, #tpu.memory_space<vmem>>) semaphore(%arg8 : memref<!tpu.dma_semaphore, #tpu.memory_space<semaphore_mem>>) {add = true}
    %dma_start3A_44 = arith.constant 7 : i32
    %dma_start3A_45 = arith.constant 0 : i32
    %dma_start3A_46 = tpu.memref_slice %arg6[%dma_start3A_44, %dma_start3A_45] : memref<80x125xi32, #tpu.memory_space<vmem>> -> memref<1x125xi32, #tpu.memory_space<vmem>>
    %dma_start3A_47 = tpu.memref_squeeze %dma_start3A_46 : memref<1x125xi32, #tpu.memory_space<vmem>> -> memref<125xi32, #tpu.memory_space<vmem>>
    %dma_start3A_48 = arith.constant 0 : i32
    %dma_start3A_49 = tpu.memref_slice %arg9[%dma_start3A_48] : memref<10240xf32, #tpu.memory_space<vmem_shared>> -> memref<10240xf32, #tpu.memory_space<vmem_shared>>
    tpu.enqueue_indirect_dma source(%arg7 : memref<125xf32, #tpu.memory_space<vmem>>) target(%dma_start3A_49 : memref<10240xf32, #tpu.memory_space<vmem_shared>>) offsets(%dma_start3A_47 : memref<125xi32, #tpu.memory_space<vmem>>) semaphore(%arg8 : memref<!tpu.dma_semaphore, #tpu.memory_space<semaphore_mem>>) {add = true}
    %dma_start3A_50 = arith.constant 8 : i32
    %dma_start3A_51 = arith.constant 0 : i32
    %dma_start3A_52 = tpu.memref_slice %arg6[%dma_start3A_50, %dma_start3A_51] : memref<80x125xi32, #tpu.memory_space<vmem>> -> memref<1x125xi32, #tpu.memory_space<vmem>>
    %dma_start3A_53 = tpu.memref_squeeze %dma_start3A_52 : memref<1x125xi32, #tpu.memory_space<vmem>> -> memref<125xi32, #tpu.memory_space<vmem>>
    %dma_start3A_54 = arith.constant 0 : i32
    %dma_start3A_55 = tpu.memref_slice %arg9[%dma_start3A_54] : memref<10240xf32, #tpu.memory_space<vmem_shared>> -> memref<10240xf32, #tpu.memory_space<vmem_shared>>
    tpu.enqueue_indirect_dma source(%arg7 : memref<125xf32, #tpu.memory_space<vmem>>) target(%dma_start3A_55 : memref<10240xf32, #tpu.memory_space<vmem_shared>>) offsets(%dma_start3A_53 : memref<125xi32, #tpu.memory_space<vmem>>) semaphore(%arg8 : memref<!tpu.dma_semaphore, #tpu.memory_space<semaphore_mem>>) {add = true}
    %dma_start3A_56 = arith.constant 9 : i32
    %dma_start3A_57 = arith.constant 0 : i32
    %dma_start3A_58 = tpu.memref_slice %arg6[%dma_start3A_56, %dma_start3A_57] : memref<80x125xi32, #tpu.memory_space<vmem>> -> memref<1x125xi32, #tpu.memory_space<vmem>>
    %dma_start3A_59 = tpu.memref_squeeze %dma_start3A_58 : memref<1x125xi32, #tpu.memory_space<vmem>> -> memref<125xi32, #tpu.memory_space<vmem>>
    %dma_start3A_60 = arith.constant 0 : i32
    %dma_start3A_61 = tpu.memref_slice %arg9[%dma_start3A_60] : memref<10240xf32, #tpu.memory_space<vmem_shared>> -> memref<10240xf32, #tpu.memory_space<vmem_shared>>
    tpu.enqueue_indirect_dma source(%arg7 : memref<125xf32, #tpu.memory_space<vmem>>) target(%dma_start3A_61 : memref<10240xf32, #tpu.memory_space<vmem_shared>>) offsets(%dma_start3A_59 : memref<125xi32, #tpu.memory_space<vmem>>) semaphore(%arg8 : memref<!tpu.dma_semaphore, #tpu.memory_space<semaphore_mem>>) {add = true}
    %dma_start3A_62 = arith.constant 10 : i32
    %dma_start3A_63 = arith.constant 0 : i32
    %dma_start3A_64 = tpu.memref_slice %arg6[%dma_start3A_62, %dma_start3A_63] : memref<80x125xi32, #tpu.memory_space<vmem>> -> memref<1x125xi32, #tpu.memory_space<vmem>>
    %dma_start3A_65 = tpu.memref_squeeze %dma_start3A_64 : memref<1x125xi32, #tpu.memory_space<vmem>> -> memref<125xi32, #tpu.memory_space<vmem>>
    %dma_start3A_66 = arith.constant 0 : i32
    %dma_start3A_67 = tpu.memref_slice %arg9[%dma_start3A_66] : memref<10240xf32, #tpu.memory_space<vmem_shared>> -> memref<10240xf32, #tpu.memory_space<vmem_shared>>
    tpu.enqueue_indirect_dma source(%arg7 : memref<125xf32, #tpu.memory_space<vmem>>) target(%dma_start3A_67 : memref<10240xf32, #tpu.memory_space<vmem_shared>>) offsets(%dma_start3A_65 : memref<125xi32, #tpu.memory_space<vmem>>) semaphore(%arg8 : memref<!tpu.dma_semaphore, #tpu.memory_space<semaphore_mem>>) {add = true}
    %dma_start3A_68 = arith.constant 11 : i32
    %dma_start3A_69 = arith.constant 0 : i32
    %dma_start3A_70 = tpu.memref_slice %arg6[%dma_start3A_68, %dma_start3A_69] : memref<80x125xi32, #tpu.memory_space<vmem>> -> memref<1x125xi32, #tpu.memory_space<vmem>>
    %dma_start3A_71 = tpu.memref_squeeze %dma_start3A_70 : memref<1x125xi32, #tpu.memory_space<vmem>> -> memref<125xi32, #tpu.memory_space<vmem>>
    %dma_start3A_72 = arith.constant 0 : i32
    %dma_start3A_73 = tpu.memref_slice %arg9[%dma_start3A_72] : memref<10240xf32, #tpu.memory_space<vmem_shared>> -> memref<10240xf32, #tpu.memory_space<vmem_shared>>
    tpu.enqueue_indirect_dma source(%arg7 : memref<125xf32, #tpu.memory_space<vmem>>) target(%dma_start3A_73 : memref<10240xf32, #tpu.memory_space<vmem_shared>>) offsets(%dma_start3A_71 : memref<125xi32, #tpu.memory_space<vmem>>) semaphore(%arg8 : memref<!tpu.dma_semaphore, #tpu.memory_space<semaphore_mem>>) {add = true}
    %dma_start3A_74 = arith.constant 12 : i32
    %dma_start3A_75 = arith.constant 0 : i32
    %dma_start3A_76 = tpu.memref_slice %arg6[%dma_start3A_74, %dma_start3A_75] : memref<80x125xi32, #tpu.memory_space<vmem>> -> memref<1x125xi32, #tpu.memory_space<vmem>>
    %dma_start3A_77 = tpu.memref_squeeze %dma_start3A_76 : memref<1x125xi32, #tpu.memory_space<vmem>> -> memref<125xi32, #tpu.memory_space<vmem>>
    %dma_start3A_78 = arith.constant 0 : i32
    %dma_start3A_79 = tpu.memref_slice %arg9[%dma_start3A_78] : memref<10240xf32, #tpu.memory_space<vmem_shared>> -> memref<10240xf32, #tpu.memory_space<vmem_shared>>
    tpu.enqueue_indirect_dma source(%arg7 : memref<125xf32, #tpu.memory_space<vmem>>) target(%dma_start3A_79 : memref<10240xf32, #tpu.memory_space<vmem_shared>>) offsets(%dma_start3A_77 : memref<125xi32, #tpu.memory_space<vmem>>) semaphore(%arg8 : memref<!tpu.dma_semaphore, #tpu.memory_space<semaphore_mem>>) {add = true}
    %dma_start3A_80 = arith.constant 13 : i32
    %dma_start3A_81 = arith.constant 0 : i32
    %dma_start3A_82 = tpu.memref_slice %arg6[%dma_start3A_80, %dma_start3A_81] : memref<80x125xi32, #tpu.memory_space<vmem>> -> memref<1x125xi32, #tpu.memory_space<vmem>>
    %dma_start3A_83 = tpu.memref_squeeze %dma_start3A_82 : memref<1x125xi32, #tpu.memory_space<vmem>> -> memref<125xi32, #tpu.memory_space<vmem>>
    %dma_start3A_84 = arith.constant 0 : i32
    %dma_start3A_85 = tpu.memref_slice %arg9[%dma_start3A_84] : memref<10240xf32, #tpu.memory_space<vmem_shared>> -> memref<10240xf32, #tpu.memory_space<vmem_shared>>
    tpu.enqueue_indirect_dma source(%arg7 : memref<125xf32, #tpu.memory_space<vmem>>) target(%dma_start3A_85 : memref<10240xf32, #tpu.memory_space<vmem_shared>>) offsets(%dma_start3A_83 : memref<125xi32, #tpu.memory_space<vmem>>) semaphore(%arg8 : memref<!tpu.dma_semaphore, #tpu.memory_space<semaphore_mem>>) {add = true}
    %dma_start3A_86 = arith.constant 14 : i32
    %dma_start3A_87 = arith.constant 0 : i32
    %dma_start3A_88 = tpu.memref_slice %arg6[%dma_start3A_86, %dma_start3A_87] : memref<80x125xi32, #tpu.memory_space<vmem>> -> memref<1x125xi32, #tpu.memory_space<vmem>>
    %dma_start3A_89 = tpu.memref_squeeze %dma_start3A_88 : memref<1x125xi32, #tpu.memory_space<vmem>> -> memref<125xi32, #tpu.memory_space<vmem>>
    %dma_start3A_90 = arith.constant 0 : i32
    %dma_start3A_91 = tpu.memref_slice %arg9[%dma_start3A_90] : memref<10240xf32, #tpu.memory_space<vmem_shared>> -> memref<10240xf32, #tpu.memory_space<vmem_shared>>
    tpu.enqueue_indirect_dma source(%arg7 : memref<125xf32, #tpu.memory_space<vmem>>) target(%dma_start3A_91 : memref<10240xf32, #tpu.memory_space<vmem_shared>>) offsets(%dma_start3A_89 : memref<125xi32, #tpu.memory_space<vmem>>) semaphore(%arg8 : memref<!tpu.dma_semaphore, #tpu.memory_space<semaphore_mem>>) {add = true}
    %dma_start3A_92 = arith.constant 15 : i32
    %dma_start3A_93 = arith.constant 0 : i32
    %dma_start3A_94 = tpu.memref_slice %arg6[%dma_start3A_92, %dma_start3A_93] : memref<80x125xi32, #tpu.memory_space<vmem>> -> memref<1x125xi32, #tpu.memory_space<vmem>>
    %dma_start3A_95 = tpu.memref_squeeze %dma_start3A_94 : memref<1x125xi32, #tpu.memory_space<vmem>> -> memref<125xi32, #tpu.memory_space<vmem>>
    %dma_start3A_96 = arith.constant 0 : i32
    %dma_start3A_97 = tpu.memref_slice %arg9[%dma_start3A_96] : memref<10240xf32, #tpu.memory_space<vmem_shared>> -> memref<10240xf32, #tpu.memory_space<vmem_shared>>
    tpu.enqueue_indirect_dma source(%arg7 : memref<125xf32, #tpu.memory_space<vmem>>) target(%dma_start3A_97 : memref<10240xf32, #tpu.memory_space<vmem_shared>>) offsets(%dma_start3A_95 : memref<125xi32, #tpu.memory_space<vmem>>) semaphore(%arg8 : memref<!tpu.dma_semaphore, #tpu.memory_space<semaphore_mem>>) {add = true}
    %scan3A = arith.constant 0 : i32
    %scan3A_98 = arith.constant 0 : i32
    %scan3A_99 = arith.constant 64 : i32
    %scan3A_100 = arith.addi %scan3A_98, %scan3A_99 : i32
    %scan3A_101 = arith.constant 1 : i32
    scf.for %scan3A_206 = %scan3A_98 to %scan3A_100 step %scan3A_101  : i32 {
      %dma_wait3A_207 = arith.constant 0 : i32
      %dma_wait3A_208 = arith.constant 0 : i32
      %dma_wait3A_209 = tpu.memref_slice %arg6[%dma_wait3A_207, %dma_wait3A_208] : memref<80x125xi32, #tpu.memory_space<vmem>> -> memref<1x125xi32, #tpu.memory_space<vmem>>
      %dma_wait3A_210 = tpu.memref_squeeze %dma_wait3A_209 : memref<1x125xi32, #tpu.memory_space<vmem>> -> memref<125xi32, #tpu.memory_space<vmem>>
      %dma_wait3A_211 = arith.constant 0 : i32
      %dma_wait3A_212 = tpu.memref_slice %arg9[%dma_wait3A_211] : memref<10240xf32, #tpu.memory_space<vmem_shared>> -> memref<10240xf32, #tpu.memory_space<vmem_shared>>
      tpu.wait_indirect_dma semaphore(%arg8 : memref<!tpu.dma_semaphore, #tpu.memory_space<semaphore_mem>>) src(%arg7 : memref<125xf32, #tpu.memory_space<vmem>>) dst(%dma_wait3A_212 : memref<10240xf32, #tpu.memory_space<vmem_shared>>)
      %add3A_213 = arith.constant 16 : i32
      %add3A_214 = arith.addi %scan3A_206, %add3A_213 : i32
      %dma_start3A_215 = arith.constant 0 : i32
      %dma_start3A_216 = tpu.memref_slice %arg6[%add3A_214, %dma_start3A_215] : memref<80x125xi32, #tpu.memory_space<vmem>> -> memref<1x125xi32, #tpu.memory_space<vmem>>
      %dma_start3A_217 = tpu.memref_squeeze %dma_start3A_216 : memref<1x125xi32, #tpu.memory_space<vmem>> -> memref<125xi32, #tpu.memory_space<vmem>>
      %dma_start3A_218 = arith.constant 0 : i32
      %dma_start3A_219 = tpu.memref_slice %arg9[%dma_start3A_218] : memref<10240xf32, #tpu.memory_space<vmem_shared>> -> memref<10240xf32, #tpu.memory_space<vmem_shared>>
      tpu.enqueue_indirect_dma source(%arg7 : memref<125xf32, #tpu.memory_space<vmem>>) target(%dma_start3A_219 : memref<10240xf32, #tpu.memory_space<vmem_shared>>) offsets(%dma_start3A_217 : memref<125xi32, #tpu.memory_space<vmem>>) semaphore(%arg8 : memref<!tpu.dma_semaphore, #tpu.memory_space<semaphore_mem>>) {add = true}
    }
    %scan3A_102 = arith.constant 64 : i32
    %dma_wait3A = arith.constant 0 : i32
    %dma_wait3A_103 = arith.constant 0 : i32
    %dma_wait3A_104 = tpu.memref_slice %arg6[%dma_wait3A, %dma_wait3A_103] : memref<80x125xi32, #tpu.memory_space<vmem>> -> memref<1x125xi32, #tpu.memory_space<vmem>>
    %dma_wait3A_105 = tpu.memref_squeeze %dma_wait3A_104 : memref<1x125xi32, #tpu.memory_space<vmem>> -> memref<125xi32, #tpu.memory_space<vmem>>
    %dma_wait3A_106 = arith.constant 0 : i32
    %dma_wait3A_107 = tpu.memref_slice %arg9[%dma_wait3A_106] : memref<10240xf32, #tpu.memory_space<vmem_shared>> -> memref<10240xf32, #tpu.memory_space<vmem_shared>>
    tpu.wait_indirect_dma semaphore(%arg8 : memref<!tpu.dma_semaphore, #tpu.memory_space<semaphore_mem>>) src(%arg7 : memref<125xf32, #tpu.memory_space<vmem>>) dst(%dma_wait3A_107 : memref<10240xf32, #tpu.memory_space<vmem_shared>>)
    %dma_wait3A_108 = arith.constant 0 : i32
    %dma_wait3A_109 = arith.constant 0 : i32
    %dma_wait3A_110 = tpu.memref_slice %arg6[%dma_wait3A_108, %dma_wait3A_109] : memref<80x125xi32, #tpu.memory_space<vmem>> -> memref<1x125xi32, #tpu.memory_space<vmem>>
    %dma_wait3A_111 = tpu.memref_squeeze %dma_wait3A_110 : memref<1x125xi32, #tpu.memory_space<vmem>> -> memref<125xi32, #tpu.memory_space<vmem>>
    %dma_wait3A_112 = arith.constant 0 : i32
    %dma_wait3A_113 = tpu.memref_slice %arg9[%dma_wait3A_112] : memref<10240xf32, #tpu.memory_space<vmem_shared>> -> memref<10240xf32, #tpu.memory_space<vmem_shared>>
    tpu.wait_indirect_dma semaphore(%arg8 : memref<!tpu.dma_semaphore, #tpu.memory_space<semaphore_mem>>) src(%arg7 : memref<125xf32, #tpu.memory_space<vmem>>) dst(%dma_wait3A_113 : memref<10240xf32, #tpu.memory_space<vmem_shared>>)
    %dma_wait3A_114 = arith.constant 0 : i32
    %dma_wait3A_115 = arith.constant 0 : i32
    %dma_wait3A_116 = tpu.memref_slice %arg6[%dma_wait3A_114, %dma_wait3A_115] : memref<80x125xi32, #tpu.memory_space<vmem>> -> memref<1x125xi32, #tpu.memory_space<vmem>>
    %dma_wait3A_117 = tpu.memref_squeeze %dma_wait3A_116 : memref<1x125xi32, #tpu.memory_space<vmem>> -> memref<125xi32, #tpu.memory_space<vmem>>
    %dma_wait3A_118 = arith.constant 0 : i32
    %dma_wait3A_119 = tpu.memref_slice %arg9[%dma_wait3A_118] : memref<10240xf32, #tpu.memory_space<vmem_shared>> -> memref<10240xf32, #tpu.memory_space<vmem_shared>>
    tpu.wait_indirect_dma semaphore(%arg8 : memref<!tpu.dma_semaphore, #tpu.memory_space<semaphore_mem>>) src(%arg7 : memref<125xf32, #tpu.memory_space<vmem>>) dst(%dma_wait3A_119 : memref<10240xf32, #tpu.memory_space<vmem_shared>>)
    %dma_wait3A_120 = arith.constant 0 : i32
    %dma_wait3A_121 = arith.constant 0 : i32
    %dma_wait3A_122 = tpu.memref_slice %arg6[%dma_wait3A_120, %dma_wait3A_121] : memref<80x125xi32, #tpu.memory_space<vmem>> -> memref<1x125xi32, #tpu.memory_space<vmem>>
    %dma_wait3A_123 = tpu.memref_squeeze %dma_wait3A_122 : memref<1x125xi32, #tpu.memory_space<vmem>> -> memref<125xi32, #tpu.memory_space<vmem>>
    %dma_wait3A_124 = arith.constant 0 : i32
    %dma_wait3A_125 = tpu.memref_slice %arg9[%dma_wait3A_124] : memref<10240xf32, #tpu.memory_space<vmem_shared>> -> memref<10240xf32, #tpu.memory_space<vmem_shared>>
    tpu.wait_indirect_dma semaphore(%arg8 : memref<!tpu.dma_semaphore, #tpu.memory_space<semaphore_mem>>) src(%arg7 : memref<125xf32, #tpu.memory_space<vmem>>) dst(%dma_wait3A_125 : memref<10240xf32, #tpu.memory_space<vmem_shared>>)
    %dma_wait3A_126 = arith.constant 0 : i32
    %dma_wait3A_127 = arith.constant 0 : i32
    %dma_wait3A_128 = tpu.memref_slice %arg6[%dma_wait3A_126, %dma_wait3A_127] : memref<80x125xi32, #tpu.memory_space<vmem>> -> memref<1x125xi32, #tpu.memory_space<vmem>>
    %dma_wait3A_129 = tpu.memref_squeeze %dma_wait3A_128 : memref<1x125xi32, #tpu.memory_space<vmem>> -> memref<125xi32, #tpu.memory_space<vmem>>
    %dma_wait3A_130 = arith.constant 0 : i32
    %dma_wait3A_131 = tpu.memref_slice %arg9[%dma_wait3A_130] : memref<10240xf32, #tpu.memory_space<vmem_shared>> -> memref<10240xf32, #tpu.memory_space<vmem_shared>>
    tpu.wait_indirect_dma semaphore(%arg8 : memref<!tpu.dma_semaphore, #tpu.memory_space<semaphore_mem>>) src(%arg7 : memref<125xf32, #tpu.memory_space<vmem>>) dst(%dma_wait3A_131 : memref<10240xf32, #tpu.memory_space<vmem_shared>>)
    %dma_wait3A_132 = arith.constant 0 : i32
    %dma_wait3A_133 = arith.constant 0 : i32
    %dma_wait3A_134 = tpu.memref_slice %arg6[%dma_wait3A_132, %dma_wait3A_133] : memref<80x125xi32, #tpu.memory_space<vmem>> -> memref<1x125xi32, #tpu.memory_space<vmem>>
    %dma_wait3A_135 = tpu.memref_squeeze %dma_wait3A_134 : memref<1x125xi32, #tpu.memory_space<vmem>> -> memref<125xi32, #tpu.memory_space<vmem>>
    %dma_wait3A_136 = arith.constant 0 : i32
    %dma_wait3A_137 = tpu.memref_slice %arg9[%dma_wait3A_136] : memref<10240xf32, #tpu.memory_space<vmem_shared>> -> memref<10240xf32, #tpu.memory_space<vmem_shared>>
    tpu.wait_indirect_dma semaphore(%arg8 : memref<!tpu.dma_semaphore, #tpu.memory_space<semaphore_mem>>) src(%arg7 : memref<125xf32, #tpu.memory_space<vmem>>) dst(%dma_wait3A_137 : memref<10240xf32, #tpu.memory_space<vmem_shared>>)
    %dma_wait3A_138 = arith.constant 0 : i32
    %dma_wait3A_139 = arith.constant 0 : i32
    %dma_wait3A_140 = tpu.memref_slice %arg6[%dma_wait3A_138, %dma_wait3A_139] : memref<80x125xi32, #tpu.memory_space<vmem>> -> memref<1x125xi32, #tpu.memory_space<vmem>>
    %dma_wait3A_141 = tpu.memref_squeeze %dma_wait3A_140 : memref<1x125xi32, #tpu.memory_space<vmem>> -> memref<125xi32, #tpu.memory_space<vmem>>
    %dma_wait3A_142 = arith.constant 0 : i32
    %dma_wait3A_143 = tpu.memref_slice %arg9[%dma_wait3A_142] : memref<10240xf32, #tpu.memory_space<vmem_shared>> -> memref<10240xf32, #tpu.memory_space<vmem_shared>>
    tpu.wait_indirect_dma semaphore(%arg8 : memref<!tpu.dma_semaphore, #tpu.memory_space<semaphore_mem>>) src(%arg7 : memref<125xf32, #tpu.memory_space<vmem>>) dst(%dma_wait3A_143 : memref<10240xf32, #tpu.memory_space<vmem_shared>>)
    %dma_wait3A_144 = arith.constant 0 : i32
    %dma_wait3A_145 = arith.constant 0 : i32
    %dma_wait3A_146 = tpu.memref_slice %arg6[%dma_wait3A_144, %dma_wait3A_145] : memref<80x125xi32, #tpu.memory_space<vmem>> -> memref<1x125xi32, #tpu.memory_space<vmem>>
    %dma_wait3A_147 = tpu.memref_squeeze %dma_wait3A_146 : memref<1x125xi32, #tpu.memory_space<vmem>> -> memref<125xi32, #tpu.memory_space<vmem>>
    %dma_wait3A_148 = arith.constant 0 : i32
    %dma_wait3A_149 = tpu.memref_slice %arg9[%dma_wait3A_148] : memref<10240xf32, #tpu.memory_space<vmem_shared>> -> memref<10240xf32, #tpu.memory_space<vmem_shared>>
    tpu.wait_indirect_dma semaphore(%arg8 : memref<!tpu.dma_semaphore, #tpu.memory_space<semaphore_mem>>) src(%arg7 : memref<125xf32, #tpu.memory_space<vmem>>) dst(%dma_wait3A_149 : memref<10240xf32, #tpu.memory_space<vmem_shared>>)
    %dma_wait3A_150 = arith.constant 0 : i32
    %dma_wait3A_151 = arith.constant 0 : i32
    %dma_wait3A_152 = tpu.memref_slice %arg6[%dma_wait3A_150, %dma_wait3A_151] : memref<80x125xi32, #tpu.memory_space<vmem>> -> memref<1x125xi32, #tpu.memory_space<vmem>>
    %dma_wait3A_153 = tpu.memref_squeeze %dma_wait3A_152 : memref<1x125xi32, #tpu.memory_space<vmem>> -> memref<125xi32, #tpu.memory_space<vmem>>
    %dma_wait3A_154 = arith.constant 0 : i32
    %dma_wait3A_155 = tpu.memref_slice %arg9[%dma_wait3A_154] : memref<10240xf32, #tpu.memory_space<vmem_shared>> -> memref<10240xf32, #tpu.memory_space<vmem_shared>>
    tpu.wait_indirect_dma semaphore(%arg8 : memref<!tpu.dma_semaphore, #tpu.memory_space<semaphore_mem>>) src(%arg7 : memref<125xf32, #tpu.memory_space<vmem>>) dst(%dma_wait3A_155 : memref<10240xf32, #tpu.memory_space<vmem_shared>>)
    %dma_wait3A_156 = arith.constant 0 : i32
    %dma_wait3A_157 = arith.constant 0 : i32
    %dma_wait3A_158 = tpu.memref_slice %arg6[%dma_wait3A_156, %dma_wait3A_157] : memref<80x125xi32, #tpu.memory_space<vmem>> -> memref<1x125xi32, #tpu.memory_space<vmem>>
    %dma_wait3A_159 = tpu.memref_squeeze %dma_wait3A_158 : memref<1x125xi32, #tpu.memory_space<vmem>> -> memref<125xi32, #tpu.memory_space<vmem>>
    %dma_wait3A_160 = arith.constant 0 : i32
    %dma_wait3A_161 = tpu.memref_slice %arg9[%dma_wait3A_160] : memref<10240xf32, #tpu.memory_space<vmem_shared>> -> memref<10240xf32, #tpu.memory_space<vmem_shared>>
    tpu.wait_indirect_dma semaphore(%arg8 : memref<!tpu.dma_semaphore, #tpu.memory_space<semaphore_mem>>) src(%arg7 : memref<125xf32, #tpu.memory_space<vmem>>) dst(%dma_wait3A_161 : memref<10240xf32, #tpu.memory_space<vmem_shared>>)
    %dma_wait3A_162 = arith.constant 0 : i32
    %dma_wait3A_163 = arith.constant 0 : i32
    %dma_wait3A_164 = tpu.memref_slice %arg6[%dma_wait3A_162, %dma_wait3A_163] : memref<80x125xi32, #tpu.memory_space<vmem>> -> memref<1x125xi32, #tpu.memory_space<vmem>>
    %dma_wait3A_165 = tpu.memref_squeeze %dma_wait3A_164 : memref<1x125xi32, #tpu.memory_space<vmem>> -> memref<125xi32, #tpu.memory_space<vmem>>
    %dma_wait3A_166 = arith.constant 0 : i32
    %dma_wait3A_167 = tpu.memref_slice %arg9[%dma_wait3A_166] : memref<10240xf32, #tpu.memory_space<vmem_shared>> -> memref<10240xf32, #tpu.memory_space<vmem_shared>>
    tpu.wait_indirect_dma semaphore(%arg8 : memref<!tpu.dma_semaphore, #tpu.memory_space<semaphore_mem>>) src(%arg7 : memref<125xf32, #tpu.memory_space<vmem>>) dst(%dma_wait3A_167 : memref<10240xf32, #tpu.memory_space<vmem_shared>>)
    %dma_wait3A_168 = arith.constant 0 : i32
    %dma_wait3A_169 = arith.constant 0 : i32
    %dma_wait3A_170 = tpu.memref_slice %arg6[%dma_wait3A_168, %dma_wait3A_169] : memref<80x125xi32, #tpu.memory_space<vmem>> -> memref<1x125xi32, #tpu.memory_space<vmem>>
    %dma_wait3A_171 = tpu.memref_squeeze %dma_wait3A_170 : memref<1x125xi32, #tpu.memory_space<vmem>> -> memref<125xi32, #tpu.memory_space<vmem>>
    %dma_wait3A_172 = arith.constant 0 : i32
    %dma_wait3A_173 = tpu.memref_slice %arg9[%dma_wait3A_172] : memref<10240xf32, #tpu.memory_space<vmem_shared>> -> memref<10240xf32, #tpu.memory_space<vmem_shared>>
    tpu.wait_indirect_dma semaphore(%arg8 : memref<!tpu.dma_semaphore, #tpu.memory_space<semaphore_mem>>) src(%arg7 : memref<125xf32, #tpu.memory_space<vmem>>) dst(%dma_wait3A_173 : memref<10240xf32, #tpu.memory_space<vmem_shared>>)
    %dma_wait3A_174 = arith.constant 0 : i32
    %dma_wait3A_175 = arith.constant 0 : i32
    %dma_wait3A_176 = tpu.memref_slice %arg6[%dma_wait3A_174, %dma_wait3A_175] : memref<80x125xi32, #tpu.memory_space<vmem>> -> memref<1x125xi32, #tpu.memory_space<vmem>>
    %dma_wait3A_177 = tpu.memref_squeeze %dma_wait3A_176 : memref<1x125xi32, #tpu.memory_space<vmem>> -> memref<125xi32, #tpu.memory_space<vmem>>
    %dma_wait3A_178 = arith.constant 0 : i32
    %dma_wait3A_179 = tpu.memref_slice %arg9[%dma_wait3A_178] : memref<10240xf32, #tpu.memory_space<vmem_shared>> -> memref<10240xf32, #tpu.memory_space<vmem_shared>>
    tpu.wait_indirect_dma semaphore(%arg8 : memref<!tpu.dma_semaphore, #tpu.memory_space<semaphore_mem>>) src(%arg7 : memref<125xf32, #tpu.memory_space<vmem>>) dst(%dma_wait3A_179 : memref<10240xf32, #tpu.memory_space<vmem_shared>>)
    %dma_wait3A_180 = arith.constant 0 : i32
    %dma_wait3A_181 = arith.constant 0 : i32
    %dma_wait3A_182 = tpu.memref_slice %arg6[%dma_wait3A_180, %dma_wait3A_181] : memref<80x125xi32, #tpu.memory_space<vmem>> -> memref<1x125xi32, #tpu.memory_space<vmem>>
    %dma_wait3A_183 = tpu.memref_squeeze %dma_wait3A_182 : memref<1x125xi32, #tpu.memory_space<vmem>> -> memref<125xi32, #tpu.memory_space<vmem>>
    %dma_wait3A_184 = arith.constant 0 : i32
    %dma_wait3A_185 = tpu.memref_slice %arg9[%dma_wait3A_184] : memref<10240xf32, #tpu.memory_space<vmem_shared>> -> memref<10240xf32, #tpu.memory_space<vmem_shared>>
    tpu.wait_indirect_dma semaphore(%arg8 : memref<!tpu.dma_semaphore, #tpu.memory_space<semaphore_mem>>) src(%arg7 : memref<125xf32, #tpu.memory_space<vmem>>) dst(%dma_wait3A_185 : memref<10240xf32, #tpu.memory_space<vmem_shared>>)
    %dma_wait3A_186 = arith.constant 0 : i32
    %dma_wait3A_187 = arith.constant 0 : i32
    %dma_wait3A_188 = tpu.memref_slice %arg6[%dma_wait3A_186, %dma_wait3A_187] : memref<80x125xi32, #tpu.memory_space<vmem>> -> memref<1x125xi32, #tpu.memory_space<vmem>>
    %dma_wait3A_189 = tpu.memref_squeeze %dma_wait3A_188 : memref<1x125xi32, #tpu.memory_space<vmem>> -> memref<125xi32, #tpu.memory_space<vmem>>
    %dma_wait3A_190 = arith.constant 0 : i32
    %dma_wait3A_191 = tpu.memref_slice %arg9[%dma_wait3A_190] : memref<10240xf32, #tpu.memory_space<vmem_shared>> -> memref<10240xf32, #tpu.memory_space<vmem_shared>>
    tpu.wait_indirect_dma semaphore(%arg8 : memref<!tpu.dma_semaphore, #tpu.memory_space<semaphore_mem>>) src(%arg7 : memref<125xf32, #tpu.memory_space<vmem>>) dst(%dma_wait3A_191 : memref<10240xf32, #tpu.memory_space<vmem_shared>>)
    %dma_wait3A_192 = arith.constant 0 : i32
    %dma_wait3A_193 = arith.constant 0 : i32
    %dma_wait3A_194 = tpu.memref_slice %arg6[%dma_wait3A_192, %dma_wait3A_193] : memref<80x125xi32, #tpu.memory_space<vmem>> -> memref<1x125xi32, #tpu.memory_space<vmem>>
    %dma_wait3A_195 = tpu.memref_squeeze %dma_wait3A_194 : memref<1x125xi32, #tpu.memory_space<vmem>> -> memref<125xi32, #tpu.memory_space<vmem>>
    %dma_wait3A_196 = arith.constant 0 : i32
    %dma_wait3A_197 = tpu.memref_slice %arg9[%dma_wait3A_196] : memref<10240xf32, #tpu.memory_space<vmem_shared>> -> memref<10240xf32, #tpu.memory_space<vmem_shared>>
    tpu.wait_indirect_dma semaphore(%arg8 : memref<!tpu.dma_semaphore, #tpu.memory_space<semaphore_mem>>) src(%arg7 : memref<125xf32, #tpu.memory_space<vmem>>) dst(%dma_wait3A_197 : memref<10240xf32, #tpu.memory_space<vmem_shared>>)
    %barrier3A_198 = arith.constant 0 : index
    tpu.barrier barrier_id(%barrier3A_198)
    %mul3A_199 = arith.constant 640 : i32
    %mul3A_200 = arith.muli %arg1, %mul3A_199 : i32
    %mul3A_201 = arith.constant 10240 : i32
    %mul3A_202 = arith.muli %arg0, %mul3A_201 : i32
    %mul3A_203 = arith.constant 640 : i32
    %mul3A_204 = arith.muli %arg1, %mul3A_203 : i32
    %add3A_205 = arith.addi %mul3A_202, %mul3A_204 : i32
    "tpu.region"() ({
      %run_scoped3A = tpu.sem_alloc : memref<!tpu.dma_semaphore, #tpu.memory_space<semaphore_mem>>
      %dma_start3A_206 = tpu.memref_slice %arg5[%add3A_205] : memref<20480xf32, #tpu.memory_space<hbm>> -> memref<640xf32, #tpu.memory_space<hbm>>
      %dma_start3A_207 = tpu.memref_slice %arg9[%mul3A_200] : memref<10240xf32, #tpu.memory_space<vmem_shared>> -> memref<640xf32, #tpu.memory_space<vmem_shared>>
      tpu.enqueue_dma source(%dma_start3A_207 : memref<640xf32, #tpu.memory_space<vmem_shared>>) target(%dma_start3A_206 : memref<640xf32, #tpu.memory_space<hbm>>) target_semaphore(%run_scoped3A : memref<!tpu.dma_semaphore, #tpu.memory_space<semaphore_mem>>)
      %dma_wait3A_208 = tpu.memref_slice %arg5[%add3A_205] : memref<20480xf32, #tpu.memory_space<hbm>> -> memref<640xf32, #tpu.memory_space<hbm>>
      %dma_wait3A_209 = tpu.memref_slice %arg9[%mul3A_200] : memref<10240xf32, #tpu.memory_space<vmem_shared>> -> memref<640xf32, #tpu.memory_space<vmem_shared>>
      tpu.wait_dma2 semaphore(%run_scoped3A : memref<!tpu.dma_semaphore, #tpu.memory_space<semaphore_mem>>) src(%dma_wait3A_209 : memref<640xf32, #tpu.memory_space<vmem_shared>>) dst(%dma_wait3A_208 : memref<640xf32, #tpu.memory_space<hbm>>)
      tpu.yield
    }) : () -> ()
    return
  }
}

#map = affine_map<(d0, d1) -> (0, 0)>
#map1 = affine_map<(d0, d1) -> (0, 0, 0)>
module attributes {stable_mosaic.version = 14 : i64} {
  func.func @prop_k(%arg0: i32, %arg1: i32, %arg2: memref<10000x128xf32, #tpu.memory_space<hbm>>, %arg3: memref<32x80x125xi32, #tpu.memory_space<hbm>>, %arg4: memref<32x80x125xi32, #tpu.memory_space<hbm>>, %arg5: memref<2x10240x128xf32, #tpu.memory_space<hbm>>, %arg6: memref<80x125xi32, #tpu.memory_space<vmem>>, %arg7: memref<125xi32, #tpu.memory_space<vmem>>, %arg8: memref<125xi32, #tpu.memory_space<vmem>>, %arg9: memref<125x128xf32, #tpu.memory_space<vmem>>, %arg10: memref<125x128xf32, #tpu.memory_space<vmem>>, %arg11: memref<!tpu.dma_semaphore, #tpu.memory_space<semaphore_mem>>, %arg12: memref<!tpu.dma_semaphore, #tpu.memory_space<semaphore_mem>>, %arg13: memref<!tpu.dma_semaphore, #tpu.memory_space<semaphore_mem>>, %arg14: memref<!tpu.dma_semaphore, #tpu.memory_space<semaphore_mem>>, %arg15: memref<10240x128xf32, #tpu.memory_space<vmem_shared>>) attributes {dimension_semantics = [#tpu.dimension_semantics<core_parallel>, #tpu.dimension_semantics<subcore_parallel>], iteration_bounds = array<i64: 2, 16>, scalar_prefetch = 0 : i64, scratch_operands = 10 : i64, tpu.core_type = #tpu.core_type<sc_vector_subcore>, window_params = [{transform_indices = #map}, {transform_indices = #map1}, {transform_indices = #map1}, {transform_indices = #map1}]} {
    %mul3A = arith.constant 16 : i32
    %mul3A_0 = arith.muli %arg0, %mul3A : i32
    %add3A = arith.addi %mul3A_0, %arg1 : i32
    %broadcast_in_dim3A = arith.constant 0.000000e+00 : f32
    %broadcast_in_dim3A_1 = vector.broadcast %broadcast_in_dim3A : f32 to vector<16xf32>
    %scan3A = arith.constant 0 : i32
    %scan3A_2 = arith.constant 0 : i32
    %scan3A_3 = arith.constant 120 : i32
    %scan3A_4 = arith.addi %scan3A_2, %scan3A_3 : i32
    %scan3A_5 = arith.constant 1 : i32
    scf.for %scan3A_98 = %scan3A_2 to %scan3A_4 step %scan3A_5  : i32 {
      %swap3A = arith.index_cast %scan3A_98 : i32 to index
      %swap3A_99 = arith.constant 0 : index
      %swap3A_100 = tpu.vector_load %arg9[%swap3A, %swap3A_99] {strides = array<i32>} : memref<125x128xf32, #tpu.memory_space<vmem>>, vector<1x16xf32>,
      %swap3A_101 = vector.shape_cast %swap3A_100 : vector<1x16xf32> to vector<16xf32>
      %swap3A_102 = vector.shape_cast %broadcast_in_dim3A_1 : vector<16xf32> to vector<1x16xf32>
      tpu.vector_store %arg9[%swap3A, %swap3A_99], %swap3A_102 {strides = array<i32>} : memref<125x128xf32, #tpu.memory_space<vmem>>, vector<1x16xf32>,
      %swap3A_103 = arith.index_cast %scan3A_98 : i32 to index
      %swap3A_104 = arith.constant 16 : index
      %swap3A_105 = tpu.vector_load %arg9[%swap3A_103, %swap3A_104] {strides = array<i32>} : memref<125x128xf32, #tpu.memory_space<vmem>>, vector<1x16xf32>,
      %swap3A_106 = vector.shape_cast %swap3A_105 : vector<1x16xf32> to vector<16xf32>
      %swap3A_107 = vector.shape_cast %broadcast_in_dim3A_1 : vector<16xf32> to vector<1x16xf32>
      tpu.vector_store %arg9[%swap3A_103, %swap3A_104], %swap3A_107 {strides = array<i32>} : memref<125x128xf32, #tpu.memory_space<vmem>>, vector<1x16xf32>,
      %swap3A_108 = arith.index_cast %scan3A_98 : i32 to index
      %swap3A_109 = arith.constant 32 : index
      %swap3A_110 = tpu.vector_load %arg9[%swap3A_108, %swap3A_109] {strides = array<i32>} : memref<125x128xf32, #tpu.memory_space<vmem>>, vector<1x16xf32>,
      %swap3A_111 = vector.shape_cast %swap3A_110 : vector<1x16xf32> to vector<16xf32>
      %swap3A_112 = vector.shape_cast %broadcast_in_dim3A_1 : vector<16xf32> to vector<1x16xf32>
      tpu.vector_store %arg9[%swap3A_108, %swap3A_109], %swap3A_112 {strides = array<i32>} : memref<125x128xf32, #tpu.memory_space<vmem>>, vector<1x16xf32>,
      %swap3A_113 = arith.index_cast %scan3A_98 : i32 to index
      %swap3A_114 = arith.constant 48 : index
      %swap3A_115 = tpu.vector_load %arg9[%swap3A_113, %swap3A_114] {strides = array<i32>} : memref<125x128xf32, #tpu.memory_space<vmem>>, vector<1x16xf32>,
      %swap3A_116 = vector.shape_cast %swap3A_115 : vector<1x16xf32> to vector<16xf32>
      %swap3A_117 = vector.shape_cast %broadcast_in_dim3A_1 : vector<16xf32> to vector<1x16xf32>
      tpu.vector_store %arg9[%swap3A_113, %swap3A_114], %swap3A_117 {strides = array<i32>} : memref<125x128xf32, #tpu.memory_space<vmem>>, vector<1x16xf32>,
      %swap3A_118 = arith.index_cast %scan3A_98 : i32 to index
      %swap3A_119 = arith.constant 64 : index
      %swap3A_120 = tpu.vector_load %arg9[%swap3A_118, %swap3A_119] {strides = array<i32>} : memref<125x128xf32, #tpu.memory_space<vmem>>, vector<1x16xf32>,
      %swap3A_121 = vector.shape_cast %swap3A_120 : vector<1x16xf32> to vector<16xf32>
      %swap3A_122 = vector.shape_cast %broadcast_in_dim3A_1 : vector<16xf32> to vector<1x16xf32>
      tpu.vector_store %arg9[%swap3A_118, %swap3A_119], %swap3A_122 {strides = array<i32>} : memref<125x128xf32, #tpu.memory_space<vmem>>, vector<1x16xf32>,
      %swap3A_123 = arith.index_cast %scan3A_98 : i32 to index
      %swap3A_124 = arith.constant 80 : index
      %swap3A_125 = tpu.vector_load %arg9[%swap3A_123, %swap3A_124] {strides = array<i32>} : memref<125x128xf32, #tpu.memory_space<vmem>>, vector<1x16xf32>,
      %swap3A_126 = vector.shape_cast %swap3A_125 : vector<1x16xf32> to vector<16xf32>
      %swap3A_127 = vector.shape_cast %broadcast_in_dim3A_1 : vector<16xf32> to vector<1x16xf32>
      tpu.vector_store %arg9[%swap3A_123, %swap3A_124], %swap3A_127 {strides = array<i32>} : memref<125x128xf32, #tpu.memory_space<vmem>>, vector<1x16xf32>,
      %swap3A_128 = arith.index_cast %scan3A_98 : i32 to index
      %swap3A_129 = arith.constant 96 : index
      %swap3A_130 = tpu.vector_load %arg9[%swap3A_128, %swap3A_129] {strides = array<i32>} : memref<125x128xf32, #tpu.memory_space<vmem>>, vector<1x16xf32>,
      %swap3A_131 = vector.shape_cast %swap3A_130 : vector<1x16xf32> to vector<16xf32>
      %swap3A_132 = vector.shape_cast %broadcast_in_dim3A_1 : vector<16xf32> to vector<1x16xf32>
      tpu.vector_store %arg9[%swap3A_128, %swap3A_129], %swap3A_132 {strides = array<i32>} : memref<125x128xf32, #tpu.memory_space<vmem>>, vector<1x16xf32>,
      %swap3A_133 = arith.index_cast %scan3A_98 : i32 to index
      %swap3A_134 = arith.constant 112 : index
      %swap3A_135 = tpu.vector_load %arg9[%swap3A_133, %swap3A_134] {strides = array<i32>} : memref<125x128xf32, #tpu.memory_space<vmem>>, vector<1x16xf32>,
      %swap3A_136 = vector.shape_cast %swap3A_135 : vector<1x16xf32> to vector<16xf32>
      %swap3A_137 = vector.shape_cast %broadcast_in_dim3A_1 : vector<16xf32> to vector<1x16xf32>
      tpu.vector_store %arg9[%swap3A_133, %swap3A_134], %swap3A_137 {strides = array<i32>} : memref<125x128xf32, #tpu.memory_space<vmem>>, vector<1x16xf32>,
    }
    %scan3A_6 = arith.constant 120 : i32
    %mul3A_7 = arith.constant 640 : i32
    %mul3A_8 = arith.muli %arg1, %mul3A_7 : i32
    %add3A_9 = arith.constant 0 : i32
    %add3A_10 = arith.addi %mul3A_8, %add3A_9 : i32
    "tpu.region"() ({
      %run_scoped3A = tpu.sem_alloc : memref<!tpu.dma_semaphore, #tpu.memory_space<semaphore_mem>>
      %dma_start3A_98 = arith.constant 0 : i32
      %dma_start3A_99 = arith.constant 0 : i32
      %dma_start3A_100 = tpu.memref_slice %arg9[%dma_start3A_98, %dma_start3A_99] : memref<125x128xf32, #tpu.memory_space<vmem>> -> memref<120x128xf32, #tpu.memory_space<vmem>>
      %dma_start3A_101 = arith.constant 0 : i32
      %dma_start3A_102 = tpu.memref_slice %arg15[%add3A_10, %dma_start3A_101] : memref<10240x128xf32, #tpu.memory_space<vmem_shared>> -> memref<120x128xf32, #tpu.memory_space<vmem_shared>>
      %dma_start3A_103 = arith.constant 0 : i32
      %dma_start3A_104 = tpu.memref_slice %arg15[%add3A_10, %dma_start3A_103] : memref<10240x128xf32, #tpu.memory_space<vmem_shared>> -> memref<120x128xf32, #tpu.memory_space<vmem_shared>>
      %dma_start3A_105 = arith.constant 0 : i32
      %dma_start3A_106 = arith.constant 0 : i32
      %dma_start3A_107 = tpu.memref_slice %arg9[%dma_start3A_105, %dma_start3A_106] : memref<125x128xf32, #tpu.memory_space<vmem>> -> memref<120x128xf32, #tpu.memory_space<vmem>>
      tpu.enqueue_dma source(%dma_start3A_107 : memref<120x128xf32, #tpu.memory_space<vmem>>) target(%dma_start3A_104 : memref<120x128xf32, #tpu.memory_space<vmem_shared>>) target_semaphore(%run_scoped3A : memref<!tpu.dma_semaphore, #tpu.memory_space<semaphore_mem>>)
      %dma_wait3A_108 = arith.constant 0 : i32
      %dma_wait3A_109 = arith.constant 0 : i32
      %dma_wait3A_110 = tpu.memref_slice %arg9[%dma_wait3A_108, %dma_wait3A_109] : memref<125x128xf32, #tpu.memory_space<vmem>> -> memref<120x128xf32, #tpu.memory_space<vmem>>
      %dma_wait3A_111 = arith.constant 0 : i32
      %dma_wait3A_112 = tpu.memref_slice %arg15[%add3A_10, %dma_wait3A_111] : memref<10240x128xf32, #tpu.memory_space<vmem_shared>> -> memref<120x128xf32, #tpu.memory_space<vmem_shared>>
      %dma_wait3A_113 = arith.constant 0 : i32
      %dma_wait3A_114 = tpu.memref_slice %arg15[%add3A_10, %dma_wait3A_113] : memref<10240x128xf32, #tpu.memory_space<vmem_shared>> -> memref<120x128xf32, #tpu.memory_space<vmem_shared>>
      %dma_wait3A_115 = arith.constant 0 : i32
      %dma_wait3A_116 = arith.constant 0 : i32
      %dma_wait3A_117 = tpu.memref_slice %arg9[%dma_wait3A_115, %dma_wait3A_116] : memref<125x128xf32, #tpu.memory_space<vmem>> -> memref<120x128xf32, #tpu.memory_space<vmem>>
      tpu.wait_dma2 semaphore(%run_scoped3A : memref<!tpu.dma_semaphore, #tpu.memory_space<semaphore_mem>>) src(%dma_wait3A_117 : memref<120x128xf32, #tpu.memory_space<vmem>>) dst(%dma_wait3A_114 : memref<120x128xf32, #tpu.memory_space<vmem_shared>>)
      tpu.yield
    }) : () -> ()
    %mul3A_11 = arith.constant 640 : i32
    %mul3A_12 = arith.muli %arg1, %mul3A_11 : i32
    %add3A_13 = arith.constant 120 : i32
    %add3A_14 = arith.addi %mul3A_12, %add3A_13 : i32
    "tpu.region"() ({
      %run_scoped3A = tpu.sem_alloc : memref<!tpu.dma_semaphore, #tpu.memory_space<semaphore_mem>>
      %dma_start3A_98 = arith.constant 0 : i32
      %dma_start3A_99 = arith.constant 0 : i32
      %dma_start3A_100 = tpu.memref_slice %arg9[%dma_start3A_98, %dma_start3A_99] : memref<125x128xf32, #tpu.memory_space<vmem>> -> memref<120x128xf32, #tpu.memory_space<vmem>>
      %dma_start3A_101 = arith.constant 0 : i32
      %dma_start3A_102 = tpu.memref_slice %arg15[%add3A_14, %dma_start3A_101] : memref<10240x128xf32, #tpu.memory_space<vmem_shared>> -> memref<120x128xf32, #tpu.memory_space<vmem_shared>>
      %dma_start3A_103 = arith.constant 0 : i32
      %dma_start3A_104 = tpu.memref_slice %arg15[%add3A_14, %dma_start3A_103] : memref<10240x128xf32, #tpu.memory_space<vmem_shared>> -> memref<120x128xf32, #tpu.memory_space<vmem_shared>>
      %dma_start3A_105 = arith.constant 0 : i32
      %dma_start3A_106 = arith.constant 0 : i32
      %dma_start3A_107 = tpu.memref_slice %arg9[%dma_start3A_105, %dma_start3A_106] : memref<125x128xf32, #tpu.memory_space<vmem>> -> memref<120x128xf32, #tpu.memory_space<vmem>>
      tpu.enqueue_dma source(%dma_start3A_107 : memref<120x128xf32, #tpu.memory_space<vmem>>) target(%dma_start3A_104 : memref<120x128xf32, #tpu.memory_space<vmem_shared>>) target_semaphore(%run_scoped3A : memref<!tpu.dma_semaphore, #tpu.memory_space<semaphore_mem>>)
      %dma_wait3A_108 = arith.constant 0 : i32
      %dma_wait3A_109 = arith.constant 0 : i32
      %dma_wait3A_110 = tpu.memref_slice %arg9[%dma_wait3A_108, %dma_wait3A_109] : memref<125x128xf32, #tpu.memory_space<vmem>> -> memref<120x128xf32, #tpu.memory_space<vmem>>
      %dma_wait3A_111 = arith.constant 0 : i32
      %dma_wait3A_112 = tpu.memref_slice %arg15[%add3A_14, %dma_wait3A_111] : memref<10240x128xf32, #tpu.memory_space<vmem_shared>> -> memref<120x128xf32, #tpu.memory_space<vmem_shared>>
      %dma_wait3A_113 = arith.constant 0 : i32
      %dma_wait3A_114 = tpu.memref_slice %arg15[%add3A_14, %dma_wait3A_113] : memref<10240x128xf32, #tpu.memory_space<vmem_shared>> -> memref<120x128xf32, #tpu.memory_space<vmem_shared>>
      %dma_wait3A_115 = arith.constant 0 : i32
      %dma_wait3A_116 = arith.constant 0 : i32
      %dma_wait3A_117 = tpu.memref_slice %arg9[%dma_wait3A_115, %dma_wait3A_116] : memref<125x128xf32, #tpu.memory_space<vmem>> -> memref<120x128xf32, #tpu.memory_space<vmem>>
      tpu.wait_dma2 semaphore(%run_scoped3A : memref<!tpu.dma_semaphore, #tpu.memory_space<semaphore_mem>>) src(%dma_wait3A_117 : memref<120x128xf32, #tpu.memory_space<vmem>>) dst(%dma_wait3A_114 : memref<120x128xf32, #tpu.memory_space<vmem_shared>>)
      tpu.yield
    }) : () -> ()
    %mul3A_15 = arith.constant 640 : i32
    %mul3A_16 = arith.muli %arg1, %mul3A_15 : i32
    %add3A_17 = arith.constant 240 : i32
    %add3A_18 = arith.addi %mul3A_16, %add3A_17 : i32
    "tpu.region"() ({
      %run_scoped3A = tpu.sem_alloc : memref<!tpu.dma_semaphore, #tpu.memory_space<semaphore_mem>>
      %dma_start3A_98 = arith.constant 0 : i32
      %dma_start3A_99 = arith.constant 0 : i32
      %dma_start3A_100 = tpu.memref_slice %arg9[%dma_start3A_98, %dma_start3A_99] : memref<125x128xf32, #tpu.memory_space<vmem>> -> memref<120x128xf32, #tpu.memory_space<vmem>>
      %dma_start3A_101 = arith.constant 0 : i32
      %dma_start3A_102 = tpu.memref_slice %arg15[%add3A_18, %dma_start3A_101] : memref<10240x128xf32, #tpu.memory_space<vmem_shared>> -> memref<120x128xf32, #tpu.memory_space<vmem_shared>>
      %dma_start3A_103 = arith.constant 0 : i32
      %dma_start3A_104 = tpu.memref_slice %arg15[%add3A_18, %dma_start3A_103] : memref<10240x128xf32, #tpu.memory_space<vmem_shared>> -> memref<120x128xf32, #tpu.memory_space<vmem_shared>>
      %dma_start3A_105 = arith.constant 0 : i32
      %dma_start3A_106 = arith.constant 0 : i32
      %dma_start3A_107 = tpu.memref_slice %arg9[%dma_start3A_105, %dma_start3A_106] : memref<125x128xf32, #tpu.memory_space<vmem>> -> memref<120x128xf32, #tpu.memory_space<vmem>>
      tpu.enqueue_dma source(%dma_start3A_107 : memref<120x128xf32, #tpu.memory_space<vmem>>) target(%dma_start3A_104 : memref<120x128xf32, #tpu.memory_space<vmem_shared>>) target_semaphore(%run_scoped3A : memref<!tpu.dma_semaphore, #tpu.memory_space<semaphore_mem>>)
      %dma_wait3A_108 = arith.constant 0 : i32
      %dma_wait3A_109 = arith.constant 0 : i32
      %dma_wait3A_110 = tpu.memref_slice %arg9[%dma_wait3A_108, %dma_wait3A_109] : memref<125x128xf32, #tpu.memory_space<vmem>> -> memref<120x128xf32, #tpu.memory_space<vmem>>
      %dma_wait3A_111 = arith.constant 0 : i32
      %dma_wait3A_112 = tpu.memref_slice %arg15[%add3A_18, %dma_wait3A_111] : memref<10240x128xf32, #tpu.memory_space<vmem_shared>> -> memref<120x128xf32, #tpu.memory_space<vmem_shared>>
      %dma_wait3A_113 = arith.constant 0 : i32
      %dma_wait3A_114 = tpu.memref_slice %arg15[%add3A_18, %dma_wait3A_113] : memref<10240x128xf32, #tpu.memory_space<vmem_shared>> -> memref<120x128xf32, #tpu.memory_space<vmem_shared>>
      %dma_wait3A_115 = arith.constant 0 : i32
      %dma_wait3A_116 = arith.constant 0 : i32
      %dma_wait3A_117 = tpu.memref_slice %arg9[%dma_wait3A_115, %dma_wait3A_116] : memref<125x128xf32, #tpu.memory_space<vmem>> -> memref<120x128xf32, #tpu.memory_space<vmem>>
      tpu.wait_dma2 semaphore(%run_scoped3A : memref<!tpu.dma_semaphore, #tpu.memory_space<semaphore_mem>>) src(%dma_wait3A_117 : memref<120x128xf32, #tpu.memory_space<vmem>>) dst(%dma_wait3A_114 : memref<120x128xf32, #tpu.memory_space<vmem_shared>>)
      tpu.yield
    }) : () -> ()
    %mul3A_19 = arith.constant 640 : i32
    %mul3A_20 = arith.muli %arg1, %mul3A_19 : i32
    %add3A_21 = arith.constant 360 : i32
    %add3A_22 = arith.addi %mul3A_20, %add3A_21 : i32
    "tpu.region"() ({
      %run_scoped3A = tpu.sem_alloc : memref<!tpu.dma_semaphore, #tpu.memory_space<semaphore_mem>>
      %dma_start3A_98 = arith.constant 0 : i32
      %dma_start3A_99 = arith.constant 0 : i32
      %dma_start3A_100 = tpu.memref_slice %arg9[%dma_start3A_98, %dma_start3A_99] : memref<125x128xf32, #tpu.memory_space<vmem>> -> memref<120x128xf32, #tpu.memory_space<vmem>>
      %dma_start3A_101 = arith.constant 0 : i32
      %dma_start3A_102 = tpu.memref_slice %arg15[%add3A_22, %dma_start3A_101] : memref<10240x128xf32, #tpu.memory_space<vmem_shared>> -> memref<120x128xf32, #tpu.memory_space<vmem_shared>>
      %dma_start3A_103 = arith.constant 0 : i32
      %dma_start3A_104 = tpu.memref_slice %arg15[%add3A_22, %dma_start3A_103] : memref<10240x128xf32, #tpu.memory_space<vmem_shared>> -> memref<120x128xf32, #tpu.memory_space<vmem_shared>>
      %dma_start3A_105 = arith.constant 0 : i32
      %dma_start3A_106 = arith.constant 0 : i32
      %dma_start3A_107 = tpu.memref_slice %arg9[%dma_start3A_105, %dma_start3A_106] : memref<125x128xf32, #tpu.memory_space<vmem>> -> memref<120x128xf32, #tpu.memory_space<vmem>>
      tpu.enqueue_dma source(%dma_start3A_107 : memref<120x128xf32, #tpu.memory_space<vmem>>) target(%dma_start3A_104 : memref<120x128xf32, #tpu.memory_space<vmem_shared>>) target_semaphore(%run_scoped3A : memref<!tpu.dma_semaphore, #tpu.memory_space<semaphore_mem>>)
      %dma_wait3A_108 = arith.constant 0 : i32
      %dma_wait3A_109 = arith.constant 0 : i32
      %dma_wait3A_110 = tpu.memref_slice %arg9[%dma_wait3A_108, %dma_wait3A_109] : memref<125x128xf32, #tpu.memory_space<vmem>> -> memref<120x128xf32, #tpu.memory_space<vmem>>
      %dma_wait3A_111 = arith.constant 0 : i32
      %dma_wait3A_112 = tpu.memref_slice %arg15[%add3A_22, %dma_wait3A_111] : memref<10240x128xf32, #tpu.memory_space<vmem_shared>> -> memref<120x128xf32, #tpu.memory_space<vmem_shared>>
      %dma_wait3A_113 = arith.constant 0 : i32
      %dma_wait3A_114 = tpu.memref_slice %arg15[%add3A_22, %dma_wait3A_113] : memref<10240x128xf32, #tpu.memory_space<vmem_shared>> -> memref<120x128xf32, #tpu.memory_space<vmem_shared>>
      %dma_wait3A_115 = arith.constant 0 : i32
      %dma_wait3A_116 = arith.constant 0 : i32
      %dma_wait3A_117 = tpu.memref_slice %arg9[%dma_wait3A_115, %dma_wait3A_116] : memref<125x128xf32, #tpu.memory_space<vmem>> -> memref<120x128xf32, #tpu.memory_space<vmem>>
      tpu.wait_dma2 semaphore(%run_scoped3A : memref<!tpu.dma_semaphore, #tpu.memory_space<semaphore_mem>>) src(%dma_wait3A_117 : memref<120x128xf32, #tpu.memory_space<vmem>>) dst(%dma_wait3A_114 : memref<120x128xf32, #tpu.memory_space<vmem_shared>>)
      tpu.yield
    }) : () -> ()
    %mul3A_23 = arith.constant 640 : i32
    %mul3A_24 = arith.muli %arg1, %mul3A_23 : i32
    %add3A_25 = arith.constant 480 : i32
    %add3A_26 = arith.addi %mul3A_24, %add3A_25 : i32
    "tpu.region"() ({
      %run_scoped3A = tpu.sem_alloc : memref<!tpu.dma_semaphore, #tpu.memory_space<semaphore_mem>>
      %dma_start3A_98 = arith.constant 0 : i32
      %dma_start3A_99 = arith.constant 0 : i32
      %dma_start3A_100 = tpu.memref_slice %arg9[%dma_start3A_98, %dma_start3A_99] : memref<125x128xf32, #tpu.memory_space<vmem>> -> memref<120x128xf32, #tpu.memory_space<vmem>>
      %dma_start3A_101 = arith.constant 0 : i32
      %dma_start3A_102 = tpu.memref_slice %arg15[%add3A_26, %dma_start3A_101] : memref<10240x128xf32, #tpu.memory_space<vmem_shared>> -> memref<120x128xf32, #tpu.memory_space<vmem_shared>>
      %dma_start3A_103 = arith.constant 0 : i32
      %dma_start3A_104 = tpu.memref_slice %arg15[%add3A_26, %dma_start3A_103] : memref<10240x128xf32, #tpu.memory_space<vmem_shared>> -> memref<120x128xf32, #tpu.memory_space<vmem_shared>>
      %dma_start3A_105 = arith.constant 0 : i32
      %dma_start3A_106 = arith.constant 0 : i32
      %dma_start3A_107 = tpu.memref_slice %arg9[%dma_start3A_105, %dma_start3A_106] : memref<125x128xf32, #tpu.memory_space<vmem>> -> memref<120x128xf32, #tpu.memory_space<vmem>>
      tpu.enqueue_dma source(%dma_start3A_107 : memref<120x128xf32, #tpu.memory_space<vmem>>) target(%dma_start3A_104 : memref<120x128xf32, #tpu.memory_space<vmem_shared>>) target_semaphore(%run_scoped3A : memref<!tpu.dma_semaphore, #tpu.memory_space<semaphore_mem>>)
      %dma_wait3A_108 = arith.constant 0 : i32
      %dma_wait3A_109 = arith.constant 0 : i32
      %dma_wait3A_110 = tpu.memref_slice %arg9[%dma_wait3A_108, %dma_wait3A_109] : memref<125x128xf32, #tpu.memory_space<vmem>> -> memref<120x128xf32, #tpu.memory_space<vmem>>
      %dma_wait3A_111 = arith.constant 0 : i32
      %dma_wait3A_112 = tpu.memref_slice %arg15[%add3A_26, %dma_wait3A_111] : memref<10240x128xf32, #tpu.memory_space<vmem_shared>> -> memref<120x128xf32, #tpu.memory_space<vmem_shared>>
      %dma_wait3A_113 = arith.constant 0 : i32
      %dma_wait3A_114 = tpu.memref_slice %arg15[%add3A_26, %dma_wait3A_113] : memref<10240x128xf32, #tpu.memory_space<vmem_shared>> -> memref<120x128xf32, #tpu.memory_space<vmem_shared>>
      %dma_wait3A_115 = arith.constant 0 : i32
      %dma_wait3A_116 = arith.constant 0 : i32
      %dma_wait3A_117 = tpu.memref_slice %arg9[%dma_wait3A_115, %dma_wait3A_116] : memref<125x128xf32, #tpu.memory_space<vmem>> -> memref<120x128xf32, #tpu.memory_space<vmem>>
      tpu.wait_dma2 semaphore(%run_scoped3A : memref<!tpu.dma_semaphore, #tpu.memory_space<semaphore_mem>>) src(%dma_wait3A_117 : memref<120x128xf32, #tpu.memory_space<vmem>>) dst(%dma_wait3A_114 : memref<120x128xf32, #tpu.memory_space<vmem_shared>>)
      tpu.yield
    }) : () -> ()
    %mul3A_27 = arith.constant 640 : i32
    %mul3A_28 = arith.muli %arg1, %mul3A_27 : i32
    %add3A_29 = arith.constant 600 : i32
    %add3A_30 = arith.addi %mul3A_28, %add3A_29 : i32
    "tpu.region"() ({
      %run_scoped3A = tpu.sem_alloc : memref<!tpu.dma_semaphore, #tpu.memory_space<semaphore_mem>>
      %dma_start3A_98 = arith.constant 0 : i32
      %dma_start3A_99 = arith.constant 0 : i32
      %dma_start3A_100 = tpu.memref_slice %arg9[%dma_start3A_98, %dma_start3A_99] : memref<125x128xf32, #tpu.memory_space<vmem>> -> memref<40x128xf32, #tpu.memory_space<vmem>>
      %dma_start3A_101 = arith.constant 0 : i32
      %dma_start3A_102 = tpu.memref_slice %arg15[%add3A_30, %dma_start3A_101] : memref<10240x128xf32, #tpu.memory_space<vmem_shared>> -> memref<40x128xf32, #tpu.memory_space<vmem_shared>>
      %dma_start3A_103 = arith.constant 0 : i32
      %dma_start3A_104 = tpu.memref_slice %arg15[%add3A_30, %dma_start3A_103] : memref<10240x128xf32, #tpu.memory_space<vmem_shared>> -> memref<40x128xf32, #tpu.memory_space<vmem_shared>>
      %dma_start3A_105 = arith.constant 0 : i32
      %dma_start3A_106 = arith.constant 0 : i32
      %dma_start3A_107 = tpu.memref_slice %arg9[%dma_start3A_105, %dma_start3A_106] : memref<125x128xf32, #tpu.memory_space<vmem>> -> memref<40x128xf32, #tpu.memory_space<vmem>>
      tpu.enqueue_dma source(%dma_start3A_107 : memref<40x128xf32, #tpu.memory_space<vmem>>) target(%dma_start3A_104 : memref<40x128xf32, #tpu.memory_space<vmem_shared>>) target_semaphore(%run_scoped3A : memref<!tpu.dma_semaphore, #tpu.memory_space<semaphore_mem>>)
      %dma_wait3A_108 = arith.constant 0 : i32
      %dma_wait3A_109 = arith.constant 0 : i32
      %dma_wait3A_110 = tpu.memref_slice %arg9[%dma_wait3A_108, %dma_wait3A_109] : memref<125x128xf32, #tpu.memory_space<vmem>> -> memref<40x128xf32, #tpu.memory_space<vmem>>
      %dma_wait3A_111 = arith.constant 0 : i32
      %dma_wait3A_112 = tpu.memref_slice %arg15[%add3A_30, %dma_wait3A_111] : memref<10240x128xf32, #tpu.memory_space<vmem_shared>> -> memref<40x128xf32, #tpu.memory_space<vmem_shared>>
      %dma_wait3A_113 = arith.constant 0 : i32
      %dma_wait3A_114 = tpu.memref_slice %arg15[%add3A_30, %dma_wait3A_113] : memref<10240x128xf32, #tpu.memory_space<vmem_shared>> -> memref<40x128xf32, #tpu.memory_space<vmem_shared>>
      %dma_wait3A_115 = arith.constant 0 : i32
      %dma_wait3A_116 = arith.constant 0 : i32
      %dma_wait3A_117 = tpu.memref_slice %arg9[%dma_wait3A_115, %dma_wait3A_116] : memref<125x128xf32, #tpu.memory_space<vmem>> -> memref<40x128xf32, #tpu.memory_space<vmem>>
      tpu.wait_dma2 semaphore(%run_scoped3A : memref<!tpu.dma_semaphore, #tpu.memory_space<semaphore_mem>>) src(%dma_wait3A_117 : memref<40x128xf32, #tpu.memory_space<vmem>>) dst(%dma_wait3A_114 : memref<40x128xf32, #tpu.memory_space<vmem_shared>>)
      tpu.yield
    }) : () -> ()
    "tpu.region"() ({
      %run_scoped3A = tpu.sem_alloc : memref<!tpu.dma_semaphore, #tpu.memory_space<semaphore_mem>>
      %dma_start3A_98 = arith.constant 0 : i32
      %dma_start3A_99 = arith.constant 0 : i32
      %dma_start3A_100 = tpu.memref_slice %arg3[%add3A, %dma_start3A_98, %dma_start3A_99] : memref<32x80x125xi32, #tpu.memory_space<hbm>> -> memref<1x80x125xi32, #tpu.memory_space<hbm>>
      %dma_start3A_101 = tpu.memref_squeeze %dma_start3A_100 : memref<1x80x125xi32, #tpu.memory_space<hbm>> -> memref<80x125xi32, #tpu.memory_space<hbm>>
      %dma_start3A_102 = arith.constant 0 : i32
      %dma_start3A_103 = arith.constant 0 : i32
      %dma_start3A_104 = tpu.memref_slice %arg3[%add3A, %dma_start3A_102, %dma_start3A_103] : memref<32x80x125xi32, #tpu.memory_space<hbm>> -> memref<1x80x125xi32, #tpu.memory_space<hbm>>
      %dma_start3A_105 = tpu.memref_squeeze %dma_start3A_104 : memref<1x80x125xi32, #tpu.memory_space<hbm>> -> memref<80x125xi32, #tpu.memory_space<hbm>>
      tpu.enqueue_dma source(%dma_start3A_105 : memref<80x125xi32, #tpu.memory_space<hbm>>) target(%arg6 : memref<80x125xi32, #tpu.memory_space<vmem>>) target_semaphore(%run_scoped3A : memref<!tpu.dma_semaphore, #tpu.memory_space<semaphore_mem>>)
      %dma_wait3A_106 = arith.constant 0 : i32
      %dma_wait3A_107 = arith.constant 0 : i32
      %dma_wait3A_108 = tpu.memref_slice %arg3[%add3A, %dma_wait3A_106, %dma_wait3A_107] : memref<32x80x125xi32, #tpu.memory_space<hbm>> -> memref<1x80x125xi32, #tpu.memory_space<hbm>>
      %dma_wait3A_109 = tpu.memref_squeeze %dma_wait3A_108 : memref<1x80x125xi32, #tpu.memory_space<hbm>> -> memref<80x125xi32, #tpu.memory_space<hbm>>
      %dma_wait3A_110 = arith.constant 0 : i32
      %dma_wait3A_111 = arith.constant 0 : i32
      %dma_wait3A_112 = tpu.memref_slice %arg3[%add3A, %dma_wait3A_110, %dma_wait3A_111] : memref<32x80x125xi32, #tpu.memory_space<hbm>> -> memref<1x80x125xi32, #tpu.memory_space<hbm>>
      %dma_wait3A_113 = tpu.memref_squeeze %dma_wait3A_112 : memref<1x80x125xi32, #tpu.memory_space<hbm>> -> memref<80x125xi32, #tpu.memory_space<hbm>>
      tpu.wait_dma2 semaphore(%run_scoped3A : memref<!tpu.dma_semaphore, #tpu.memory_space<semaphore_mem>>) src(%dma_wait3A_113 : memref<80x125xi32, #tpu.memory_space<hbm>>) dst(%arg6 : memref<80x125xi32, #tpu.memory_space<vmem>>)
      tpu.yield
    }) : () -> ()
    %barrier3A = arith.constant 0 : index
    tpu.barrier barrier_id(%barrier3A)
    %dma_start3A = arith.constant 0 : i32
    %dma_start3A_31 = arith.constant 0 : i32
    %dma_start3A_32 = tpu.memref_slice %arg6[%dma_start3A, %dma_start3A_31] : memref<80x125xi32, #tpu.memory_space<vmem>> -> memref<1x125xi32, #tpu.memory_space<vmem>>
    %dma_start3A_33 = tpu.memref_squeeze %dma_start3A_32 : memref<1x125xi32, #tpu.memory_space<vmem>> -> memref<125xi32, #tpu.memory_space<vmem>>
    %dma_start3A_34 = arith.constant 0 : i32
    %dma_start3A_35 = arith.constant 0 : i32
    %dma_start3A_36 = tpu.memref_slice %arg2[%dma_start3A_34, %dma_start3A_35] : memref<10000x128xf32, #tpu.memory_space<hbm>> -> memref<10000x128xf32, #tpu.memory_space<hbm>>
    tpu.enqueue_indirect_dma source(%dma_start3A_36 : memref<10000x128xf32, #tpu.memory_space<hbm>>) target(%arg9 : memref<125x128xf32, #tpu.memory_space<vmem>>) offsets(%dma_start3A_33 : memref<125xi32, #tpu.memory_space<vmem>>) semaphore(%arg11 : memref<!tpu.dma_semaphore, #tpu.memory_space<semaphore_mem>>)
    %dma_start3A_37 = arith.constant 1 : i32
    %dma_start3A_38 = arith.constant 0 : i32
    %dma_start3A_39 = tpu.memref_slice %arg6[%dma_start3A_37, %dma_start3A_38] : memref<80x125xi32, #tpu.memory_space<vmem>> -> memref<1x125xi32, #tpu.memory_space<vmem>>
    %dma_start3A_40 = tpu.memref_squeeze %dma_start3A_39 : memref<1x125xi32, #tpu.memory_space<vmem>> -> memref<125xi32, #tpu.memory_space<vmem>>
    %dma_start3A_41 = arith.constant 0 : i32
    %dma_start3A_42 = arith.constant 0 : i32
    %dma_start3A_43 = tpu.memref_slice %arg2[%dma_start3A_41, %dma_start3A_42] : memref<10000x128xf32, #tpu.memory_space<hbm>> -> memref<10000x128xf32, #tpu.memory_space<hbm>>
    tpu.enqueue_indirect_dma source(%dma_start3A_43 : memref<10000x128xf32, #tpu.memory_space<hbm>>) target(%arg10 : memref<125x128xf32, #tpu.memory_space<vmem>>) offsets(%dma_start3A_40 : memref<125xi32, #tpu.memory_space<vmem>>) semaphore(%arg12 : memref<!tpu.dma_semaphore, #tpu.memory_space<semaphore_mem>>)
    %dma_start3A_44 = arith.constant 0 : i32
    %dma_start3A_45 = arith.constant 0 : i32
    %dma_start3A_46 = tpu.memref_slice %arg4[%add3A, %dma_start3A_44, %dma_start3A_45] : memref<32x80x125xi32, #tpu.memory_space<hbm>> -> memref<1x1x125xi32, #tpu.memory_space<hbm>>
    %dma_start3A_47 = tpu.memref_squeeze %dma_start3A_46 : memref<1x1x125xi32, #tpu.memory_space<hbm>> -> memref<125xi32, #tpu.memory_space<hbm>>
    %dma_start3A_48 = arith.constant 0 : i32
    %dma_start3A_49 = tpu.memref_slice %arg4[%add3A, %dma_start3A_44, %dma_start3A_48] : memref<32x80x125xi32, #tpu.memory_space<hbm>> -> memref<1x1x125xi32, #tpu.memory_space<hbm>>
    %dma_start3A_50 = tpu.memref_squeeze %dma_start3A_49 : memref<1x1x125xi32, #tpu.memory_space<hbm>> -> memref<125xi32, #tpu.memory_space<hbm>>
    tpu.enqueue_dma source(%dma_start3A_50 : memref<125xi32, #tpu.memory_space<hbm>>) target(%arg7 : memref<125xi32, #tpu.memory_space<vmem>>) target_semaphore(%arg13 : memref<!tpu.dma_semaphore, #tpu.memory_space<semaphore_mem>>)
    %dma_start3A_51 = arith.constant 1 : i32
    %dma_start3A_52 = arith.constant 0 : i32
    %dma_start3A_53 = tpu.memref_slice %arg4[%add3A, %dma_start3A_51, %dma_start3A_52] : memref<32x80x125xi32, #tpu.memory_space<hbm>> -> memref<1x1x125xi32, #tpu.memory_space<hbm>>
    %dma_start3A_54 = tpu.memref_squeeze %dma_start3A_53 : memref<1x1x125xi32, #tpu.memory_space<hbm>> -> memref<125xi32, #tpu.memory_space<hbm>>
    %dma_start3A_55 = arith.constant 0 : i32
    %dma_start3A_56 = tpu.memref_slice %arg4[%add3A, %dma_start3A_51, %dma_start3A_55] : memref<32x80x125xi32, #tpu.memory_space<hbm>> -> memref<1x1x125xi32, #tpu.memory_space<hbm>>
    %dma_start3A_57 = tpu.memref_squeeze %dma_start3A_56 : memref<1x1x125xi32, #tpu.memory_space<hbm>> -> memref<125xi32, #tpu.memory_space<hbm>>
    tpu.enqueue_dma source(%dma_start3A_57 : memref<125xi32, #tpu.memory_space<hbm>>) target(%arg8 : memref<125xi32, #tpu.memory_space<vmem>>) target_semaphore(%arg14 : memref<!tpu.dma_semaphore, #tpu.memory_space<semaphore_mem>>)
    %scan3A_58 = arith.constant 0 : i32
    %scan3A_59 = arith.constant 0 : i32
    %scan3A_60 = arith.constant 40 : i32
    %scan3A_61 = arith.addi %scan3A_59, %scan3A_60 : i32
    %scan3A_62 = arith.constant 1 : i32
    scf.for %scan3A_98 = %scan3A_59 to %scan3A_61 step %scan3A_62  : i32 {
      %mul3A_99 = arith.constant 2 : i32
      %mul3A_100 = arith.muli %mul3A_99, %scan3A_98 : i32
      %add3A_101 = arith.constant 2 : i32
      %add3A_102 = arith.addi %mul3A_100, %add3A_101 : i32
      %min3A = arith.constant 79 : i32
      %min3A_103 = arith.minsi %add3A_102, %min3A : i32
      %mul3A_104 = arith.constant 2 : i32
      %mul3A_105 = arith.muli %mul3A_104, %scan3A_98 : i32
      %add3A_106 = arith.constant 3 : i32
      %add3A_107 = arith.addi %mul3A_105, %add3A_106 : i32
      %min3A_108 = arith.constant 79 : i32
      %min3A_109 = arith.minsi %add3A_107, %min3A_108 : i32
      %mul3A_110 = arith.constant 2 : i32
      %mul3A_111 = arith.muli %mul3A_110, %scan3A_98 : i32
      %dma_wait3A_112 = arith.constant 0 : i32
      %dma_wait3A_113 = tpu.memref_slice %arg6[%mul3A_111, %dma_wait3A_112] : memref<80x125xi32, #tpu.memory_space<vmem>> -> memref<1x125xi32, #tpu.memory_space<vmem>>
      %dma_wait3A_114 = tpu.memref_squeeze %dma_wait3A_113 : memref<1x125xi32, #tpu.memory_space<vmem>> -> memref<125xi32, #tpu.memory_space<vmem>>
      %dma_wait3A_115 = arith.constant 0 : i32
      %dma_wait3A_116 = arith.constant 0 : i32
      %dma_wait3A_117 = tpu.memref_slice %arg2[%dma_wait3A_115, %dma_wait3A_116] : memref<10000x128xf32, #tpu.memory_space<hbm>> -> memref<10000x128xf32, #tpu.memory_space<hbm>>
      tpu.wait_indirect_dma semaphore(%arg11 : memref<!tpu.dma_semaphore, #tpu.memory_space<semaphore_mem>>) src(%dma_wait3A_117 : memref<10000x128xf32, #tpu.memory_space<hbm>>) dst(%arg9 : memref<125x128xf32, #tpu.memory_space<vmem>>)
      %dma_wait3A_118 = arith.constant 0 : i32
      %dma_wait3A_119 = arith.constant 0 : i32
      %dma_wait3A_120 = arith.constant 0 : i32
      %dma_wait3A_121 = tpu.memref_slice %arg4[%dma_wait3A_118, %dma_wait3A_119, %dma_wait3A_120] : memref<32x80x125xi32, #tpu.memory_space<hbm>> -> memref<1x1x125xi32, #tpu.memory_space<hbm>>
      %dma_wait3A_122 = tpu.memref_squeeze %dma_wait3A_121 : memref<1x1x125xi32, #tpu.memory_space<hbm>> -> memref<125xi32, #tpu.memory_space<hbm>>
      %dma_wait3A_123 = arith.constant 0 : i32
      %dma_wait3A_124 = tpu.memref_slice %arg4[%dma_wait3A_118, %dma_wait3A_119, %dma_wait3A_123] : memref<32x80x125xi32, #tpu.memory_space<hbm>> -> memref<1x1x125xi32, #tpu.memory_space<hbm>>
      %dma_wait3A_125 = tpu.memref_squeeze %dma_wait3A_124 : memref<1x1x125xi32, #tpu.memory_space<hbm>> -> memref<125xi32, #tpu.memory_space<hbm>>
      tpu.wait_dma2 semaphore(%arg13 : memref<!tpu.dma_semaphore, #tpu.memory_space<semaphore_mem>>) src(%dma_wait3A_125 : memref<125xi32, #tpu.memory_space<hbm>>) dst(%arg7 : memref<125xi32, #tpu.memory_space<vmem>>)
      "tpu.region"() ({
        %run_scoped3A = tpu.sem_alloc : memref<!tpu.dma_semaphore, #tpu.memory_space<semaphore_mem>>
        %dma_start3A_168 = arith.constant 0 : i32
        %dma_start3A_169 = arith.constant 0 : i32
        %dma_start3A_170 = tpu.memref_slice %arg15[%dma_start3A_168, %dma_start3A_169] : memref<10240x128xf32, #tpu.memory_space<vmem_shared>> -> memref<10240x128xf32, #tpu.memory_space<vmem_shared>>
        tpu.enqueue_indirect_dma source(%arg9 : memref<125x128xf32, #tpu.memory_space<vmem>>) target(%dma_start3A_170 : memref<10240x128xf32, #tpu.memory_space<vmem_shared>>) offsets(%arg7 : memref<125xi32, #tpu.memory_space<vmem>>) semaphore(%run_scoped3A : memref<!tpu.dma_semaphore, #tpu.memory_space<semaphore_mem>>) {add = true}
        %dma_wait3A_171 = arith.constant 0 : i32
        %dma_wait3A_172 = arith.constant 0 : i32
        %dma_wait3A_173 = tpu.memref_slice %arg15[%dma_wait3A_171, %dma_wait3A_172] : memref<10240x128xf32, #tpu.memory_space<vmem_shared>> -> memref<10240x128xf32, #tpu.memory_space<vmem_shared>>
        tpu.wait_indirect_dma semaphore(%run_scoped3A : memref<!tpu.dma_semaphore, #tpu.memory_space<semaphore_mem>>) src(%arg9 : memref<125x128xf32, #tpu.memory_space<vmem>>) dst(%dma_wait3A_173 : memref<10240x128xf32, #tpu.memory_space<vmem_shared>>)
        tpu.yield
      }) : () -> ()
      %dma_start3A_126 = arith.constant 0 : i32
      %dma_start3A_127 = tpu.memref_slice %arg6[%min3A_103, %dma_start3A_126] : memref<80x125xi32, #tpu.memory_space<vmem>> -> memref<1x125xi32, #tpu.memory_space<vmem>>
      %dma_start3A_128 = tpu.memref_squeeze %dma_start3A_127 : memref<1x125xi32, #tpu.memory_space<vmem>> -> memref<125xi32, #tpu.memory_space<vmem>>
      %dma_start3A_129 = arith.constant 0 : i32
      %dma_start3A_130 = arith.constant 0 : i32
      %dma_start3A_131 = tpu.memref_slice %arg2[%dma_start3A_129, %dma_start3A_130] : memref<10000x128xf32, #tpu.memory_space<hbm>> -> memref<10000x128xf32, #tpu.memory_space<hbm>>
      tpu.enqueue_indirect_dma source(%dma_start3A_131 : memref<10000x128xf32, #tpu.memory_space<hbm>>) target(%arg9 : memref<125x128xf32, #tpu.memory_space<vmem>>) offsets(%dma_start3A_128 : memref<125xi32, #tpu.memory_space<vmem>>) semaphore(%arg11 : memref<!tpu.dma_semaphore, #tpu.memory_space<semaphore_mem>>)
      %dma_start3A_132 = arith.constant 0 : i32
      %dma_start3A_133 = tpu.memref_slice %arg4[%add3A, %min3A_103, %dma_start3A_132] : memref<32x80x125xi32, #tpu.memory_space<hbm>> -> memref<1x1x125xi32, #tpu.memory_space<hbm>>
      %dma_start3A_134 = tpu.memref_squeeze %dma_start3A_133 : memref<1x1x125xi32, #tpu.memory_space<hbm>> -> memref<125xi32, #tpu.memory_space<hbm>>
      %dma_start3A_135 = arith.constant 0 : i32
      %dma_start3A_136 = tpu.memref_slice %arg4[%add3A, %min3A_103, %dma_start3A_135] : memref<32x80x125xi32, #tpu.memory_space<hbm>> -> memref<1x1x125xi32, #tpu.memory_space<hbm>>
      %dma_start3A_137 = tpu.memref_squeeze %dma_start3A_136 : memref<1x1x125xi32, #tpu.memory_space<hbm>> -> memref<125xi32, #tpu.memory_space<hbm>>
      tpu.enqueue_dma source(%dma_start3A_137 : memref<125xi32, #tpu.memory_space<hbm>>) target(%arg7 : memref<125xi32, #tpu.memory_space<vmem>>) target_semaphore(%arg13 : memref<!tpu.dma_semaphore, #tpu.memory_space<semaphore_mem>>)
      %mul3A_138 = arith.constant 2 : i32
      %mul3A_139 = arith.muli %mul3A_138, %scan3A_98 : i32
      %add3A_140 = arith.constant 1 : i32
      %add3A_141 = arith.addi %mul3A_139, %add3A_140 : i32
      %dma_wait3A_142 = arith.constant 0 : i32
      %dma_wait3A_143 = tpu.memref_slice %arg6[%add3A_141, %dma_wait3A_142] : memref<80x125xi32, #tpu.memory_space<vmem>> -> memref<1x125xi32, #tpu.memory_space<vmem>>
      %dma_wait3A_144 = tpu.memref_squeeze %dma_wait3A_143 : memref<1x125xi32, #tpu.memory_space<vmem>> -> memref<125xi32, #tpu.memory_space<vmem>>
      %dma_wait3A_145 = arith.constant 0 : i32
      %dma_wait3A_146 = arith.constant 0 : i32
      %dma_wait3A_147 = tpu.memref_slice %arg2[%dma_wait3A_145, %dma_wait3A_146] : memref<10000x128xf32, #tpu.memory_space<hbm>> -> memref<10000x128xf32, #tpu.memory_space<hbm>>
      tpu.wait_indirect_dma semaphore(%arg12 : memref<!tpu.dma_semaphore, #tpu.memory_space<semaphore_mem>>) src(%dma_wait3A_147 : memref<10000x128xf32, #tpu.memory_space<hbm>>) dst(%arg10 : memref<125x128xf32, #tpu.memory_space<vmem>>)
      %dma_wait3A_148 = arith.constant 0 : i32
      %dma_wait3A_149 = arith.constant 0 : i32
      %dma_wait3A_150 = arith.constant 0 : i32
      %dma_wait3A_151 = tpu.memref_slice %arg4[%dma_wait3A_148, %dma_wait3A_149, %dma_wait3A_150] : memref<32x80x125xi32, #tpu.memory_space<hbm>> -> memref<1x1x125xi32, #tpu.memory_space<hbm>>
      %dma_wait3A_152 = tpu.memref_squeeze %dma_wait3A_151 : memref<1x1x125xi32, #tpu.memory_space<hbm>> -> memref<125xi32, #tpu.memory_space<hbm>>
      %dma_wait3A_153 = arith.constant 0 : i32
      %dma_wait3A_154 = tpu.memref_slice %arg4[%dma_wait3A_148, %dma_wait3A_149, %dma_wait3A_153] : memref<32x80x125xi32, #tpu.memory_space<hbm>> -> memref<1x1x125xi32, #tpu.memory_space<hbm>>
      %dma_wait3A_155 = tpu.memref_squeeze %dma_wait3A_154 : memref<1x1x125xi32, #tpu.memory_space<hbm>> -> memref<125xi32, #tpu.memory_space<hbm>>
      tpu.wait_dma2 semaphore(%arg14 : memref<!tpu.dma_semaphore, #tpu.memory_space<semaphore_mem>>) src(%dma_wait3A_155 : memref<125xi32, #tpu.memory_space<hbm>>) dst(%arg8 : memref<125xi32, #tpu.memory_space<vmem>>)
      "tpu.region"() ({
        %run_scoped3A = tpu.sem_alloc : memref<!tpu.dma_semaphore, #tpu.memory_space<semaphore_mem>>
        %dma_start3A_168 = arith.constant 0 : i32
        %dma_start3A_169 = arith.constant 0 : i32
        %dma_start3A_170 = tpu.memref_slice %arg15[%dma_start3A_168, %dma_start3A_169] : memref<10240x128xf32, #tpu.memory_space<vmem_shared>> -> memref<10240x128xf32, #tpu.memory_space<vmem_shared>>
        tpu.enqueue_indirect_dma source(%arg10 : memref<125x128xf32, #tpu.memory_space<vmem>>) target(%dma_start3A_170 : memref<10240x128xf32, #tpu.memory_space<vmem_shared>>) offsets(%arg8 : memref<125xi32, #tpu.memory_space<vmem>>) semaphore(%run_scoped3A : memref<!tpu.dma_semaphore, #tpu.memory_space<semaphore_mem>>) {add = true}
        %dma_wait3A_171 = arith.constant 0 : i32
        %dma_wait3A_172 = arith.constant 0 : i32
        %dma_wait3A_173 = tpu.memref_slice %arg15[%dma_wait3A_171, %dma_wait3A_172] : memref<10240x128xf32, #tpu.memory_space<vmem_shared>> -> memref<10240x128xf32, #tpu.memory_space<vmem_shared>>
        tpu.wait_indirect_dma semaphore(%run_scoped3A : memref<!tpu.dma_semaphore, #tpu.memory_space<semaphore_mem>>) src(%arg10 : memref<125x128xf32, #tpu.memory_space<vmem>>) dst(%dma_wait3A_173 : memref<10240x128xf32, #tpu.memory_space<vmem_shared>>)
        tpu.yield
      }) : () -> ()
      %dma_start3A_156 = arith.constant 0 : i32
      %dma_start3A_157 = tpu.memref_slice %arg6[%min3A_109, %dma_start3A_156] : memref<80x125xi32, #tpu.memory_space<vmem>> -> memref<1x125xi32, #tpu.memory_space<vmem>>
      %dma_start3A_158 = tpu.memref_squeeze %dma_start3A_157 : memref<1x125xi32, #tpu.memory_space<vmem>> -> memref<125xi32, #tpu.memory_space<vmem>>
      %dma_start3A_159 = arith.constant 0 : i32
      %dma_start3A_160 = arith.constant 0 : i32
      %dma_start3A_161 = tpu.memref_slice %arg2[%dma_start3A_159, %dma_start3A_160] : memref<10000x128xf32, #tpu.memory_space<hbm>> -> memref<10000x128xf32, #tpu.memory_space<hbm>>
      tpu.enqueue_indirect_dma source(%dma_start3A_161 : memref<10000x128xf32, #tpu.memory_space<hbm>>) target(%arg10 : memref<125x128xf32, #tpu.memory_space<vmem>>) offsets(%dma_start3A_158 : memref<125xi32, #tpu.memory_space<vmem>>) semaphore(%arg12 : memref<!tpu.dma_semaphore, #tpu.memory_space<semaphore_mem>>)
      %dma_start3A_162 = arith.constant 0 : i32
      %dma_start3A_163 = tpu.memref_slice %arg4[%add3A, %min3A_109, %dma_start3A_162] : memref<32x80x125xi32, #tpu.memory_space<hbm>> -> memref<1x1x125xi32, #tpu.memory_space<hbm>>
      %dma_start3A_164 = tpu.memref_squeeze %dma_start3A_163 : memref<1x1x125xi32, #tpu.memory_space<hbm>> -> memref<125xi32, #tpu.memory_space<hbm>>
      %dma_start3A_165 = arith.constant 0 : i32
      %dma_start3A_166 = tpu.memref_slice %arg4[%add3A, %min3A_109, %dma_start3A_165] : memref<32x80x125xi32, #tpu.memory_space<hbm>> -> memref<1x1x125xi32, #tpu.memory_space<hbm>>
      %dma_start3A_167 = tpu.memref_squeeze %dma_start3A_166 : memref<1x1x125xi32, #tpu.memory_space<hbm>> -> memref<125xi32, #tpu.memory_space<hbm>>
      tpu.enqueue_dma source(%dma_start3A_167 : memref<125xi32, #tpu.memory_space<hbm>>) target(%arg8 : memref<125xi32, #tpu.memory_space<vmem>>) target_semaphore(%arg14 : memref<!tpu.dma_semaphore, #tpu.memory_space<semaphore_mem>>)
    }
    %scan3A_63 = arith.constant 40 : i32
    %dma_wait3A = arith.constant 0 : i32
    %dma_wait3A_64 = arith.constant 0 : i32
    %dma_wait3A_65 = tpu.memref_slice %arg6[%dma_wait3A, %dma_wait3A_64] : memref<80x125xi32, #tpu.memory_space<vmem>> -> memref<1x125xi32, #tpu.memory_space<vmem>>
    %dma_wait3A_66 = tpu.memref_squeeze %dma_wait3A_65 : memref<1x125xi32, #tpu.memory_space<vmem>> -> memref<125xi32, #tpu.memory_space<vmem>>
    %dma_wait3A_67 = arith.constant 0 : i32
    %dma_wait3A_68 = arith.constant 0 : i32
    %dma_wait3A_69 = tpu.memref_slice %arg2[%dma_wait3A_67, %dma_wait3A_68] : memref<10000x128xf32, #tpu.memory_space<hbm>> -> memref<10000x128xf32, #tpu.memory_space<hbm>>
    tpu.wait_indirect_dma semaphore(%arg11 : memref<!tpu.dma_semaphore, #tpu.memory_space<semaphore_mem>>) src(%dma_wait3A_69 : memref<10000x128xf32, #tpu.memory_space<hbm>>) dst(%arg9 : memref<125x128xf32, #tpu.memory_space<vmem>>)
    %dma_wait3A_70 = arith.constant 0 : i32
    %dma_wait3A_71 = arith.constant 0 : i32
    %dma_wait3A_72 = tpu.memref_slice %arg6[%dma_wait3A_70, %dma_wait3A_71] : memref<80x125xi32, #tpu.memory_space<vmem>> -> memref<1x125xi32, #tpu.memory_space<vmem>>
    %dma_wait3A_73 = tpu.memref_squeeze %dma_wait3A_72 : memref<1x125xi32, #tpu.memory_space<vmem>> -> memref<125xi32, #tpu.memory_space<vmem>>
    %dma_wait3A_74 = arith.constant 0 : i32
    %dma_wait3A_75 = arith.constant 0 : i32
    %dma_wait3A_76 = tpu.memref_slice %arg2[%dma_wait3A_74, %dma_wait3A_75] : memref<10000x128xf32, #tpu.memory_space<hbm>> -> memref<10000x128xf32, #tpu.memory_space<hbm>>
    tpu.wait_indirect_dma semaphore(%arg12 : memref<!tpu.dma_semaphore, #tpu.memory_space<semaphore_mem>>) src(%dma_wait3A_76 : memref<10000x128xf32, #tpu.memory_space<hbm>>) dst(%arg10 : memref<125x128xf32, #tpu.memory_space<vmem>>)
    %dma_wait3A_77 = arith.constant 0 : i32
    %dma_wait3A_78 = arith.constant 0 : i32
    %dma_wait3A_79 = arith.constant 0 : i32
    %dma_wait3A_80 = tpu.memref_slice %arg4[%dma_wait3A_77, %dma_wait3A_78, %dma_wait3A_79] : memref<32x80x125xi32, #tpu.memory_space<hbm>> -> memref<1x1x125xi32, #tpu.memory_space<hbm>>
    %dma_wait3A_81 = tpu.memref_squeeze %dma_wait3A_80 : memref<1x1x125xi32, #tpu.memory_space<hbm>> -> memref<125xi32, #tpu.memory_space<hbm>>
    %dma_wait3A_82 = arith.constant 0 : i32
    %dma_wait3A_83 = tpu.memref_slice %arg4[%dma_wait3A_77, %dma_wait3A_78, %dma_wait3A_82] : memref<32x80x125xi32, #tpu.memory_space<hbm>> -> memref<1x1x125xi32, #tpu.memory_space<hbm>>
    %dma_wait3A_84 = tpu.memref_squeeze %dma_wait3A_83 : memref<1x1x125xi32, #tpu.memory_space<hbm>> -> memref<125xi32, #tpu.memory_space<hbm>>
    tpu.wait_dma2 semaphore(%arg13 : memref<!tpu.dma_semaphore, #tpu.memory_space<semaphore_mem>>) src(%dma_wait3A_84 : memref<125xi32, #tpu.memory_space<hbm>>) dst(%arg7 : memref<125xi32, #tpu.memory_space<vmem>>)
    %dma_wait3A_85 = arith.constant 0 : i32
    %dma_wait3A_86 = arith.constant 0 : i32
    %dma_wait3A_87 = arith.constant 0 : i32
    %dma_wait3A_88 = tpu.memref_slice %arg4[%dma_wait3A_85, %dma_wait3A_86, %dma_wait3A_87] : memref<32x80x125xi32, #tpu.memory_space<hbm>> -> memref<1x1x125xi32, #tpu.memory_space<hbm>>
    %dma_wait3A_89 = tpu.memref_squeeze %dma_wait3A_88 : memref<1x1x125xi32, #tpu.memory_space<hbm>> -> memref<125xi32, #tpu.memory_space<hbm>>
    %dma_wait3A_90 = arith.constant 0 : i32
    %dma_wait3A_91 = tpu.memref_slice %arg4[%dma_wait3A_85, %dma_wait3A_86, %dma_wait3A_90] : memref<32x80x125xi32, #tpu.memory_space<hbm>> -> memref<1x1x125xi32, #tpu.memory_space<hbm>>
    %dma_wait3A_92 = tpu.memref_squeeze %dma_wait3A_91 : memref<1x1x125xi32, #tpu.memory_space<hbm>> -> memref<125xi32, #tpu.memory_space<hbm>>
    tpu.wait_dma2 semaphore(%arg14 : memref<!tpu.dma_semaphore, #tpu.memory_space<semaphore_mem>>) src(%dma_wait3A_92 : memref<125xi32, #tpu.memory_space<hbm>>) dst(%arg8 : memref<125xi32, #tpu.memory_space<vmem>>)
    %barrier3A_93 = arith.constant 0 : index
    tpu.barrier barrier_id(%barrier3A_93)
    %mul3A_94 = arith.constant 640 : i32
    %mul3A_95 = arith.muli %arg1, %mul3A_94 : i32
    %mul3A_96 = arith.constant 640 : i32
    %mul3A_97 = arith.muli %arg1, %mul3A_96 : i32
    "tpu.region"() ({
      %run_scoped3A = tpu.sem_alloc : memref<!tpu.dma_semaphore, #tpu.memory_space<semaphore_mem>>
      %dma_start3A_98 = arith.constant 0 : i32
      %dma_start3A_99 = tpu.memref_slice %arg5[%arg0, %mul3A_97, %dma_start3A_98] : memref<2x10240x128xf32, #tpu.memory_space<hbm>> -> memref<1x640x128xf32, #tpu.memory_space<hbm>>
      %dma_start3A_100 = tpu.memref_squeeze %dma_start3A_99 : memref<1x640x128xf32, #tpu.memory_space<hbm>> -> memref<640x128xf32, #tpu.memory_space<hbm>>
      %dma_start3A_101 = arith.constant 0 : i32
      %dma_start3A_102 = tpu.memref_slice %arg15[%mul3A_95, %dma_start3A_101] : memref<10240x128xf32, #tpu.memory_space<vmem_shared>> -> memref<640x128xf32, #tpu.memory_space<vmem_shared>>
      tpu.enqueue_dma source(%dma_start3A_102 : memref<640x128xf32, #tpu.memory_space<vmem_shared>>) target(%dma_start3A_100 : memref<640x128xf32, #tpu.memory_space<hbm>>) target_semaphore(%run_scoped3A : memref<!tpu.dma_semaphore, #tpu.memory_space<semaphore_mem>>)
      %dma_wait3A_103 = arith.constant 0 : i32
      %dma_wait3A_104 = tpu.memref_slice %arg5[%arg0, %mul3A_97, %dma_wait3A_103] : memref<2x10240x128xf32, #tpu.memory_space<hbm>> -> memref<1x640x128xf32, #tpu.memory_space<hbm>>
      %dma_wait3A_105 = tpu.memref_squeeze %dma_wait3A_104 : memref<1x640x128xf32, #tpu.memory_space<hbm>> -> memref<640x128xf32, #tpu.memory_space<hbm>>
      %dma_wait3A_106 = arith.constant 0 : i32
      %dma_wait3A_107 = tpu.memref_slice %arg15[%mul3A_95, %dma_wait3A_106] : memref<10240x128xf32, #tpu.memory_space<vmem_shared>> -> memref<640x128xf32, #tpu.memory_space<vmem_shared>>
      tpu.wait_dma2 semaphore(%run_scoped3A : memref<!tpu.dma_semaphore, #tpu.memory_space<semaphore_mem>>) src(%dma_wait3A_107 : memref<640x128xf32, #tpu.memory_space<vmem_shared>>) dst(%dma_wait3A_105 : memref<640x128xf32, #tpu.memory_space<hbm>>)
      tpu.yield
    }) : () -> ()
    return
  }
}

#map = affine_map<(d0, d1) -> (0, 0)>
#map1 = affine_map<(d0, d1) -> (0, 0, 0)>
module attributes {stable_mosaic.version = 14 : i64} {
  func.func @prop_k(%arg0: i32, %arg1: i32, %arg2: memref<10000x128xf32, #tpu.memory_space<hbm>>, %arg3: memref<32x80x125xi32, #tpu.memory_space<hbm>>, %arg4: memref<32x80x125xi32, #tpu.memory_space<hbm>>, %arg5: memref<2x10240x128xf32, #tpu.memory_space<hbm>>, %arg6: memref<80x125xi32, #tpu.memory_space<vmem>>, %arg7: memref<125xi32, #tpu.memory_space<vmem>>, %arg8: memref<125xi32, #tpu.memory_space<vmem>>, %arg9: memref<125x128xf32, #tpu.memory_space<vmem>>, %arg10: memref<125x128xf32, #tpu.memory_space<vmem>>, %arg11: memref<!tpu.dma_semaphore, #tpu.memory_space<semaphore_mem>>, %arg12: memref<!tpu.dma_semaphore, #tpu.memory_space<semaphore_mem>>, %arg13: memref<!tpu.dma_semaphore, #tpu.memory_space<semaphore_mem>>, %arg14: memref<!tpu.dma_semaphore, #tpu.memory_space<semaphore_mem>>, %arg15: memref<10240x128xf32, #tpu.memory_space<vmem_shared>>) attributes {dimension_semantics = [#tpu.dimension_semantics<core_parallel>, #tpu.dimension_semantics<subcore_parallel>], iteration_bounds = array<i64: 2, 16>, scalar_prefetch = 0 : i64, scratch_operands = 10 : i64, tpu.core_type = #tpu.core_type<sc_vector_subcore>, window_params = [{transform_indices = #map}, {transform_indices = #map1}, {transform_indices = #map1}, {transform_indices = #map1}]} {
    %mul3A = arith.constant 16 : i32
    %mul3A_0 = arith.muli %arg0, %mul3A : i32
    %add3A = arith.addi %mul3A_0, %arg1 : i32
    %broadcast_in_dim3A = arith.constant 0.000000e+00 : f32
    %broadcast_in_dim3A_1 = vector.broadcast %broadcast_in_dim3A : f32 to vector<16xf32>
    %scan3A = arith.constant 0 : i32
    %scan3A_2 = arith.constant 0 : i32
    %scan3A_3 = arith.constant 120 : i32
    %scan3A_4 = arith.addi %scan3A_2, %scan3A_3 : i32
    %scan3A_5 = arith.constant 1 : i32
    scf.for %scan3A_98 = %scan3A_2 to %scan3A_4 step %scan3A_5  : i32 {
      %swap3A = arith.index_cast %scan3A_98 : i32 to index
      %swap3A_99 = arith.constant 0 : index
      %swap3A_100 = tpu.vector_load %arg9[%swap3A, %swap3A_99] {strides = array<i32>} : memref<125x128xf32, #tpu.memory_space<vmem>>, vector<1x16xf32>,
      %swap3A_101 = vector.shape_cast %swap3A_100 : vector<1x16xf32> to vector<16xf32>
      %swap3A_102 = vector.shape_cast %broadcast_in_dim3A_1 : vector<16xf32> to vector<1x16xf32>
      tpu.vector_store %arg9[%swap3A, %swap3A_99], %swap3A_102 {strides = array<i32>} : memref<125x128xf32, #tpu.memory_space<vmem>>, vector<1x16xf32>,
      %swap3A_103 = arith.index_cast %scan3A_98 : i32 to index
      %swap3A_104 = arith.constant 16 : index
      %swap3A_105 = tpu.vector_load %arg9[%swap3A_103, %swap3A_104] {strides = array<i32>} : memref<125x128xf32, #tpu.memory_space<vmem>>, vector<1x16xf32>,
      %swap3A_106 = vector.shape_cast %swap3A_105 : vector<1x16xf32> to vector<16xf32>
      %swap3A_107 = vector.shape_cast %broadcast_in_dim3A_1 : vector<16xf32> to vector<1x16xf32>
      tpu.vector_store %arg9[%swap3A_103, %swap3A_104], %swap3A_107 {strides = array<i32>} : memref<125x128xf32, #tpu.memory_space<vmem>>, vector<1x16xf32>,
      %swap3A_108 = arith.index_cast %scan3A_98 : i32 to index
      %swap3A_109 = arith.constant 32 : index
      %swap3A_110 = tpu.vector_load %arg9[%swap3A_108, %swap3A_109] {strides = array<i32>} : memref<125x128xf32, #tpu.memory_space<vmem>>, vector<1x16xf32>,
      %swap3A_111 = vector.shape_cast %swap3A_110 : vector<1x16xf32> to vector<16xf32>
      %swap3A_112 = vector.shape_cast %broadcast_in_dim3A_1 : vector<16xf32> to vector<1x16xf32>
      tpu.vector_store %arg9[%swap3A_108, %swap3A_109], %swap3A_112 {strides = array<i32>} : memref<125x128xf32, #tpu.memory_space<vmem>>, vector<1x16xf32>,
      %swap3A_113 = arith.index_cast %scan3A_98 : i32 to index
      %swap3A_114 = arith.constant 48 : index
      %swap3A_115 = tpu.vector_load %arg9[%swap3A_113, %swap3A_114] {strides = array<i32>} : memref<125x128xf32, #tpu.memory_space<vmem>>, vector<1x16xf32>,
      %swap3A_116 = vector.shape_cast %swap3A_115 : vector<1x16xf32> to vector<16xf32>
      %swap3A_117 = vector.shape_cast %broadcast_in_dim3A_1 : vector<16xf32> to vector<1x16xf32>
      tpu.vector_store %arg9[%swap3A_113, %swap3A_114], %swap3A_117 {strides = array<i32>} : memref<125x128xf32, #tpu.memory_space<vmem>>, vector<1x16xf32>,
      %swap3A_118 = arith.index_cast %scan3A_98 : i32 to index
      %swap3A_119 = arith.constant 64 : index
      %swap3A_120 = tpu.vector_load %arg9[%swap3A_118, %swap3A_119] {strides = array<i32>} : memref<125x128xf32, #tpu.memory_space<vmem>>, vector<1x16xf32>,
      %swap3A_121 = vector.shape_cast %swap3A_120 : vector<1x16xf32> to vector<16xf32>
      %swap3A_122 = vector.shape_cast %broadcast_in_dim3A_1 : vector<16xf32> to vector<1x16xf32>
      tpu.vector_store %arg9[%swap3A_118, %swap3A_119], %swap3A_122 {strides = array<i32>} : memref<125x128xf32, #tpu.memory_space<vmem>>, vector<1x16xf32>,
      %swap3A_123 = arith.index_cast %scan3A_98 : i32 to index
      %swap3A_124 = arith.constant 80 : index
      %swap3A_125 = tpu.vector_load %arg9[%swap3A_123, %swap3A_124] {strides = array<i32>} : memref<125x128xf32, #tpu.memory_space<vmem>>, vector<1x16xf32>,
      %swap3A_126 = vector.shape_cast %swap3A_125 : vector<1x16xf32> to vector<16xf32>
      %swap3A_127 = vector.shape_cast %broadcast_in_dim3A_1 : vector<16xf32> to vector<1x16xf32>
      tpu.vector_store %arg9[%swap3A_123, %swap3A_124], %swap3A_127 {strides = array<i32>} : memref<125x128xf32, #tpu.memory_space<vmem>>, vector<1x16xf32>,
      %swap3A_128 = arith.index_cast %scan3A_98 : i32 to index
      %swap3A_129 = arith.constant 96 : index
      %swap3A_130 = tpu.vector_load %arg9[%swap3A_128, %swap3A_129] {strides = array<i32>} : memref<125x128xf32, #tpu.memory_space<vmem>>, vector<1x16xf32>,
      %swap3A_131 = vector.shape_cast %swap3A_130 : vector<1x16xf32> to vector<16xf32>
      %swap3A_132 = vector.shape_cast %broadcast_in_dim3A_1 : vector<16xf32> to vector<1x16xf32>
      tpu.vector_store %arg9[%swap3A_128, %swap3A_129], %swap3A_132 {strides = array<i32>} : memref<125x128xf32, #tpu.memory_space<vmem>>, vector<1x16xf32>,
      %swap3A_133 = arith.index_cast %scan3A_98 : i32 to index
      %swap3A_134 = arith.constant 112 : index
      %swap3A_135 = tpu.vector_load %arg9[%swap3A_133, %swap3A_134] {strides = array<i32>} : memref<125x128xf32, #tpu.memory_space<vmem>>, vector<1x16xf32>,
      %swap3A_136 = vector.shape_cast %swap3A_135 : vector<1x16xf32> to vector<16xf32>
      %swap3A_137 = vector.shape_cast %broadcast_in_dim3A_1 : vector<16xf32> to vector<1x16xf32>
      tpu.vector_store %arg9[%swap3A_133, %swap3A_134], %swap3A_137 {strides = array<i32>} : memref<125x128xf32, #tpu.memory_space<vmem>>, vector<1x16xf32>,
    }
    %scan3A_6 = arith.constant 120 : i32
    %mul3A_7 = arith.constant 640 : i32
    %mul3A_8 = arith.muli %arg1, %mul3A_7 : i32
    %add3A_9 = arith.constant 0 : i32
    %add3A_10 = arith.addi %mul3A_8, %add3A_9 : i32
    "tpu.region"() ({
      %run_scoped3A = tpu.sem_alloc : memref<!tpu.dma_semaphore, #tpu.memory_space<semaphore_mem>>
      %dma_start3A_98 = arith.constant 0 : i32
      %dma_start3A_99 = arith.constant 0 : i32
      %dma_start3A_100 = tpu.memref_slice %arg9[%dma_start3A_98, %dma_start3A_99] : memref<125x128xf32, #tpu.memory_space<vmem>> -> memref<120x128xf32, #tpu.memory_space<vmem>>
      %dma_start3A_101 = arith.constant 0 : i32
      %dma_start3A_102 = tpu.memref_slice %arg15[%add3A_10, %dma_start3A_101] : memref<10240x128xf32, #tpu.memory_space<vmem_shared>> -> memref<120x128xf32, #tpu.memory_space<vmem_shared>>
      %dma_start3A_103 = arith.constant 0 : i32
      %dma_start3A_104 = tpu.memref_slice %arg15[%add3A_10, %dma_start3A_103] : memref<10240x128xf32, #tpu.memory_space<vmem_shared>> -> memref<120x128xf32, #tpu.memory_space<vmem_shared>>
      %dma_start3A_105 = arith.constant 0 : i32
      %dma_start3A_106 = arith.constant 0 : i32
      %dma_start3A_107 = tpu.memref_slice %arg9[%dma_start3A_105, %dma_start3A_106] : memref<125x128xf32, #tpu.memory_space<vmem>> -> memref<120x128xf32, #tpu.memory_space<vmem>>
      tpu.enqueue_dma source(%dma_start3A_107 : memref<120x128xf32, #tpu.memory_space<vmem>>) target(%dma_start3A_104 : memref<120x128xf32, #tpu.memory_space<vmem_shared>>) target_semaphore(%run_scoped3A : memref<!tpu.dma_semaphore, #tpu.memory_space<semaphore_mem>>)
      %dma_wait3A_108 = arith.constant 0 : i32
      %dma_wait3A_109 = arith.constant 0 : i32
      %dma_wait3A_110 = tpu.memref_slice %arg9[%dma_wait3A_108, %dma_wait3A_109] : memref<125x128xf32, #tpu.memory_space<vmem>> -> memref<120x128xf32, #tpu.memory_space<vmem>>
      %dma_wait3A_111 = arith.constant 0 : i32
      %dma_wait3A_112 = tpu.memref_slice %arg15[%add3A_10, %dma_wait3A_111] : memref<10240x128xf32, #tpu.memory_space<vmem_shared>> -> memref<120x128xf32, #tpu.memory_space<vmem_shared>>
      %dma_wait3A_113 = arith.constant 0 : i32
      %dma_wait3A_114 = tpu.memref_slice %arg15[%add3A_10, %dma_wait3A_113] : memref<10240x128xf32, #tpu.memory_space<vmem_shared>> -> memref<120x128xf32, #tpu.memory_space<vmem_shared>>
      %dma_wait3A_115 = arith.constant 0 : i32
      %dma_wait3A_116 = arith.constant 0 : i32
      %dma_wait3A_117 = tpu.memref_slice %arg9[%dma_wait3A_115, %dma_wait3A_116] : memref<125x128xf32, #tpu.memory_space<vmem>> -> memref<120x128xf32, #tpu.memory_space<vmem>>
      tpu.wait_dma2 semaphore(%run_scoped3A : memref<!tpu.dma_semaphore, #tpu.memory_space<semaphore_mem>>) src(%dma_wait3A_117 : memref<120x128xf32, #tpu.memory_space<vmem>>) dst(%dma_wait3A_114 : memref<120x128xf32, #tpu.memory_space<vmem_shared>>)
      tpu.yield
    }) : () -> ()
    %mul3A_11 = arith.constant 640 : i32
    %mul3A_12 = arith.muli %arg1, %mul3A_11 : i32
    %add3A_13 = arith.constant 120 : i32
    %add3A_14 = arith.addi %mul3A_12, %add3A_13 : i32
    "tpu.region"() ({
      %run_scoped3A = tpu.sem_alloc : memref<!tpu.dma_semaphore, #tpu.memory_space<semaphore_mem>>
      %dma_start3A_98 = arith.constant 0 : i32
      %dma_start3A_99 = arith.constant 0 : i32
      %dma_start3A_100 = tpu.memref_slice %arg9[%dma_start3A_98, %dma_start3A_99] : memref<125x128xf32, #tpu.memory_space<vmem>> -> memref<120x128xf32, #tpu.memory_space<vmem>>
      %dma_start3A_101 = arith.constant 0 : i32
      %dma_start3A_102 = tpu.memref_slice %arg15[%add3A_14, %dma_start3A_101] : memref<10240x128xf32, #tpu.memory_space<vmem_shared>> -> memref<120x128xf32, #tpu.memory_space<vmem_shared>>
      %dma_start3A_103 = arith.constant 0 : i32
      %dma_start3A_104 = tpu.memref_slice %arg15[%add3A_14, %dma_start3A_103] : memref<10240x128xf32, #tpu.memory_space<vmem_shared>> -> memref<120x128xf32, #tpu.memory_space<vmem_shared>>
      %dma_start3A_105 = arith.constant 0 : i32
      %dma_start3A_106 = arith.constant 0 : i32
      %dma_start3A_107 = tpu.memref_slice %arg9[%dma_start3A_105, %dma_start3A_106] : memref<125x128xf32, #tpu.memory_space<vmem>> -> memref<120x128xf32, #tpu.memory_space<vmem>>
      tpu.enqueue_dma source(%dma_start3A_107 : memref<120x128xf32, #tpu.memory_space<vmem>>) target(%dma_start3A_104 : memref<120x128xf32, #tpu.memory_space<vmem_shared>>) target_semaphore(%run_scoped3A : memref<!tpu.dma_semaphore, #tpu.memory_space<semaphore_mem>>)
      %dma_wait3A_108 = arith.constant 0 : i32
      %dma_wait3A_109 = arith.constant 0 : i32
      %dma_wait3A_110 = tpu.memref_slice %arg9[%dma_wait3A_108, %dma_wait3A_109] : memref<125x128xf32, #tpu.memory_space<vmem>> -> memref<120x128xf32, #tpu.memory_space<vmem>>
      %dma_wait3A_111 = arith.constant 0 : i32
      %dma_wait3A_112 = tpu.memref_slice %arg15[%add3A_14, %dma_wait3A_111] : memref<10240x128xf32, #tpu.memory_space<vmem_shared>> -> memref<120x128xf32, #tpu.memory_space<vmem_shared>>
      %dma_wait3A_113 = arith.constant 0 : i32
      %dma_wait3A_114 = tpu.memref_slice %arg15[%add3A_14, %dma_wait3A_113] : memref<10240x128xf32, #tpu.memory_space<vmem_shared>> -> memref<120x128xf32, #tpu.memory_space<vmem_shared>>
      %dma_wait3A_115 = arith.constant 0 : i32
      %dma_wait3A_116 = arith.constant 0 : i32
      %dma_wait3A_117 = tpu.memref_slice %arg9[%dma_wait3A_115, %dma_wait3A_116] : memref<125x128xf32, #tpu.memory_space<vmem>> -> memref<120x128xf32, #tpu.memory_space<vmem>>
      tpu.wait_dma2 semaphore(%run_scoped3A : memref<!tpu.dma_semaphore, #tpu.memory_space<semaphore_mem>>) src(%dma_wait3A_117 : memref<120x128xf32, #tpu.memory_space<vmem>>) dst(%dma_wait3A_114 : memref<120x128xf32, #tpu.memory_space<vmem_shared>>)
      tpu.yield
    }) : () -> ()
    %mul3A_15 = arith.constant 640 : i32
    %mul3A_16 = arith.muli %arg1, %mul3A_15 : i32
    %add3A_17 = arith.constant 240 : i32
    %add3A_18 = arith.addi %mul3A_16, %add3A_17 : i32
    "tpu.region"() ({
      %run_scoped3A = tpu.sem_alloc : memref<!tpu.dma_semaphore, #tpu.memory_space<semaphore_mem>>
      %dma_start3A_98 = arith.constant 0 : i32
      %dma_start3A_99 = arith.constant 0 : i32
      %dma_start3A_100 = tpu.memref_slice %arg9[%dma_start3A_98, %dma_start3A_99] : memref<125x128xf32, #tpu.memory_space<vmem>> -> memref<120x128xf32, #tpu.memory_space<vmem>>
      %dma_start3A_101 = arith.constant 0 : i32
      %dma_start3A_102 = tpu.memref_slice %arg15[%add3A_18, %dma_start3A_101] : memref<10240x128xf32, #tpu.memory_space<vmem_shared>> -> memref<120x128xf32, #tpu.memory_space<vmem_shared>>
      %dma_start3A_103 = arith.constant 0 : i32
      %dma_start3A_104 = tpu.memref_slice %arg15[%add3A_18, %dma_start3A_103] : memref<10240x128xf32, #tpu.memory_space<vmem_shared>> -> memref<120x128xf32, #tpu.memory_space<vmem_shared>>
      %dma_start3A_105 = arith.constant 0 : i32
      %dma_start3A_106 = arith.constant 0 : i32
      %dma_start3A_107 = tpu.memref_slice %arg9[%dma_start3A_105, %dma_start3A_106] : memref<125x128xf32, #tpu.memory_space<vmem>> -> memref<120x128xf32, #tpu.memory_space<vmem>>
      tpu.enqueue_dma source(%dma_start3A_107 : memref<120x128xf32, #tpu.memory_space<vmem>>) target(%dma_start3A_104 : memref<120x128xf32, #tpu.memory_space<vmem_shared>>) target_semaphore(%run_scoped3A : memref<!tpu.dma_semaphore, #tpu.memory_space<semaphore_mem>>)
      %dma_wait3A_108 = arith.constant 0 : i32
      %dma_wait3A_109 = arith.constant 0 : i32
      %dma_wait3A_110 = tpu.memref_slice %arg9[%dma_wait3A_108, %dma_wait3A_109] : memref<125x128xf32, #tpu.memory_space<vmem>> -> memref<120x128xf32, #tpu.memory_space<vmem>>
      %dma_wait3A_111 = arith.constant 0 : i32
      %dma_wait3A_112 = tpu.memref_slice %arg15[%add3A_18, %dma_wait3A_111] : memref<10240x128xf32, #tpu.memory_space<vmem_shared>> -> memref<120x128xf32, #tpu.memory_space<vmem_shared>>
      %dma_wait3A_113 = arith.constant 0 : i32
      %dma_wait3A_114 = tpu.memref_slice %arg15[%add3A_18, %dma_wait3A_113] : memref<10240x128xf32, #tpu.memory_space<vmem_shared>> -> memref<120x128xf32, #tpu.memory_space<vmem_shared>>
      %dma_wait3A_115 = arith.constant 0 : i32
      %dma_wait3A_116 = arith.constant 0 : i32
      %dma_wait3A_117 = tpu.memref_slice %arg9[%dma_wait3A_115, %dma_wait3A_116] : memref<125x128xf32, #tpu.memory_space<vmem>> -> memref<120x128xf32, #tpu.memory_space<vmem>>
      tpu.wait_dma2 semaphore(%run_scoped3A : memref<!tpu.dma_semaphore, #tpu.memory_space<semaphore_mem>>) src(%dma_wait3A_117 : memref<120x128xf32, #tpu.memory_space<vmem>>) dst(%dma_wait3A_114 : memref<120x128xf32, #tpu.memory_space<vmem_shared>>)
      tpu.yield
    }) : () -> ()
    %mul3A_19 = arith.constant 640 : i32
    %mul3A_20 = arith.muli %arg1, %mul3A_19 : i32
    %add3A_21 = arith.constant 360 : i32
    %add3A_22 = arith.addi %mul3A_20, %add3A_21 : i32
    "tpu.region"() ({
      %run_scoped3A = tpu.sem_alloc : memref<!tpu.dma_semaphore, #tpu.memory_space<semaphore_mem>>
      %dma_start3A_98 = arith.constant 0 : i32
      %dma_start3A_99 = arith.constant 0 : i32
      %dma_start3A_100 = tpu.memref_slice %arg9[%dma_start3A_98, %dma_start3A_99] : memref<125x128xf32, #tpu.memory_space<vmem>> -> memref<120x128xf32, #tpu.memory_space<vmem>>
      %dma_start3A_101 = arith.constant 0 : i32
      %dma_start3A_102 = tpu.memref_slice %arg15[%add3A_22, %dma_start3A_101] : memref<10240x128xf32, #tpu.memory_space<vmem_shared>> -> memref<120x128xf32, #tpu.memory_space<vmem_shared>>
      %dma_start3A_103 = arith.constant 0 : i32
      %dma_start3A_104 = tpu.memref_slice %arg15[%add3A_22, %dma_start3A_103] : memref<10240x128xf32, #tpu.memory_space<vmem_shared>> -> memref<120x128xf32, #tpu.memory_space<vmem_shared>>
      %dma_start3A_105 = arith.constant 0 : i32
      %dma_start3A_106 = arith.constant 0 : i32
      %dma_start3A_107 = tpu.memref_slice %arg9[%dma_start3A_105, %dma_start3A_106] : memref<125x128xf32, #tpu.memory_space<vmem>> -> memref<120x128xf32, #tpu.memory_space<vmem>>
      tpu.enqueue_dma source(%dma_start3A_107 : memref<120x128xf32, #tpu.memory_space<vmem>>) target(%dma_start3A_104 : memref<120x128xf32, #tpu.memory_space<vmem_shared>>) target_semaphore(%run_scoped3A : memref<!tpu.dma_semaphore, #tpu.memory_space<semaphore_mem>>)
      %dma_wait3A_108 = arith.constant 0 : i32
      %dma_wait3A_109 = arith.constant 0 : i32
      %dma_wait3A_110 = tpu.memref_slice %arg9[%dma_wait3A_108, %dma_wait3A_109] : memref<125x128xf32, #tpu.memory_space<vmem>> -> memref<120x128xf32, #tpu.memory_space<vmem>>
      %dma_wait3A_111 = arith.constant 0 : i32
      %dma_wait3A_112 = tpu.memref_slice %arg15[%add3A_22, %dma_wait3A_111] : memref<10240x128xf32, #tpu.memory_space<vmem_shared>> -> memref<120x128xf32, #tpu.memory_space<vmem_shared>>
      %dma_wait3A_113 = arith.constant 0 : i32
      %dma_wait3A_114 = tpu.memref_slice %arg15[%add3A_22, %dma_wait3A_113] : memref<10240x128xf32, #tpu.memory_space<vmem_shared>> -> memref<120x128xf32, #tpu.memory_space<vmem_shared>>
      %dma_wait3A_115 = arith.constant 0 : i32
      %dma_wait3A_116 = arith.constant 0 : i32
      %dma_wait3A_117 = tpu.memref_slice %arg9[%dma_wait3A_115, %dma_wait3A_116] : memref<125x128xf32, #tpu.memory_space<vmem>> -> memref<120x128xf32, #tpu.memory_space<vmem>>
      tpu.wait_dma2 semaphore(%run_scoped3A : memref<!tpu.dma_semaphore, #tpu.memory_space<semaphore_mem>>) src(%dma_wait3A_117 : memref<120x128xf32, #tpu.memory_space<vmem>>) dst(%dma_wait3A_114 : memref<120x128xf32, #tpu.memory_space<vmem_shared>>)
      tpu.yield
    }) : () -> ()
    %mul3A_23 = arith.constant 640 : i32
    %mul3A_24 = arith.muli %arg1, %mul3A_23 : i32
    %add3A_25 = arith.constant 480 : i32
    %add3A_26 = arith.addi %mul3A_24, %add3A_25 : i32
    "tpu.region"() ({
      %run_scoped3A = tpu.sem_alloc : memref<!tpu.dma_semaphore, #tpu.memory_space<semaphore_mem>>
      %dma_start3A_98 = arith.constant 0 : i32
      %dma_start3A_99 = arith.constant 0 : i32
      %dma_start3A_100 = tpu.memref_slice %arg9[%dma_start3A_98, %dma_start3A_99] : memref<125x128xf32, #tpu.memory_space<vmem>> -> memref<120x128xf32, #tpu.memory_space<vmem>>
      %dma_start3A_101 = arith.constant 0 : i32
      %dma_start3A_102 = tpu.memref_slice %arg15[%add3A_26, %dma_start3A_101] : memref<10240x128xf32, #tpu.memory_space<vmem_shared>> -> memref<120x128xf32, #tpu.memory_space<vmem_shared>>
      %dma_start3A_103 = arith.constant 0 : i32
      %dma_start3A_104 = tpu.memref_slice %arg15[%add3A_26, %dma_start3A_103] : memref<10240x128xf32, #tpu.memory_space<vmem_shared>> -> memref<120x128xf32, #tpu.memory_space<vmem_shared>>
      %dma_start3A_105 = arith.constant 0 : i32
      %dma_start3A_106 = arith.constant 0 : i32
      %dma_start3A_107 = tpu.memref_slice %arg9[%dma_start3A_105, %dma_start3A_106] : memref<125x128xf32, #tpu.memory_space<vmem>> -> memref<120x128xf32, #tpu.memory_space<vmem>>
      tpu.enqueue_dma source(%dma_start3A_107 : memref<120x128xf32, #tpu.memory_space<vmem>>) target(%dma_start3A_104 : memref<120x128xf32, #tpu.memory_space<vmem_shared>>) target_semaphore(%run_scoped3A : memref<!tpu.dma_semaphore, #tpu.memory_space<semaphore_mem>>)
      %dma_wait3A_108 = arith.constant 0 : i32
      %dma_wait3A_109 = arith.constant 0 : i32
      %dma_wait3A_110 = tpu.memref_slice %arg9[%dma_wait3A_108, %dma_wait3A_109] : memref<125x128xf32, #tpu.memory_space<vmem>> -> memref<120x128xf32, #tpu.memory_space<vmem>>
      %dma_wait3A_111 = arith.constant 0 : i32
      %dma_wait3A_112 = tpu.memref_slice %arg15[%add3A_26, %dma_wait3A_111] : memref<10240x128xf32, #tpu.memory_space<vmem_shared>> -> memref<120x128xf32, #tpu.memory_space<vmem_shared>>
      %dma_wait3A_113 = arith.constant 0 : i32
      %dma_wait3A_114 = tpu.memref_slice %arg15[%add3A_26, %dma_wait3A_113] : memref<10240x128xf32, #tpu.memory_space<vmem_shared>> -> memref<120x128xf32, #tpu.memory_space<vmem_shared>>
      %dma_wait3A_115 = arith.constant 0 : i32
      %dma_wait3A_116 = arith.constant 0 : i32
      %dma_wait3A_117 = tpu.memref_slice %arg9[%dma_wait3A_115, %dma_wait3A_116] : memref<125x128xf32, #tpu.memory_space<vmem>> -> memref<120x128xf32, #tpu.memory_space<vmem>>
      tpu.wait_dma2 semaphore(%run_scoped3A : memref<!tpu.dma_semaphore, #tpu.memory_space<semaphore_mem>>) src(%dma_wait3A_117 : memref<120x128xf32, #tpu.memory_space<vmem>>) dst(%dma_wait3A_114 : memref<120x128xf32, #tpu.memory_space<vmem_shared>>)
      tpu.yield
    }) : () -> ()
    %mul3A_27 = arith.constant 640 : i32
    %mul3A_28 = arith.muli %arg1, %mul3A_27 : i32
    %add3A_29 = arith.constant 600 : i32
    %add3A_30 = arith.addi %mul3A_28, %add3A_29 : i32
    "tpu.region"() ({
      %run_scoped3A = tpu.sem_alloc : memref<!tpu.dma_semaphore, #tpu.memory_space<semaphore_mem>>
      %dma_start3A_98 = arith.constant 0 : i32
      %dma_start3A_99 = arith.constant 0 : i32
      %dma_start3A_100 = tpu.memref_slice %arg9[%dma_start3A_98, %dma_start3A_99] : memref<125x128xf32, #tpu.memory_space<vmem>> -> memref<40x128xf32, #tpu.memory_space<vmem>>
      %dma_start3A_101 = arith.constant 0 : i32
      %dma_start3A_102 = tpu.memref_slice %arg15[%add3A_30, %dma_start3A_101] : memref<10240x128xf32, #tpu.memory_space<vmem_shared>> -> memref<40x128xf32, #tpu.memory_space<vmem_shared>>
      %dma_start3A_103 = arith.constant 0 : i32
      %dma_start3A_104 = tpu.memref_slice %arg15[%add3A_30, %dma_start3A_103] : memref<10240x128xf32, #tpu.memory_space<vmem_shared>> -> memref<40x128xf32, #tpu.memory_space<vmem_shared>>
      %dma_start3A_105 = arith.constant 0 : i32
      %dma_start3A_106 = arith.constant 0 : i32
      %dma_start3A_107 = tpu.memref_slice %arg9[%dma_start3A_105, %dma_start3A_106] : memref<125x128xf32, #tpu.memory_space<vmem>> -> memref<40x128xf32, #tpu.memory_space<vmem>>
      tpu.enqueue_dma source(%dma_start3A_107 : memref<40x128xf32, #tpu.memory_space<vmem>>) target(%dma_start3A_104 : memref<40x128xf32, #tpu.memory_space<vmem_shared>>) target_semaphore(%run_scoped3A : memref<!tpu.dma_semaphore, #tpu.memory_space<semaphore_mem>>)
      %dma_wait3A_108 = arith.constant 0 : i32
      %dma_wait3A_109 = arith.constant 0 : i32
      %dma_wait3A_110 = tpu.memref_slice %arg9[%dma_wait3A_108, %dma_wait3A_109] : memref<125x128xf32, #tpu.memory_space<vmem>> -> memref<40x128xf32, #tpu.memory_space<vmem>>
      %dma_wait3A_111 = arith.constant 0 : i32
      %dma_wait3A_112 = tpu.memref_slice %arg15[%add3A_30, %dma_wait3A_111] : memref<10240x128xf32, #tpu.memory_space<vmem_shared>> -> memref<40x128xf32, #tpu.memory_space<vmem_shared>>
      %dma_wait3A_113 = arith.constant 0 : i32
      %dma_wait3A_114 = tpu.memref_slice %arg15[%add3A_30, %dma_wait3A_113] : memref<10240x128xf32, #tpu.memory_space<vmem_shared>> -> memref<40x128xf32, #tpu.memory_space<vmem_shared>>
      %dma_wait3A_115 = arith.constant 0 : i32
      %dma_wait3A_116 = arith.constant 0 : i32
      %dma_wait3A_117 = tpu.memref_slice %arg9[%dma_wait3A_115, %dma_wait3A_116] : memref<125x128xf32, #tpu.memory_space<vmem>> -> memref<40x128xf32, #tpu.memory_space<vmem>>
      tpu.wait_dma2 semaphore(%run_scoped3A : memref<!tpu.dma_semaphore, #tpu.memory_space<semaphore_mem>>) src(%dma_wait3A_117 : memref<40x128xf32, #tpu.memory_space<vmem>>) dst(%dma_wait3A_114 : memref<40x128xf32, #tpu.memory_space<vmem_shared>>)
      tpu.yield
    }) : () -> ()
    "tpu.region"() ({
      %run_scoped3A = tpu.sem_alloc : memref<!tpu.dma_semaphore, #tpu.memory_space<semaphore_mem>>
      %dma_start3A_98 = arith.constant 0 : i32
      %dma_start3A_99 = arith.constant 0 : i32
      %dma_start3A_100 = tpu.memref_slice %arg3[%add3A, %dma_start3A_98, %dma_start3A_99] : memref<32x80x125xi32, #tpu.memory_space<hbm>> -> memref<1x80x125xi32, #tpu.memory_space<hbm>>
      %dma_start3A_101 = tpu.memref_squeeze %dma_start3A_100 : memref<1x80x125xi32, #tpu.memory_space<hbm>> -> memref<80x125xi32, #tpu.memory_space<hbm>>
      %dma_start3A_102 = arith.constant 0 : i32
      %dma_start3A_103 = arith.constant 0 : i32
      %dma_start3A_104 = tpu.memref_slice %arg3[%add3A, %dma_start3A_102, %dma_start3A_103] : memref<32x80x125xi32, #tpu.memory_space<hbm>> -> memref<1x80x125xi32, #tpu.memory_space<hbm>>
      %dma_start3A_105 = tpu.memref_squeeze %dma_start3A_104 : memref<1x80x125xi32, #tpu.memory_space<hbm>> -> memref<80x125xi32, #tpu.memory_space<hbm>>
      tpu.enqueue_dma source(%dma_start3A_105 : memref<80x125xi32, #tpu.memory_space<hbm>>) target(%arg6 : memref<80x125xi32, #tpu.memory_space<vmem>>) target_semaphore(%run_scoped3A : memref<!tpu.dma_semaphore, #tpu.memory_space<semaphore_mem>>)
      %dma_wait3A_106 = arith.constant 0 : i32
      %dma_wait3A_107 = arith.constant 0 : i32
      %dma_wait3A_108 = tpu.memref_slice %arg3[%add3A, %dma_wait3A_106, %dma_wait3A_107] : memref<32x80x125xi32, #tpu.memory_space<hbm>> -> memref<1x80x125xi32, #tpu.memory_space<hbm>>
      %dma_wait3A_109 = tpu.memref_squeeze %dma_wait3A_108 : memref<1x80x125xi32, #tpu.memory_space<hbm>> -> memref<80x125xi32, #tpu.memory_space<hbm>>
      %dma_wait3A_110 = arith.constant 0 : i32
      %dma_wait3A_111 = arith.constant 0 : i32
      %dma_wait3A_112 = tpu.memref_slice %arg3[%add3A, %dma_wait3A_110, %dma_wait3A_111] : memref<32x80x125xi32, #tpu.memory_space<hbm>> -> memref<1x80x125xi32, #tpu.memory_space<hbm>>
      %dma_wait3A_113 = tpu.memref_squeeze %dma_wait3A_112 : memref<1x80x125xi32, #tpu.memory_space<hbm>> -> memref<80x125xi32, #tpu.memory_space<hbm>>
      tpu.wait_dma2 semaphore(%run_scoped3A : memref<!tpu.dma_semaphore, #tpu.memory_space<semaphore_mem>>) src(%dma_wait3A_113 : memref<80x125xi32, #tpu.memory_space<hbm>>) dst(%arg6 : memref<80x125xi32, #tpu.memory_space<vmem>>)
      tpu.yield
    }) : () -> ()
    %barrier3A = arith.constant 0 : index
    tpu.barrier barrier_id(%barrier3A)
    %dma_start3A = arith.constant 0 : i32
    %dma_start3A_31 = arith.constant 0 : i32
    %dma_start3A_32 = tpu.memref_slice %arg6[%dma_start3A, %dma_start3A_31] : memref<80x125xi32, #tpu.memory_space<vmem>> -> memref<1x125xi32, #tpu.memory_space<vmem>>
    %dma_start3A_33 = tpu.memref_squeeze %dma_start3A_32 : memref<1x125xi32, #tpu.memory_space<vmem>> -> memref<125xi32, #tpu.memory_space<vmem>>
    %dma_start3A_34 = arith.constant 0 : i32
    %dma_start3A_35 = arith.constant 0 : i32
    %dma_start3A_36 = tpu.memref_slice %arg2[%dma_start3A_34, %dma_start3A_35] : memref<10000x128xf32, #tpu.memory_space<hbm>> -> memref<10000x128xf32, #tpu.memory_space<hbm>>
    tpu.enqueue_indirect_dma source(%dma_start3A_36 : memref<10000x128xf32, #tpu.memory_space<hbm>>) target(%arg9 : memref<125x128xf32, #tpu.memory_space<vmem>>) offsets(%dma_start3A_33 : memref<125xi32, #tpu.memory_space<vmem>>) semaphore(%arg11 : memref<!tpu.dma_semaphore, #tpu.memory_space<semaphore_mem>>)
    %dma_start3A_37 = arith.constant 1 : i32
    %dma_start3A_38 = arith.constant 0 : i32
    %dma_start3A_39 = tpu.memref_slice %arg6[%dma_start3A_37, %dma_start3A_38] : memref<80x125xi32, #tpu.memory_space<vmem>> -> memref<1x125xi32, #tpu.memory_space<vmem>>
    %dma_start3A_40 = tpu.memref_squeeze %dma_start3A_39 : memref<1x125xi32, #tpu.memory_space<vmem>> -> memref<125xi32, #tpu.memory_space<vmem>>
    %dma_start3A_41 = arith.constant 0 : i32
    %dma_start3A_42 = arith.constant 0 : i32
    %dma_start3A_43 = tpu.memref_slice %arg2[%dma_start3A_41, %dma_start3A_42] : memref<10000x128xf32, #tpu.memory_space<hbm>> -> memref<10000x128xf32, #tpu.memory_space<hbm>>
    tpu.enqueue_indirect_dma source(%dma_start3A_43 : memref<10000x128xf32, #tpu.memory_space<hbm>>) target(%arg10 : memref<125x128xf32, #tpu.memory_space<vmem>>) offsets(%dma_start3A_40 : memref<125xi32, #tpu.memory_space<vmem>>) semaphore(%arg12 : memref<!tpu.dma_semaphore, #tpu.memory_space<semaphore_mem>>)
    %dma_start3A_44 = arith.constant 0 : i32
    %dma_start3A_45 = arith.constant 0 : i32
    %dma_start3A_46 = tpu.memref_slice %arg4[%add3A, %dma_start3A_44, %dma_start3A_45] : memref<32x80x125xi32, #tpu.memory_space<hbm>> -> memref<1x1x125xi32, #tpu.memory_space<hbm>>
    %dma_start3A_47 = tpu.memref_squeeze %dma_start3A_46 : memref<1x1x125xi32, #tpu.memory_space<hbm>> -> memref<125xi32, #tpu.memory_space<hbm>>
    %dma_start3A_48 = arith.constant 0 : i32
    %dma_start3A_49 = tpu.memref_slice %arg4[%add3A, %dma_start3A_44, %dma_start3A_48] : memref<32x80x125xi32, #tpu.memory_space<hbm>> -> memref<1x1x125xi32, #tpu.memory_space<hbm>>
    %dma_start3A_50 = tpu.memref_squeeze %dma_start3A_49 : memref<1x1x125xi32, #tpu.memory_space<hbm>> -> memref<125xi32, #tpu.memory_space<hbm>>
    tpu.enqueue_dma source(%dma_start3A_50 : memref<125xi32, #tpu.memory_space<hbm>>) target(%arg7 : memref<125xi32, #tpu.memory_space<vmem>>) target_semaphore(%arg13 : memref<!tpu.dma_semaphore, #tpu.memory_space<semaphore_mem>>)
    %dma_start3A_51 = arith.constant 1 : i32
    %dma_start3A_52 = arith.constant 0 : i32
    %dma_start3A_53 = tpu.memref_slice %arg4[%add3A, %dma_start3A_51, %dma_start3A_52] : memref<32x80x125xi32, #tpu.memory_space<hbm>> -> memref<1x1x125xi32, #tpu.memory_space<hbm>>
    %dma_start3A_54 = tpu.memref_squeeze %dma_start3A_53 : memref<1x1x125xi32, #tpu.memory_space<hbm>> -> memref<125xi32, #tpu.memory_space<hbm>>
    %dma_start3A_55 = arith.constant 0 : i32
    %dma_start3A_56 = tpu.memref_slice %arg4[%add3A, %dma_start3A_51, %dma_start3A_55] : memref<32x80x125xi32, #tpu.memory_space<hbm>> -> memref<1x1x125xi32, #tpu.memory_space<hbm>>
    %dma_start3A_57 = tpu.memref_squeeze %dma_start3A_56 : memref<1x1x125xi32, #tpu.memory_space<hbm>> -> memref<125xi32, #tpu.memory_space<hbm>>
    tpu.enqueue_dma source(%dma_start3A_57 : memref<125xi32, #tpu.memory_space<hbm>>) target(%arg8 : memref<125xi32, #tpu.memory_space<vmem>>) target_semaphore(%arg14 : memref<!tpu.dma_semaphore, #tpu.memory_space<semaphore_mem>>)
    %scan3A_58 = arith.constant 0 : i32
    %scan3A_59 = arith.constant 0 : i32
    %scan3A_60 = arith.constant 40 : i32
    %scan3A_61 = arith.addi %scan3A_59, %scan3A_60 : i32
    %scan3A_62 = arith.constant 1 : i32
    scf.for %scan3A_98 = %scan3A_59 to %scan3A_61 step %scan3A_62  : i32 {
      %mul3A_99 = arith.constant 2 : i32
      %mul3A_100 = arith.muli %mul3A_99, %scan3A_98 : i32
      %add3A_101 = arith.constant 2 : i32
      %add3A_102 = arith.addi %mul3A_100, %add3A_101 : i32
      %min3A = arith.constant 79 : i32
      %min3A_103 = arith.minsi %add3A_102, %min3A : i32
      %mul3A_104 = arith.constant 2 : i32
      %mul3A_105 = arith.muli %mul3A_104, %scan3A_98 : i32
      %add3A_106 = arith.constant 3 : i32
      %add3A_107 = arith.addi %mul3A_105, %add3A_106 : i32
      %min3A_108 = arith.constant 79 : i32
      %min3A_109 = arith.minsi %add3A_107, %min3A_108 : i32
      %mul3A_110 = arith.constant 2 : i32
      %mul3A_111 = arith.muli %mul3A_110, %scan3A_98 : i32
      %dma_wait3A_112 = arith.constant 0 : i32
      %dma_wait3A_113 = tpu.memref_slice %arg6[%mul3A_111, %dma_wait3A_112] : memref<80x125xi32, #tpu.memory_space<vmem>> -> memref<1x125xi32, #tpu.memory_space<vmem>>
      %dma_wait3A_114 = tpu.memref_squeeze %dma_wait3A_113 : memref<1x125xi32, #tpu.memory_space<vmem>> -> memref<125xi32, #tpu.memory_space<vmem>>
      %dma_wait3A_115 = arith.constant 0 : i32
      %dma_wait3A_116 = arith.constant 0 : i32
      %dma_wait3A_117 = tpu.memref_slice %arg2[%dma_wait3A_115, %dma_wait3A_116] : memref<10000x128xf32, #tpu.memory_space<hbm>> -> memref<10000x128xf32, #tpu.memory_space<hbm>>
      tpu.wait_indirect_dma semaphore(%arg11 : memref<!tpu.dma_semaphore, #tpu.memory_space<semaphore_mem>>) src(%dma_wait3A_117 : memref<10000x128xf32, #tpu.memory_space<hbm>>) dst(%arg9 : memref<125x128xf32, #tpu.memory_space<vmem>>)
      %dma_wait3A_118 = arith.constant 0 : i32
      %dma_wait3A_119 = arith.constant 0 : i32
      %dma_wait3A_120 = arith.constant 0 : i32
      %dma_wait3A_121 = tpu.memref_slice %arg4[%dma_wait3A_118, %dma_wait3A_119, %dma_wait3A_120] : memref<32x80x125xi32, #tpu.memory_space<hbm>> -> memref<1x1x125xi32, #tpu.memory_space<hbm>>
      %dma_wait3A_122 = tpu.memref_squeeze %dma_wait3A_121 : memref<1x1x125xi32, #tpu.memory_space<hbm>> -> memref<125xi32, #tpu.memory_space<hbm>>
      %dma_wait3A_123 = arith.constant 0 : i32
      %dma_wait3A_124 = tpu.memref_slice %arg4[%dma_wait3A_118, %dma_wait3A_119, %dma_wait3A_123] : memref<32x80x125xi32, #tpu.memory_space<hbm>> -> memref<1x1x125xi32, #tpu.memory_space<hbm>>
      %dma_wait3A_125 = tpu.memref_squeeze %dma_wait3A_124 : memref<1x1x125xi32, #tpu.memory_space<hbm>> -> memref<125xi32, #tpu.memory_space<hbm>>
      tpu.wait_dma2 semaphore(%arg13 : memref<!tpu.dma_semaphore, #tpu.memory_space<semaphore_mem>>) src(%dma_wait3A_125 : memref<125xi32, #tpu.memory_space<hbm>>) dst(%arg7 : memref<125xi32, #tpu.memory_space<vmem>>)
      "tpu.region"() ({
        %run_scoped3A = tpu.sem_alloc : memref<!tpu.dma_semaphore, #tpu.memory_space<semaphore_mem>>
        %dma_start3A_168 = arith.constant 0 : i32
        %dma_start3A_169 = arith.constant 0 : i32
        %dma_start3A_170 = tpu.memref_slice %arg15[%dma_start3A_168, %dma_start3A_169] : memref<10240x128xf32, #tpu.memory_space<vmem_shared>> -> memref<10240x128xf32, #tpu.memory_space<vmem_shared>>
        tpu.enqueue_indirect_dma source(%arg9 : memref<125x128xf32, #tpu.memory_space<vmem>>) target(%dma_start3A_170 : memref<10240x128xf32, #tpu.memory_space<vmem_shared>>) offsets(%arg7 : memref<125xi32, #tpu.memory_space<vmem>>) semaphore(%run_scoped3A : memref<!tpu.dma_semaphore, #tpu.memory_space<semaphore_mem>>) {add = true}
        %dma_wait3A_171 = arith.constant 0 : i32
        %dma_wait3A_172 = arith.constant 0 : i32
        %dma_wait3A_173 = tpu.memref_slice %arg15[%dma_wait3A_171, %dma_wait3A_172] : memref<10240x128xf32, #tpu.memory_space<vmem_shared>> -> memref<10240x128xf32, #tpu.memory_space<vmem_shared>>
        tpu.wait_indirect_dma semaphore(%run_scoped3A : memref<!tpu.dma_semaphore, #tpu.memory_space<semaphore_mem>>) src(%arg9 : memref<125x128xf32, #tpu.memory_space<vmem>>) dst(%dma_wait3A_173 : memref<10240x128xf32, #tpu.memory_space<vmem_shared>>)
        tpu.yield
      }) : () -> ()
      %dma_start3A_126 = arith.constant 0 : i32
      %dma_start3A_127 = tpu.memref_slice %arg6[%min3A_103, %dma_start3A_126] : memref<80x125xi32, #tpu.memory_space<vmem>> -> memref<1x125xi32, #tpu.memory_space<vmem>>
      %dma_start3A_128 = tpu.memref_squeeze %dma_start3A_127 : memref<1x125xi32, #tpu.memory_space<vmem>> -> memref<125xi32, #tpu.memory_space<vmem>>
      %dma_start3A_129 = arith.constant 0 : i32
      %dma_start3A_130 = arith.constant 0 : i32
      %dma_start3A_131 = tpu.memref_slice %arg2[%dma_start3A_129, %dma_start3A_130] : memref<10000x128xf32, #tpu.memory_space<hbm>> -> memref<10000x128xf32, #tpu.memory_space<hbm>>
      tpu.enqueue_indirect_dma source(%dma_start3A_131 : memref<10000x128xf32, #tpu.memory_space<hbm>>) target(%arg9 : memref<125x128xf32, #tpu.memory_space<vmem>>) offsets(%dma_start3A_128 : memref<125xi32, #tpu.memory_space<vmem>>) semaphore(%arg11 : memref<!tpu.dma_semaphore, #tpu.memory_space<semaphore_mem>>)
      %dma_start3A_132 = arith.constant 0 : i32
      %dma_start3A_133 = tpu.memref_slice %arg4[%add3A, %min3A_103, %dma_start3A_132] : memref<32x80x125xi32, #tpu.memory_space<hbm>> -> memref<1x1x125xi32, #tpu.memory_space<hbm>>
      %dma_start3A_134 = tpu.memref_squeeze %dma_start3A_133 : memref<1x1x125xi32, #tpu.memory_space<hbm>> -> memref<125xi32, #tpu.memory_space<hbm>>
      %dma_start3A_135 = arith.constant 0 : i32
      %dma_start3A_136 = tpu.memref_slice %arg4[%add3A, %min3A_103, %dma_start3A_135] : memref<32x80x125xi32, #tpu.memory_space<hbm>> -> memref<1x1x125xi32, #tpu.memory_space<hbm>>
      %dma_start3A_137 = tpu.memref_squeeze %dma_start3A_136 : memref<1x1x125xi32, #tpu.memory_space<hbm>> -> memref<125xi32, #tpu.memory_space<hbm>>
      tpu.enqueue_dma source(%dma_start3A_137 : memref<125xi32, #tpu.memory_space<hbm>>) target(%arg7 : memref<125xi32, #tpu.memory_space<vmem>>) target_semaphore(%arg13 : memref<!tpu.dma_semaphore, #tpu.memory_space<semaphore_mem>>)
      %mul3A_138 = arith.constant 2 : i32
      %mul3A_139 = arith.muli %mul3A_138, %scan3A_98 : i32
      %add3A_140 = arith.constant 1 : i32
      %add3A_141 = arith.addi %mul3A_139, %add3A_140 : i32
      %dma_wait3A_142 = arith.constant 0 : i32
      %dma_wait3A_143 = tpu.memref_slice %arg6[%add3A_141, %dma_wait3A_142] : memref<80x125xi32, #tpu.memory_space<vmem>> -> memref<1x125xi32, #tpu.memory_space<vmem>>
      %dma_wait3A_144 = tpu.memref_squeeze %dma_wait3A_143 : memref<1x125xi32, #tpu.memory_space<vmem>> -> memref<125xi32, #tpu.memory_space<vmem>>
      %dma_wait3A_145 = arith.constant 0 : i32
      %dma_wait3A_146 = arith.constant 0 : i32
      %dma_wait3A_147 = tpu.memref_slice %arg2[%dma_wait3A_145, %dma_wait3A_146] : memref<10000x128xf32, #tpu.memory_space<hbm>> -> memref<10000x128xf32, #tpu.memory_space<hbm>>
      tpu.wait_indirect_dma semaphore(%arg12 : memref<!tpu.dma_semaphore, #tpu.memory_space<semaphore_mem>>) src(%dma_wait3A_147 : memref<10000x128xf32, #tpu.memory_space<hbm>>) dst(%arg10 : memref<125x128xf32, #tpu.memory_space<vmem>>)
      %dma_wait3A_148 = arith.constant 0 : i32
      %dma_wait3A_149 = arith.constant 0 : i32
      %dma_wait3A_150 = arith.constant 0 : i32
      %dma_wait3A_151 = tpu.memref_slice %arg4[%dma_wait3A_148, %dma_wait3A_149, %dma_wait3A_150] : memref<32x80x125xi32, #tpu.memory_space<hbm>> -> memref<1x1x125xi32, #tpu.memory_space<hbm>>
      %dma_wait3A_152 = tpu.memref_squeeze %dma_wait3A_151 : memref<1x1x125xi32, #tpu.memory_space<hbm>> -> memref<125xi32, #tpu.memory_space<hbm>>
      %dma_wait3A_153 = arith.constant 0 : i32
      %dma_wait3A_154 = tpu.memref_slice %arg4[%dma_wait3A_148, %dma_wait3A_149, %dma_wait3A_153] : memref<32x80x125xi32, #tpu.memory_space<hbm>> -> memref<1x1x125xi32, #tpu.memory_space<hbm>>
      %dma_wait3A_155 = tpu.memref_squeeze %dma_wait3A_154 : memref<1x1x125xi32, #tpu.memory_space<hbm>> -> memref<125xi32, #tpu.memory_space<hbm>>
      tpu.wait_dma2 semaphore(%arg14 : memref<!tpu.dma_semaphore, #tpu.memory_space<semaphore_mem>>) src(%dma_wait3A_155 : memref<125xi32, #tpu.memory_space<hbm>>) dst(%arg8 : memref<125xi32, #tpu.memory_space<vmem>>)
      "tpu.region"() ({
        %run_scoped3A = tpu.sem_alloc : memref<!tpu.dma_semaphore, #tpu.memory_space<semaphore_mem>>
        %dma_start3A_168 = arith.constant 0 : i32
        %dma_start3A_169 = arith.constant 0 : i32
        %dma_start3A_170 = tpu.memref_slice %arg15[%dma_start3A_168, %dma_start3A_169] : memref<10240x128xf32, #tpu.memory_space<vmem_shared>> -> memref<10240x128xf32, #tpu.memory_space<vmem_shared>>
        tpu.enqueue_indirect_dma source(%arg10 : memref<125x128xf32, #tpu.memory_space<vmem>>) target(%dma_start3A_170 : memref<10240x128xf32, #tpu.memory_space<vmem_shared>>) offsets(%arg8 : memref<125xi32, #tpu.memory_space<vmem>>) semaphore(%run_scoped3A : memref<!tpu.dma_semaphore, #tpu.memory_space<semaphore_mem>>) {add = true}
        %dma_wait3A_171 = arith.constant 0 : i32
        %dma_wait3A_172 = arith.constant 0 : i32
        %dma_wait3A_173 = tpu.memref_slice %arg15[%dma_wait3A_171, %dma_wait3A_172] : memref<10240x128xf32, #tpu.memory_space<vmem_shared>> -> memref<10240x128xf32, #tpu.memory_space<vmem_shared>>
        tpu.wait_indirect_dma semaphore(%run_scoped3A : memref<!tpu.dma_semaphore, #tpu.memory_space<semaphore_mem>>) src(%arg10 : memref<125x128xf32, #tpu.memory_space<vmem>>) dst(%dma_wait3A_173 : memref<10240x128xf32, #tpu.memory_space<vmem_shared>>)
        tpu.yield
      }) : () -> ()
      %dma_start3A_156 = arith.constant 0 : i32
      %dma_start3A_157 = tpu.memref_slice %arg6[%min3A_109, %dma_start3A_156] : memref<80x125xi32, #tpu.memory_space<vmem>> -> memref<1x125xi32, #tpu.memory_space<vmem>>
      %dma_start3A_158 = tpu.memref_squeeze %dma_start3A_157 : memref<1x125xi32, #tpu.memory_space<vmem>> -> memref<125xi32, #tpu.memory_space<vmem>>
      %dma_start3A_159 = arith.constant 0 : i32
      %dma_start3A_160 = arith.constant 0 : i32
      %dma_start3A_161 = tpu.memref_slice %arg2[%dma_start3A_159, %dma_start3A_160] : memref<10000x128xf32, #tpu.memory_space<hbm>> -> memref<10000x128xf32, #tpu.memory_space<hbm>>
      tpu.enqueue_indirect_dma source(%dma_start3A_161 : memref<10000x128xf32, #tpu.memory_space<hbm>>) target(%arg10 : memref<125x128xf32, #tpu.memory_space<vmem>>) offsets(%dma_start3A_158 : memref<125xi32, #tpu.memory_space<vmem>>) semaphore(%arg12 : memref<!tpu.dma_semaphore, #tpu.memory_space<semaphore_mem>>)
      %dma_start3A_162 = arith.constant 0 : i32
      %dma_start3A_163 = tpu.memref_slice %arg4[%add3A, %min3A_109, %dma_start3A_162] : memref<32x80x125xi32, #tpu.memory_space<hbm>> -> memref<1x1x125xi32, #tpu.memory_space<hbm>>
      %dma_start3A_164 = tpu.memref_squeeze %dma_start3A_163 : memref<1x1x125xi32, #tpu.memory_space<hbm>> -> memref<125xi32, #tpu.memory_space<hbm>>
      %dma_start3A_165 = arith.constant 0 : i32
      %dma_start3A_166 = tpu.memref_slice %arg4[%add3A, %min3A_109, %dma_start3A_165] : memref<32x80x125xi32, #tpu.memory_space<hbm>> -> memref<1x1x125xi32, #tpu.memory_space<hbm>>
      %dma_start3A_167 = tpu.memref_squeeze %dma_start3A_166 : memref<1x1x125xi32, #tpu.memory_space<hbm>> -> memref<125xi32, #tpu.memory_space<hbm>>
      tpu.enqueue_dma source(%dma_start3A_167 : memref<125xi32, #tpu.memory_space<hbm>>) target(%arg8 : memref<125xi32, #tpu.memory_space<vmem>>) target_semaphore(%arg14 : memref<!tpu.dma_semaphore, #tpu.memory_space<semaphore_mem>>)
    }
    %scan3A_63 = arith.constant 40 : i32
    %dma_wait3A = arith.constant 0 : i32
    %dma_wait3A_64 = arith.constant 0 : i32
    %dma_wait3A_65 = tpu.memref_slice %arg6[%dma_wait3A, %dma_wait3A_64] : memref<80x125xi32, #tpu.memory_space<vmem>> -> memref<1x125xi32, #tpu.memory_space<vmem>>
    %dma_wait3A_66 = tpu.memref_squeeze %dma_wait3A_65 : memref<1x125xi32, #tpu.memory_space<vmem>> -> memref<125xi32, #tpu.memory_space<vmem>>
    %dma_wait3A_67 = arith.constant 0 : i32
    %dma_wait3A_68 = arith.constant 0 : i32
    %dma_wait3A_69 = tpu.memref_slice %arg2[%dma_wait3A_67, %dma_wait3A_68] : memref<10000x128xf32, #tpu.memory_space<hbm>> -> memref<10000x128xf32, #tpu.memory_space<hbm>>
    tpu.wait_indirect_dma semaphore(%arg11 : memref<!tpu.dma_semaphore, #tpu.memory_space<semaphore_mem>>) src(%dma_wait3A_69 : memref<10000x128xf32, #tpu.memory_space<hbm>>) dst(%arg9 : memref<125x128xf32, #tpu.memory_space<vmem>>)
    %dma_wait3A_70 = arith.constant 0 : i32
    %dma_wait3A_71 = arith.constant 0 : i32
    %dma_wait3A_72 = tpu.memref_slice %arg6[%dma_wait3A_70, %dma_wait3A_71] : memref<80x125xi32, #tpu.memory_space<vmem>> -> memref<1x125xi32, #tpu.memory_space<vmem>>
    %dma_wait3A_73 = tpu.memref_squeeze %dma_wait3A_72 : memref<1x125xi32, #tpu.memory_space<vmem>> -> memref<125xi32, #tpu.memory_space<vmem>>
    %dma_wait3A_74 = arith.constant 0 : i32
    %dma_wait3A_75 = arith.constant 0 : i32
    %dma_wait3A_76 = tpu.memref_slice %arg2[%dma_wait3A_74, %dma_wait3A_75] : memref<10000x128xf32, #tpu.memory_space<hbm>> -> memref<10000x128xf32, #tpu.memory_space<hbm>>
    tpu.wait_indirect_dma semaphore(%arg12 : memref<!tpu.dma_semaphore, #tpu.memory_space<semaphore_mem>>) src(%dma_wait3A_76 : memref<10000x128xf32, #tpu.memory_space<hbm>>) dst(%arg10 : memref<125x128xf32, #tpu.memory_space<vmem>>)
    %dma_wait3A_77 = arith.constant 0 : i32
    %dma_wait3A_78 = arith.constant 0 : i32
    %dma_wait3A_79 = arith.constant 0 : i32
    %dma_wait3A_80 = tpu.memref_slice %arg4[%dma_wait3A_77, %dma_wait3A_78, %dma_wait3A_79] : memref<32x80x125xi32, #tpu.memory_space<hbm>> -> memref<1x1x125xi32, #tpu.memory_space<hbm>>
    %dma_wait3A_81 = tpu.memref_squeeze %dma_wait3A_80 : memref<1x1x125xi32, #tpu.memory_space<hbm>> -> memref<125xi32, #tpu.memory_space<hbm>>
    %dma_wait3A_82 = arith.constant 0 : i32
    %dma_wait3A_83 = tpu.memref_slice %arg4[%dma_wait3A_77, %dma_wait3A_78, %dma_wait3A_82] : memref<32x80x125xi32, #tpu.memory_space<hbm>> -> memref<1x1x125xi32, #tpu.memory_space<hbm>>
    %dma_wait3A_84 = tpu.memref_squeeze %dma_wait3A_83 : memref<1x1x125xi32, #tpu.memory_space<hbm>> -> memref<125xi32, #tpu.memory_space<hbm>>
    tpu.wait_dma2 semaphore(%arg13 : memref<!tpu.dma_semaphore, #tpu.memory_space<semaphore_mem>>) src(%dma_wait3A_84 : memref<125xi32, #tpu.memory_space<hbm>>) dst(%arg7 : memref<125xi32, #tpu.memory_space<vmem>>)
    %dma_wait3A_85 = arith.constant 0 : i32
    %dma_wait3A_86 = arith.constant 0 : i32
    %dma_wait3A_87 = arith.constant 0 : i32
    %dma_wait3A_88 = tpu.memref_slice %arg4[%dma_wait3A_85, %dma_wait3A_86, %dma_wait3A_87] : memref<32x80x125xi32, #tpu.memory_space<hbm>> -> memref<1x1x125xi32, #tpu.memory_space<hbm>>
    %dma_wait3A_89 = tpu.memref_squeeze %dma_wait3A_88 : memref<1x1x125xi32, #tpu.memory_space<hbm>> -> memref<125xi32, #tpu.memory_space<hbm>>
    %dma_wait3A_90 = arith.constant 0 : i32
    %dma_wait3A_91 = tpu.memref_slice %arg4[%dma_wait3A_85, %dma_wait3A_86, %dma_wait3A_90] : memref<32x80x125xi32, #tpu.memory_space<hbm>> -> memref<1x1x125xi32, #tpu.memory_space<hbm>>
    %dma_wait3A_92 = tpu.memref_squeeze %dma_wait3A_91 : memref<1x1x125xi32, #tpu.memory_space<hbm>> -> memref<125xi32, #tpu.memory_space<hbm>>
    tpu.wait_dma2 semaphore(%arg14 : memref<!tpu.dma_semaphore, #tpu.memory_space<semaphore_mem>>) src(%dma_wait3A_92 : memref<125xi32, #tpu.memory_space<hbm>>) dst(%arg8 : memref<125xi32, #tpu.memory_space<vmem>>)
    %barrier3A_93 = arith.constant 0 : index
    tpu.barrier barrier_id(%barrier3A_93)
    %mul3A_94 = arith.constant 640 : i32
    %mul3A_95 = arith.muli %arg1, %mul3A_94 : i32
    %mul3A_96 = arith.constant 640 : i32
    %mul3A_97 = arith.muli %arg1, %mul3A_96 : i32
    "tpu.region"() ({
      %run_scoped3A = tpu.sem_alloc : memref<!tpu.dma_semaphore, #tpu.memory_space<semaphore_mem>>
      %dma_start3A_98 = arith.constant 0 : i32
      %dma_start3A_99 = tpu.memref_slice %arg5[%arg0, %mul3A_97, %dma_start3A_98] : memref<2x10240x128xf32, #tpu.memory_space<hbm>> -> memref<1x640x128xf32, #tpu.memory_space<hbm>>
      %dma_start3A_100 = tpu.memref_squeeze %dma_start3A_99 : memref<1x640x128xf32, #tpu.memory_space<hbm>> -> memref<640x128xf32, #tpu.memory_space<hbm>>
      %dma_start3A_101 = arith.constant 0 : i32
      %dma_start3A_102 = tpu.memref_slice %arg15[%mul3A_95, %dma_start3A_101] : memref<10240x128xf32, #tpu.memory_space<vmem_shared>> -> memref<640x128xf32, #tpu.memory_space<vmem_shared>>
      tpu.enqueue_dma source(%dma_start3A_102 : memref<640x128xf32, #tpu.memory_space<vmem_shared>>) target(%dma_start3A_100 : memref<640x128xf32, #tpu.memory_space<hbm>>) target_semaphore(%run_scoped3A : memref<!tpu.dma_semaphore, #tpu.memory_space<semaphore_mem>>)
      %dma_wait3A_103 = arith.constant 0 : i32
      %dma_wait3A_104 = tpu.memref_slice %arg5[%arg0, %mul3A_97, %dma_wait3A_103] : memref<2x10240x128xf32, #tpu.memory_space<hbm>> -> memref<1x640x128xf32, #tpu.memory_space<hbm>>
      %dma_wait3A_105 = tpu.memref_squeeze %dma_wait3A_104 : memref<1x640x128xf32, #tpu.memory_space<hbm>> -> memref<640x128xf32, #tpu.memory_space<hbm>>
      %dma_wait3A_106 = arith.constant 0 : i32
      %dma_wait3A_107 = tpu.memref_slice %arg15[%mul3A_95, %dma_wait3A_106] : memref<10240x128xf32, #tpu.memory_space<vmem_shared>> -> memref<640x128xf32, #tpu.memory_space<vmem_shared>>
      tpu.wait_dma2 semaphore(%run_scoped3A : memref<!tpu.dma_semaphore, #tpu.memory_space<semaphore_mem>>) src(%dma_wait3A_107 : memref<640x128xf32, #tpu.memory_space<vmem_shared>>) dst(%dma_wait3A_105 : memref<640x128xf32, #tpu.memory_space<hbm>>)
      tpu.yield
    }) : () -> ()
    return
  }
}

module attributes {stable_mosaic.version = 14 : i64} {
  func.func @body(%arg0: i32, %arg1: memref<5000x128xf32, #tpu.memory_space<vmem>>, %arg2: memref<128x128xf32, #tpu.memory_space<vmem>>, %arg3: memref<5000x1xf32, #tpu.memory_space<vmem>>, %arg4: memref<5000x128xf32, #tpu.memory_space<vmem>>) attributes {dimension_semantics = [#tpu.dimension_semantics<arbitrary>], iteration_bounds = array<i64: 2>, scalar_prefetch = 0 : i64, scratch_operands = 0 : i64, tpu.core_type = #tpu.core_type<tc>, window_params = [{transform_indices = @transform_0, window_bounds = array<i64: 5000, 128>}, {pipeline_mode = #tpu.pipeline_mode<synchronous>, transform_indices = @transform_1, window_bounds = array<i64: 128, 128>}, {transform_indices = @transform_2, window_bounds = array<i64: 5000, 1>}, {transform_indices = @transform_3, window_bounds = array<i64: 5000, 128>}]} {
    %get3A = arith.constant 0 : index
    %get3A_0 = arith.constant 0 : index
    %get3A_1 = vector.load %arg1[%get3A, %get3A_0] : memref<5000x128xf32, #tpu.memory_space<vmem>>, vector<5000x128xf32>
    %get3A_2 = arith.constant 0 : index
    %get3A_3 = arith.constant 0 : index
    %get3A_4 = vector.load %arg3[%get3A_2, %get3A_3] : memref<5000x1xf32, #tpu.memory_space<vmem>>, vector<5000x1xf32>
    %mul3A = vector.broadcast %get3A_4 : vector<5000x1xf32> to vector<5000x128xf32>
    %mul3A_5 = arith.mulf %get3A_1, %mul3A : vector<5000x128xf32>
    %get3A_6 = arith.constant 0 : index
    %get3A_7 = arith.constant 0 : index
    %get3A_8 = vector.load %arg2[%get3A_6, %get3A_7] : memref<128x128xf32, #tpu.memory_space<vmem>>, vector<128x128xf32>
    %dot_general3A = arith.constant dense<0.000000e+00> : vector<5000x128xf32>
    %dot_general3A_9 = tpu.matmul %mul3A_5, %get3A_8, %dot_general3A {dimension_numbers = #tpu.dot_dimension_numbers<[1], [0], [0], [1], [0, 0, 1, 1], [], []>, transpose_lhs_hint = false} : vector<5000x128xf32>, vector<128x128xf32>, vector<5000x128xf32> -> vector<5000x128xf32>
    %swap3A = arith.constant 0 : index
    %swap3A_10 = arith.constant 0 : index
    %swap3A_11 = vector.load %arg4[%swap3A, %swap3A_10] : memref<5000x128xf32, #tpu.memory_space<vmem>>, vector<5000x128xf32>
    tpu.vector_store %arg4[%swap3A, %swap3A_10], %dot_general3A_9 {strides = array<i32>} : memref<5000x128xf32, #tpu.memory_space<vmem>>, vector<5000x128xf32>,
    return
  }
  func.func @transform_0(%arg0: i32) -> (i32, i32) {
    %c0_i32 = arith.constant 0 : i32
    %c0_i32_0 = arith.constant 0 : i32
    return %arg0, %c0_i32 : i32, i32
  }
  func.func @transform_1(%arg0: i32) -> (i32, i32) {
    %c0_i32 = arith.constant 0 : i32
    %c0_i32_0 = arith.constant 0 : i32
    %c0_i32_1 = arith.constant 0 : i32
    return %c0_i32, %c0_i32_0 : i32, i32
  }
  func.func @transform_2(%arg0: i32) -> (i32, i32) {
    %c0_i32 = arith.constant 0 : i32
    %c0_i32_0 = arith.constant 0 : i32
    return %arg0, %c0_i32 : i32, i32
  }
  func.func @transform_3(%arg0: i32) -> (i32, i32) {
    %c0_i32 = arith.constant 0 : i32
    %c0_i32_0 = arith.constant 0 : i32
    return %arg0, %c0_i32 : i32, i32
  }
}

module attributes {stable_mosaic.version = 14 : i64} {
  func.func @body(%arg0: i32, %arg1: memref<1x5000x128xf32, #tpu.memory_space<vmem>>, %arg2: memref<1x5000x128xf32, #tpu.memory_space<vmem>>, %arg3: memref<5000x128xf32, #tpu.memory_space<vmem>>, %arg4: memref<5000x1xf32, #tpu.memory_space<vmem>>, %arg5: memref<1x128xf32, #tpu.memory_space<vmem>>, %arg6: memref<128x128xf32, #tpu.memory_space<vmem>>, %arg7: memref<5000x128xf32, #tpu.memory_space<vmem>>) attributes {dimension_semantics = [#tpu.dimension_semantics<arbitrary>], iteration_bounds = array<i64: 2>, scalar_prefetch = 0 : i64, scratch_operands = 0 : i64, tpu.core_type = #tpu.core_type<tc>, window_params = [{transform_indices = @transform_0, window_bounds = array<i64: 1, 5000, 128>}, {transform_indices = @transform_1, window_bounds = array<i64: 1, 5000, 128>}, {transform_indices = @transform_2, window_bounds = array<i64: 5000, 128>}, {transform_indices = @transform_3, window_bounds = array<i64: 5000, 1>}, {pipeline_mode = #tpu.pipeline_mode<synchronous>, transform_indices = @transform_4, window_bounds = array<i64: 1, 128>}, {pipeline_mode = #tpu.pipeline_mode<synchronous>, transform_indices = @transform_5, window_bounds = array<i64: 128, 128>}, {transform_indices = @transform_6, window_bounds = array<i64: 5000, 128>}]} {
    %get3A = arith.constant 0 : index
    %get3A_0 = arith.constant 0 : index
    %get3A_1 = vector.load %arg4[%get3A, %get3A_0] : memref<5000x1xf32, #tpu.memory_space<vmem>>, vector<5000x1xf32>
    %get3A_2 = arith.constant 0 : index
    %get3A_3 = arith.constant 0 : index
    %get3A_4 = arith.constant 0 : index
    %get3A_5 = vector.load %arg1[%get3A_2, %get3A_3, %get3A_4] : memref<1x5000x128xf32, #tpu.memory_space<vmem>>, vector<1x5000x128xf32>
    %get3A_6 = vector.shape_cast %get3A_5 : vector<1x5000x128xf32> to vector<5000x128xf32>
    %get3A_7 = arith.constant 0 : index
    %get3A_8 = arith.constant 0 : index
    %get3A_9 = arith.constant 0 : index
    %get3A_10 = vector.load %arg2[%get3A_7, %get3A_8, %get3A_9] : memref<1x5000x128xf32, #tpu.memory_space<vmem>>, vector<1x5000x128xf32>
    %get3A_11 = vector.shape_cast %get3A_10 : vector<1x5000x128xf32> to vector<5000x128xf32>
    %add3A = arith.addf %get3A_6, %get3A_11 : vector<5000x128xf32>
    %get3A_12 = arith.constant 0 : index
    %get3A_13 = arith.constant 0 : index
    %get3A_14 = vector.load %arg3[%get3A_12, %get3A_13] : memref<5000x128xf32, #tpu.memory_space<vmem>>, vector<5000x128xf32>
    %add3A_15 = arith.addf %add3A, %get3A_14 : vector<5000x128xf32>
    %mul3A = vector.broadcast %get3A_1 : vector<5000x1xf32> to vector<5000x128xf32>
    %mul3A_16 = arith.mulf %mul3A, %add3A_15 : vector<5000x128xf32>
    %get3A_17 = arith.constant 0 : index
    %get3A_18 = arith.constant 0 : index
    %get3A_19 = vector.load %arg5[%get3A_17, %get3A_18] : memref<1x128xf32, #tpu.memory_space<vmem>>, vector<1x128xf32>
    %add3A_20 = vector.broadcast %get3A_19 : vector<1x128xf32> to vector<5000x128xf32>
    %add3A_21 = arith.addf %mul3A_16, %add3A_20 : vector<5000x128xf32>
    %max3A = arith.constant 0.000000e+00 : f32
    %max3A_22 = vector.broadcast %max3A : f32 to vector<5000x128xf32>
    %max3A_23 = arith.maximumf %add3A_21, %max3A_22 : vector<5000x128xf32>
    %mul3A_24 = vector.broadcast %get3A_1 : vector<5000x1xf32> to vector<5000x128xf32>
    %mul3A_25 = arith.mulf %max3A_23, %mul3A_24 : vector<5000x128xf32>
    %get3A_26 = arith.constant 0 : index
    %get3A_27 = arith.constant 0 : index
    %get3A_28 = vector.load %arg6[%get3A_26, %get3A_27] : memref<128x128xf32, #tpu.memory_space<vmem>>, vector<128x128xf32>
    %dot_general3A = arith.constant dense<0.000000e+00> : vector<5000x128xf32>
    %dot_general3A_29 = tpu.matmul %mul3A_25, %get3A_28, %dot_general3A {dimension_numbers = #tpu.dot_dimension_numbers<[1], [0], [0], [1], [0, 0, 1, 1], [], []>, transpose_lhs_hint = false} : vector<5000x128xf32>, vector<128x128xf32>, vector<5000x128xf32> -> vector<5000x128xf32>
    %swap3A = arith.constant 0 : index
    %swap3A_30 = arith.constant 0 : index
    %swap3A_31 = vector.load %arg7[%swap3A, %swap3A_30] : memref<5000x128xf32, #tpu.memory_space<vmem>>, vector<5000x128xf32>
    tpu.vector_store %arg7[%swap3A, %swap3A_30], %dot_general3A_29 {strides = array<i32>} : memref<5000x128xf32, #tpu.memory_space<vmem>>, vector<5000x128xf32>,
    return
  }
  func.func @transform_0(%arg0: i32) -> (i32, i32, i32) {
    %c0_i32 = arith.constant 0 : i32
    %c0_i32_0 = arith.constant 0 : i32
    %c0_i32_1 = arith.constant 0 : i32
    return %c0_i32, %arg0, %c0_i32_0 : i32, i32, i32
  }
  func.func @transform_1(%arg0: i32) -> (i32, i32, i32) {
    %c1_i32 = arith.constant 1 : i32
    %c0_i32 = arith.constant 0 : i32
    %c0_i32_0 = arith.constant 0 : i32
    return %c1_i32, %arg0, %c0_i32 : i32, i32, i32
  }
  func.func @transform_2(%arg0: i32) -> (i32, i32) {
    %c0_i32 = arith.constant 0 : i32
    %c0_i32_0 = arith.constant 0 : i32
    return %arg0, %c0_i32 : i32, i32
  }
  func.func @transform_3(%arg0: i32) -> (i32, i32) {
    %c0_i32 = arith.constant 0 : i32
    %c0_i32_0 = arith.constant 0 : i32
    return %arg0, %c0_i32 : i32, i32
  }
  func.func @transform_4(%arg0: i32) -> (i32, i32) {
    %c0_i32 = arith.constant 0 : i32
    %c0_i32_0 = arith.constant 0 : i32
    %c0_i32_1 = arith.constant 0 : i32
    return %c0_i32, %c0_i32_0 : i32, i32
  }
  func.func @transform_5(%arg0: i32) -> (i32, i32) {
    %c0_i32 = arith.constant 0 : i32
    %c0_i32_0 = arith.constant 0 : i32
    %c0_i32_1 = arith.constant 0 : i32
    return %c0_i32, %c0_i32_0 : i32, i32
  }
  func.func @transform_6(%arg0: i32) -> (i32, i32) {
    %c0_i32 = arith.constant 0 : i32
    %c0_i32_0 = arith.constant 0 : i32
    return %arg0, %c0_i32 : i32, i32
  }
}

module attributes {stable_mosaic.version = 14 : i64} {
  func.func @body(%arg0: i32, %arg1: memref<1x5000x128xf32, #tpu.memory_space<vmem>>, %arg2: memref<1x5000x128xf32, #tpu.memory_space<vmem>>, %arg3: memref<5000x128xf32, #tpu.memory_space<vmem>>, %arg4: memref<5000x1xf32, #tpu.memory_space<vmem>>, %arg5: memref<1x128xf32, #tpu.memory_space<vmem>>, %arg6: memref<128x64xf32, #tpu.memory_space<vmem>>, %arg7: memref<1x64xf32, #tpu.memory_space<vmem>>, %arg8: memref<5000x64xf32, #tpu.memory_space<vmem>>) attributes {dimension_semantics = [#tpu.dimension_semantics<arbitrary>], iteration_bounds = array<i64: 2>, scalar_prefetch = 0 : i64, scratch_operands = 0 : i64, tpu.core_type = #tpu.core_type<tc>, window_params = [{transform_indices = @transform_0, window_bounds = array<i64: 1, 5000, 128>}, {transform_indices = @transform_1, window_bounds = array<i64: 1, 5000, 128>}, {transform_indices = @transform_2, window_bounds = array<i64: 5000, 128>}, {transform_indices = @transform_3, window_bounds = array<i64: 5000, 1>}, {pipeline_mode = #tpu.pipeline_mode<synchronous>, transform_indices = @transform_4, window_bounds = array<i64: 1, 128>}, {pipeline_mode = #tpu.pipeline_mode<synchronous>, transform_indices = @transform_5, window_bounds = array<i64: 128, 64>}, {pipeline_mode = #tpu.pipeline_mode<synchronous>, transform_indices = @transform_6, window_bounds = array<i64: 1, 64>}, {transform_indices = @transform_7, window_bounds = array<i64: 5000, 64>}]} {
    %get3A = arith.constant 0 : index
    %get3A_0 = arith.constant 0 : index
    %get3A_1 = vector.load %arg4[%get3A, %get3A_0] : memref<5000x1xf32, #tpu.memory_space<vmem>>, vector<5000x1xf32>
    %get3A_2 = arith.constant 0 : index
    %get3A_3 = arith.constant 0 : index
    %get3A_4 = arith.constant 0 : index
    %get3A_5 = vector.load %arg1[%get3A_2, %get3A_3, %get3A_4] : memref<1x5000x128xf32, #tpu.memory_space<vmem>>, vector<1x5000x128xf32>
    %get3A_6 = vector.shape_cast %get3A_5 : vector<1x5000x128xf32> to vector<5000x128xf32>
    %get3A_7 = arith.constant 0 : index
    %get3A_8 = arith.constant 0 : index
    %get3A_9 = arith.constant 0 : index
    %get3A_10 = vector.load %arg2[%get3A_7, %get3A_8, %get3A_9] : memref<1x5000x128xf32, #tpu.memory_space<vmem>>, vector<1x5000x128xf32>
    %get3A_11 = vector.shape_cast %get3A_10 : vector<1x5000x128xf32> to vector<5000x128xf32>
    %add3A = arith.addf %get3A_6, %get3A_11 : vector<5000x128xf32>
    %get3A_12 = arith.constant 0 : index
    %get3A_13 = arith.constant 0 : index
    %get3A_14 = vector.load %arg3[%get3A_12, %get3A_13] : memref<5000x128xf32, #tpu.memory_space<vmem>>, vector<5000x128xf32>
    %add3A_15 = arith.addf %add3A, %get3A_14 : vector<5000x128xf32>
    %mul3A = vector.broadcast %get3A_1 : vector<5000x1xf32> to vector<5000x128xf32>
    %mul3A_16 = arith.mulf %mul3A, %add3A_15 : vector<5000x128xf32>
    %get3A_17 = arith.constant 0 : index
    %get3A_18 = arith.constant 0 : index
    %get3A_19 = vector.load %arg5[%get3A_17, %get3A_18] : memref<1x128xf32, #tpu.memory_space<vmem>>, vector<1x128xf32>
    %add3A_20 = vector.broadcast %get3A_19 : vector<1x128xf32> to vector<5000x128xf32>
    %add3A_21 = arith.addf %mul3A_16, %add3A_20 : vector<5000x128xf32>
    %get3A_22 = arith.constant 0 : index
    %get3A_23 = arith.constant 0 : index
    %get3A_24 = vector.load %arg6[%get3A_22, %get3A_23] : memref<128x64xf32, #tpu.memory_space<vmem>>, vector<128x64xf32>
    %dot_general3A = arith.constant dense<0.000000e+00> : vector<5000x64xf32>
    %dot_general3A_25 = tpu.matmul %add3A_21, %get3A_24, %dot_general3A {dimension_numbers = #tpu.dot_dimension_numbers<[1], [0], [0], [1], [0, 0, 1, 1], [], []>, transpose_lhs_hint = false} : vector<5000x128xf32>, vector<128x64xf32>, vector<5000x64xf32> -> vector<5000x64xf32>
    %get3A_26 = arith.constant 0 : index
    %get3A_27 = arith.constant 0 : index
    %get3A_28 = vector.load %arg7[%get3A_26, %get3A_27] : memref<1x64xf32, #tpu.memory_space<vmem>>, vector<1x64xf32>
    %add3A_29 = vector.broadcast %get3A_28 : vector<1x64xf32> to vector<5000x64xf32>
    %add3A_30 = arith.addf %dot_general3A_25, %add3A_29 : vector<5000x64xf32>
    %swap3A = arith.constant 0 : index
    %swap3A_31 = arith.constant 0 : index
    %swap3A_32 = vector.load %arg8[%swap3A, %swap3A_31] : memref<5000x64xf32, #tpu.memory_space<vmem>>, vector<5000x64xf32>
    tpu.vector_store %arg8[%swap3A, %swap3A_31], %add3A_30 {strides = array<i32>} : memref<5000x64xf32, #tpu.memory_space<vmem>>, vector<5000x64xf32>,
    return
  }
  func.func @transform_0(%arg0: i32) -> (i32, i32, i32) {
    %c0_i32 = arith.constant 0 : i32
    %c0_i32_0 = arith.constant 0 : i32
    %c0_i32_1 = arith.constant 0 : i32
    return %c0_i32, %arg0, %c0_i32_0 : i32, i32, i32
  }
  func.func @transform_1(%arg0: i32) -> (i32, i32, i32) {
    %c1_i32 = arith.constant 1 : i32
    %c0_i32 = arith.constant 0 : i32
    %c0_i32_0 = arith.constant 0 : i32
    return %c1_i32, %arg0, %c0_i32 : i32, i32, i32
  }
  func.func @transform_2(%arg0: i32) -> (i32, i32) {
    %c0_i32 = arith.constant 0 : i32
    %c0_i32_0 = arith.constant 0 : i32
    return %arg0, %c0_i32 : i32, i32
  }
  func.func @transform_3(%arg0: i32) -> (i32, i32) {
    %c0_i32 = arith.constant 0 : i32
    %c0_i32_0 = arith.constant 0 : i32
    return %arg0, %c0_i32 : i32, i32
  }
  func.func @transform_4(%arg0: i32) -> (i32, i32) {
    %c0_i32 = arith.constant 0 : i32
    %c0_i32_0 = arith.constant 0 : i32
    %c0_i32_1 = arith.constant 0 : i32
    return %c0_i32, %c0_i32_0 : i32, i32
  }
  func.func @transform_5(%arg0: i32) -> (i32, i32) {
    %c0_i32 = arith.constant 0 : i32
    %c0_i32_0 = arith.constant 0 : i32
    %c0_i32_1 = arith.constant 0 : i32
    return %c0_i32, %c0_i32_0 : i32, i32
  }
  func.func @transform_6(%arg0: i32) -> (i32, i32) {
    %c0_i32 = arith.constant 0 : i32
    %c0_i32_0 = arith.constant 0 : i32
    %c0_i32_1 = arith.constant 0 : i32
    return %c0_i32, %c0_i32_0 : i32, i32
  }
  func.func @transform_7(%arg0: i32) -> (i32, i32) {
    %c0_i32 = arith.constant 0 : i32
    %c0_i32_0 = arith.constant 0 : i32
    return %arg0, %c0_i32 : i32, i32
  }
}

</mosaic_0001>

<sc_bundles>
// kernel: kernel.11.cloned.1.call-start
scs
__scs_entry_jumppad:
0x0: {  	(pc) =	sbr.rel $0x88, $3  }
0x1: {  	(tag) =	ssettag $0x0;
	lr =	simm.s32 $0x1  }
0x2: {  	[smem:$0x3F99] =	sst lr;
	_ =	strace $0xD0000000  }
0x3: {  	_ = 	snop  }
0x4: {  	_ = 	snop  }
0x5: {  	_ = 	snop  }
0x6: {  	_ = 	snop  }
0x7: {  	_ = 	snop  }
__scs_overlays_trampoline_lowered:
0x8: {  	[smem:$0x3FA8] =	sst s0  }
0x9: {  	[smem:$0x3FA9] =	sst s1  }
0xa: {  	[smem:$0x3FAA] =	sst s2  }
0xb: {  	[smem:$0x3FAB] =	sst s3  }
0xc: {  	[smem:$0x3FAC] =	sst s4  }
0xd: {  	[smem:$0x3FAD] =	sst s5  }
0xe: {  	[smem:$0x3FAE] =	sst s6  }
0xf: {  	[smem:$0x3FAF] =	sst s7  }
0x10: {  	[smem:$0x3FB0] =	sst s8  }
0x11: {  	[smem:$0x3FB1] =	sst s9;
	s0 =	simm.s32 @!p0 $0x0  }
0x12: {  	s1 =	sld [smem:$0x3F97];
	s0 =	simm.s32 @p0 $0x1  }
0x13: {  	[smem:$0x3FB2] =	sst s0;
	s0 =	simm.s32 @!p1 $0x0  }
0x14: {  	s2 =	sld [smem:$0x3F96];
	s0 =	simm.s32 @p1 $0x1  }
0x15: {  	[smem:$0x3FB3] =	sst s0;
	s0 =	simm.s32 @!p2 $0x0  }
0x16: {  	s3 =	sld [smem:$0x3FDB];
	s0 =	simm.s32 @p2 $0x1  }
0x17: {  	s4 =	simm.s32 $0x1BF5;
	[smem:$0x3FB5] =	sst s0  }
0x18: {  	s0 =	sld [smem:$0x3F98];
	_ =	swait.ge [sflag:s4], $0x0  }
0x19: {  	s7 =	sld [smem:$0x3F99]  }
0x1a: {  	s8 =	sadd.s32 $0xFFFFE003, lr  }
0x1b: {  	s9 =	sadd.s32 $0xFFFFFEF7, lr;
	s5 =	simm.s32 $0xFFFFFFFF;
	p2 =	slt.u32 s8, $0xFFFFF086  }
0x1c: {  	p1 =	slt.u32 s9, $0xF7A;
	s5 =	simm.s32 @!p2 $0x0  }
0x1d: {  	s5 =	simm.s32 @p1 $0x1;
	p0 =	seq.s32 s7, s2  }
0x1e: {  	s7 =	smul.u32 @!p0 $0xF7A, s2;
	p2 =	seq.s32 @!p0 s5, $0x0  }
0x1f: {  	s9 =	smul.u32 $0xF7A, s1;
	s8 =	simm.s32 @!p0 $0x1BF5;
	p2 =	por !p2, p0  }
0x20: {  	[sflag:s8] =	ssyncset.s32 @!p0 $0xFFFFF086;
	s6 =	sadd.s32 @!p0 s3, s7;
	s7 =	simm.s32 @!p0 $0x108  }
0x21: {  	s3 =	sadd.s32 s3, s9;
	s6 =	sadd.s32 @!p0 $0x88, s6;
	s7 =	simm.s32 @p2 $0x1082  }
0x22: {  	[simem:s7], [sflag:s8] =	dma.local @!p0 [hbm:s6], $0xF7A  }
0x23: {  	s9 =	sor.u32 $0xD0000000, s2;
	s6 =	simm.s32 $0x108;
	_ =	swait.ge @!p0 [sflag:s8], $0x0  }
0x24: {  	s3 =	sadd.s32 $0x88, s3;
	s6 =	simm.s32 @!p1 $0x1082;
	[sflag:s4] =	ssyncset.s32 $0xFFFFF086  }
0x25: {  	[simem:s6], [sflag:s4] =	dma.local [hbm:s3], $0xF7A  }
0x26: {  	[smem:$0x3F99] =	sst s1;
	(tag) =	ssettag s2;
	_ =	strace s9  }
0x27: {  	s1 =	sld [smem:$0x3FA9]  }
0x28: {  	s2 =	sld [smem:$0x3FAA]  }
0x29: {  	s4 =	sld [smem:$0x3FAC]  }
0x2a: {  	p0 =	seq.s32 s5, $0x0;
	s5 =	sld [smem:$0x3FAD]  }
0x2b: {  	s6 =	sld [smem:$0x3FAE]  }
0x2c: {  	s7 =	sld [smem:$0x3FAF]  }
0x2d: {  	s3 =	simm.s32 $0x108;
	s8 =	sld [smem:$0x3FB0]  }
0x2e: {  	s3 =	simm.s32 @!p0 $0x1082;
	s9 =	sld [smem:$0x3FB1]  }
0x2f: {  	lr =	sadd.s32 s0, s3;
	s0 =	sld [smem:$0x3FA8]  }
0x30: {  	s3 =	sld [smem:$0x3FAB]  }
0x31: {  	[smem:$0x3FB4] =	sst s10  }
0x32: {  	s10 =	sld [smem:$0x3FB2];
	_ =	sdelay $0x3  }
0x33: {  	p0 =	seq.s32 s10, $0x1;
	s10 =	sld [smem:$0x3FB4];
	_ =	sdelay $0x3  }
0x34: {  	[smem:$0x3FB4] =	sst s10  }
0x35: {  	s10 =	sld [smem:$0x3FB3];
	_ =	sdelay $0x3  }
0x36: {  	p1 =	seq.s32 s10, $0x1;
	s10 =	sld [smem:$0x3FB4];
	_ =	sdelay $0x3  }
0x37: {  	[smem:$0x3FB4] =	sst s10  }
0x38: {  	s10 =	sld [smem:$0x3FB5]  }
0x39: {  	_ = 	snop;
	(pc) =	sbr.ind lr, $3  }
0x3a: {  	_ = 	snop  }
0x3b: {  	_ = 	snop  }
0x3c: {  	p2 =	seq.s32 s10, $0x1;
	s10 =	sld [smem:$0x3FB4]  }
0x3d: {  	_ =	shalt  }
0x3e: {  	_ =	shalt  }
0x3f: {  	_ =	shalt  }
0x40: {  	_ =	shalt  }
0x41: {  	_ =	shalt  }
0x42: {  	_ =	shalt  }
0x43: {  	_ =	shalt  }
0x44: {  	_ =	shalt  }
0x45: {  	_ =	shalt  }
0x46: {  	_ =	shalt  }
0x47: {  	_ =	shalt  }
0x48: {  	_ =	shalt  }
0x49: {  	_ =	shalt  }
0x4a: {  	_ =	shalt  }
0x4b: {  	_ =	shalt  }
0x4c: {  	_ =	shalt  }
0x4d: {  	_ =	shalt  }
0x4e: {  	_ =	shalt  }
0x4f: {  	_ =	shalt  }
0x50: {  	_ =	shalt  }
0x51: {  	_ =	shalt  }
0x52: {  	_ =	shalt  }
0x53: {  	_ =	shalt  }
0x54: {  	_ =	shalt  }
0x55: {  	_ =	shalt  }
0x56: {  	_ =	shalt  }
0x57: {  	_ =	shalt  }
0x58: {  	_ =	shalt  }
0x59: {  	_ =	shalt  }
0x5a: {  	_ =	shalt  }
0x5b: {  	_ =	shalt  }
0x5c: {  	_ =	shalt  }
0x5d: {  	_ =	shalt  }
0x5e: {  	_ =	shalt  }
0x5f: {  	_ =	shalt  }
0x60: {  	_ =	shalt  }
0x61: {  	_ =	shalt  }
0x62: {  	_ =	shalt  }
0x63: {  	_ =	shalt  }
0x64: {  	_ =	shalt  }
0x65: {  	_ =	shalt  }
0x66: {  	_ =	shalt  }
0x67: {  	_ =	shalt  }
0x68: {  	_ =	shalt  }
0x69: {  	_ =	shalt  }
0x6a: {  	_ =	shalt  }
0x6b: {  	_ =	shalt  }
0x6c: {  	_ =	shalt  }
0x6d: {  	_ =	shalt  }
0x6e: {  	_ =	shalt  }
0x6f: {  	_ =	shalt  }
0x70: {  	_ =	shalt  }
0x71: {  	_ =	shalt  }
0x72: {  	_ =	shalt  }
0x73: {  	_ =	shalt  }
0x74: {  	_ =	shalt  }
0x75: {  	_ =	shalt  }
0x76: {  	_ =	shalt  }
0x77: {  	_ =	shalt  }
0x78: {  	_ =	shalt  }
0x79: {  	_ =	shalt  }
0x7a: {  	_ =	shalt  }
0x7b: {  	_ =	shalt  }
0x7c: {  	_ =	shalt  }
0x7d: {  	_ =	shalt  }
0x7e: {  	_ =	shalt  }
0x7f: {  	_ =	shalt  }
0x80: {  	_ =	shalt  }
0x81: {  	_ =	shalt  }
0x82: {  	_ =	shalt  }
0x83: {  	_ =	shalt  }
0x84: {  	_ =	shalt  }
0x85: {  	_ =	shalt  }
0x86: {  	_ =	shalt  }
0x87: {  	_ =	shalt  }
.Lfunc_end0:
.L_simem_size_0:
called_computation.1_lowered:
.L_overlay_start_0:
0x88: {  	s2 =	sld [smem:$0x3FD9]  }
0x89: {  	s3 =	sld [smem:$0x3FFE];
	_ =	sdelay $0x1  }
0x8a: {  	s1 =	srdreg.scid  }
0x8b: {  	s0 =	sand.u32 $0x1, s1  }
0x8c: {  	s17 =	sshll.u32 s0, $0xA;
	s2 =	sadd.s32 s3, s2  }
0x8d: {  	s2 =	sadd.s32 s2, s17  }
0x8e: {  	[smem:$0x3FC0] =	sst s2  }
0x8f: {  	_ = 	snop  }
0x90: {  	s2 =	sld [smem:$0x3FD0];
	(tm) =	ssettm $0x1  }
0x91: {  	s18 =	sld [smem:$0x3FFB];
	_ =	sdelay $0x3  }
0x92: {  	_ =	strace s18  }
0x93: {  	s3 =	sld [smem:$0x3FFC];
	_ =	sdelay $0x3  }
0x94: {  	_ =	strace s3  }
0x95: {  	s3 =	sld [smem:$0x3FFD];
	_ =	sdelay $0x3  }
0x96: {  	_ =	strace s3  }
0x97: {  	_ =	strace $0x8FFFFFFF  }
0x98: {  	s19 =	sld [smem:$0x3FDB];
	_ =	sdelay $0x1  }
0x99: {  	s4 =	simm.s32 $_scs_section_size  }
0x9a: {  	s5 =	simm.s32 $_size__tile_overlayer_lowered;
	s6 =	simm.s32 $_tile_overlayer_lowered  }
0x9b: {  	s22 =	simm.s32 $0x1BFF;
	s21 =	sshll.u32 s6, $0x1;
	s3 =	sadd.s32 s4, s19  }
0x9c: {  	s7 =	simm.s32 $0x0;
	s20 =	sshll.u32 s5, $0x1;
	s5 =	sadd.s32 s21, s3  }
0x9d: {  	[timem:s7], [sflag:s22] =	dma.local [hbm:s5], s20  }
0x9e: {  	_ =	swait.ge [sflag:s22], s20  }
0x9f: {  	s4 =	ssub.s32 $0x0, s20;
	[sflag:s22] =	ssyncset.done $0x0  }
0xa0: {  	[sflag:s22] =	ssyncadd.s32 s4;
	_ =	sdelay $0x1  }
0xa1: {  	s23 =	simm.s32 $0x1B8B  }
0xa2: {  	_ =	swait.ge [sflag:s23], $0x1  }
0xa3: {  	[sflag:s23] =	ssyncset.done $0x0  }
0xa4: {  	s25 =	simm.s32 $0x1B8E;
	s24 =	sld [smem:$0x3FFE];
	[sflag:s23] =	ssyncadd.s32 $0xFFFFFFFF  }
0xa5: {  	s26 =	simm.s32 $execute0_lowered;
	[smem:$0x3FD2] =	sst s25  }
0xa6: {  	s5 =	sshll.u32 s26, $0x1;
	_ =	strace $0x80000049;
	[dreg:$0x1] =	wrdreg $0xFFFFFFFF  }
0xa7: {  	s28 =	simm.s32 $_size_execute0_lowered;
	s3 =	sadd.s32 s3, s5;
	[dreg:$0x0] =	wrdreg $0x0  }
0xa8: {  	s5 =	sshll.u32 s28, $0x1;
	[dreg:$0x2] =	wrdreg s3  }
0xa9: {  	[dreg:$0x3] =	wrdreg s5  }
0xaa: {  	[dreg:$0x4] =	wrdreg $0xC0  }
0xab: {  	_ =	task [dreg:s7], $0x5FFFF  }
0xac: {  	[dreg:$0x1] =	wrdreg $0xFFFFFFFF  }
0xad: {  	[dreg:$0x0] =	wrdreg $0x60  }
0xae: {  	[dreg:$0x2] =	wrdreg s24  }
0xaf: {  	[dreg:$0x3] =	wrdreg s2  }
0xb0: {  	[dreg:$0x4] =	wrdreg $0xA9000  }
0xb1: {  	[dreg:$0x5] =	wrdreg $0x9  }
0xb2: {  	_ =	task.clear_ibuf [dreg:s7], $0x6FFFF;
	_ =	strace $0x90000049  }
0xb3: {  	s29 =	simm.s32 $0x9;
	_ =	strace $0x8000004B  }
0xb4: {  	_ =	swait.ge [sflag:s29], $0x1  }
0xb5: {  	[sflag:s29] =	ssyncadd.s32 $0xFFFFFFFF  }
0xb6: {  	_ =	strace $0x9000004B  }
0xb7: {  	_ =	sfence  }
0xb8: {  	s30 =	sld [smem:$0x0];
	_ =	sdelay $0x2  }
0xb9: {  	s31 =	sshll.u32 s1, $0xD;
	s1 =	sshrl.u32 s1, $0x2  }
0xba: {  	s3 =	sand.u32 $0x4000, s31;
	s1 =	sadd.s32 s1, s30  }
0xbb: {  	s0 =	sor.u32 s3, s0;
	s1 =	sshll.u32 s1, $0x11  }
0xbc: {  	s0 =	sor.u32 s1, s0  }
0xbd: {  	s0 =	sadd.s32 $0x8F2B, s0  }
0xbe: {  	[sflag:s0] =	ssyncadd.remote.s32 $0x1  }
0xbf: {  	_ =	sfence.sel $0xFFFF  }
0xc0: {  	[dreg:$0x0] =	wrdreg $0xFFFFFFFF;
	(pc) =	sbr.abs _section_cstart, $3  }
0xc1: {  	[dreg:$0x1] =	wrdreg $0xFFFFFFFF  }
0xc2: {  	_ =	task.clear_ibuf [dreg:s7], $0x2FFFF;
	_ =	strace $0x9FFFFFFF  }
0xc3: {  	(tm) =	ssettm $0x7FFFFFFF  }
tec
execute0_lowered:
.L_overlay_start_1:
0x0: {  	(tag) =	ssettag $0x1  }
0x1: {  	s0 =	srdreg.scid;
	s1 =	rddreg [dreg:$0x0]  }
0x2: {  	s6 =	stileid.u32;
	s2 =	rddreg [dreg:$0x1]  }
0x3: {  	s5 =	simm.s32 $0x0;
	s20 =	simm.s32 $0x2900;
	s28 =	simm.s32 $0x1  }
0x4: {  	s29 =	simm.s32 $0x3;
	s30 =	simm.s32 $0x2;
	s8 =	smul.u32 $0x14000, s6  }
0x5: {  	s31 =	simm.s32 $0x4;
	s0 =	sand.u32 $0x1, s0;
	s10 =	smul.u32 $0x50000, s6  }
0x6: {  	[smem:$0x7FF] =	sst s5;
	s3 =	sshll.u32 s0, $0x4;
	s7 =	smul.u32 $0x140000, s0  }
0x7: {  	s0 =	ssub.s32 $0x2, s0;
	s4 =	sor.u32 s6, s3;
	s3 =	rddreg [dreg:$0x2]  }
0x8: {  	_ =	strace $0x8000004A;
	s6 =	sadd.s32 $0xCE00, s1;
	s21 =	sshrl.u32 s10, $0x2  }
0x9: {  	s22 =	sshrl.u32 s0, $0x1;
	s4 =	smul.u32 $0x2800, s4;
	s7 =	sadd.s32 s8, s7  }
0xa: {  	s0 =	ssub.s32 s0, s22;
	s22 =	simm.s32 $0x7D;
	s7 =	sshrl.u32 s7, $0x3  }
0xb: {  	s17 =	smax.u32 s0, $0x1;
	s0 =	simm.s32 $0x2780;
	s9 =	sshrl.u32 s4, $0x3  }
0xc: {  	s14 =	sadd.s32 s9, s1;
	s1 =	sadd.s32 s7, s1;
	s7 =	sadd.s32 s21, s3  }
0xd: {  	s12 =	sadd.s32 s2, s9;
	s21 =	simm.s32 $0x5;
	s8 =	sadd.s32 $0x3C00, s7  }
0xe: {  	s23 =	sadd.s32 $0x7800, s7;
	s24 =	sadd.s32 $0xB400, s7;
	[dreg:$0x4] =	wrdreg s8  }
0xf: {  	s25 =	sadd.s32 $0xF000, s7;
	s26 =	sadd.s32 $0x12C00, s7;
	[dreg:$0x5] =	wrdreg s23  }
0x10: {  	s14 =	sadd.s32 $0x2E00, s14;
	s15 =	sadd.s32 $0x10, s12;
	[dreg:$0x6] =	wrdreg s24  }
0x11: {  	s16 =	sadd.s32 $0x34000, s1;
	s18 =	sadd.s32 $0x4F0, s12;
	[dreg:$0x7] =	wrdreg s25  }
0x12: {  	s19 =	sadd.s32 $0x4E0, s12;
	[dreg:$0x8] =	wrdreg s26;
	s24 =	simm.s32 $0x6900  }
0x13: {  	v0 =	vimm.f32 $0.0e+00;
	s25 =	simm.s32 $0x2800;
	s26 =	simm.s32 $0x2880;
	s23 =	simm.s32 $0x0  }
.LBB2_1:
0x14: {  	s1 =	simm.s32 $0x0;
	s8 =	simm.s32 $0x200  }
.LBB2_2:
0x15: {  	p0 =	sne.s32 s8, $0xEE00;
	[tilespmem:s1+$0x2970] =	vst v0  }
0x16: {  	[tilespmem:s1+$0x2900] =	vst v0  }
0x17: {  	[tilespmem:s1+$0x2910] =	vst v0  }
.Ltmp0:
0x18: {  	[tilespmem:s1+$0x2920] =	vst v0;
	(pc) =	sbr.rel @p0 .LBB2_2-.Ltmp0, $4  }
0x19: {  	[tilespmem:s1+$0x2930] =	vst v0  }
0x1a: {  	[tilespmem:s1+$0x2940] =	vst v0  }
0x1b: {  	[tilespmem:s1+$0x2950] =	vst v0  }
0x1c: {  	[tilespmem:s1+$0x2960] =	vst v0;
	s1 =	sshra.s32 s8, $0x2;
	s8 =	sadd.s32 $0x200, s8  }
0x1d: {  	[tilespmem:s1+$0x2970] =	vst v0  }
0x1e: {  	[tilespmem:s1+$0x2900] =	vst v0  }
0x1f: {  	[tilespmem:s1+$0x2910] =	vst v0  }
0x20: {  	[tilespmem:s1+$0x2920] =	vst v0  }
0x21: {  	[tilespmem:s1+$0x2930] =	vst v0  }
0x22: {  	[tilespmem:s1+$0x2940] =	vst v0  }
0x23: {  	[tilespmem:s1+$0x2950] =	vst v0  }
0x24: {  	[tilespmem:s1+$0x2960] =	vst v0  }
0x25: {  	[spmem:s7] =	stream.linear.scatter [tilespmem:s20], [sflag:$0x5], $0x3C00, $0x38;
	[tilespmem:$0x1E900] =	vst v63  }
0x26: {  	_ =	swait.ge [sflag:s21], $0x3C00  }
0x27: {  	[sflag:s21] =	ssyncset.done $0x0  }
0x28: {  	s9 =	rddreg [dreg:$0x4];
	[sflag:s21] =	ssyncadd.s32 $0xFFFFC400  }
0x29: {  	[spmem:s9] =	stream.linear.scatter [tilespmem:s20], [sflag:$0x5], $0x3C00, $0x38;
	[tilespmem:$0x1E900] =	vst v63  }
0x2a: {  	_ =	swait.ge [sflag:s21], $0x3C00  }
0x2b: {  	[sflag:s21] =	ssyncset.done $0x0  }
0x2c: {  	s10 =	rddreg [dreg:$0x5];
	[sflag:s21] =	ssyncadd.s32 $0xFFFFC400  }
0x2d: {  	[spmem:s10] =	stream.linear.scatter [tilespmem:s20], [sflag:$0x5], $0x3C00, $0x38;
	[tilespmem:$0x1E900] =	vst v63  }
0x2e: {  	_ =	swait.ge [sflag:s21], $0x3C00  }
0x2f: {  	[sflag:s21] =	ssyncset.done $0x0  }
0x30: {  	s11 =	rddreg [dreg:$0x6];
	[sflag:s21] =	ssyncadd.s32 $0xFFFFC400  }
0x31: {  	[spmem:s11] =	stream.linear.scatter [tilespmem:s20], [sflag:$0x5], $0x3C00, $0x38;
	[tilespmem:$0x1E900] =	vst v63  }
0x32: {  	_ =	swait.ge [sflag:s21], $0x3C00  }
0x33: {  	[sflag:s21] =	ssyncset.done $0x0  }
0x34: {  	s13 =	rddreg [dreg:$0x7];
	[sflag:s21] =	ssyncadd.s32 $0xFFFFC400  }
0x35: {  	[spmem:s13] =	stream.linear.scatter [tilespmem:s20], [sflag:$0x5], $0x3C00, $0x38;
	[tilespmem:$0x1E900] =	vst v63  }
0x36: {  	_ =	swait.ge [sflag:s21], $0x3C00  }
0x37: {  	[sflag:s21] =	ssyncset.done $0x0  }
0x38: {  	s8 =	rddreg [dreg:$0x8];
	[sflag:s21] =	ssyncadd.s32 $0xFFFFC400  }
0x39: {  	[spmem:s8] =	stream.linear.scatter [tilespmem:s20], [sflag:$0x5], $0x1400, $0x38;
	[tilespmem:$0x1E900] =	vst v63  }
0x3a: {  	_ =	swait.ge [sflag:s21], $0x1400  }
0x3b: {  	[sflag:s21] =	ssyncset.done $0x0  }
0x3c: {  	[sflag:s21] =	ssyncadd.s32 $0xFFFFEC00  }
0x3d: {  	[tilespmem:s5], [sflag:$0x5] =	stream.linear.gather [hbm4b:s14+s5], $0x2800, $0x38;
	[tilespmem:$0x1E900] =	vst v63  }
0x3e: {  	_ =	swait.ge [sflag:s21], $0x2800  }
0x3f: {  	[sflag:s21] =	ssyncset.done $0x0  }
0x40: {  	[sflag:s21] =	ssyncadd.s32 $0xFFFFD800  }
0x41: {  	[bflag:$0x0] =	sbarrier.arrive $0xFFFF  }
0x42: {  	[tilespmem:s20], [sflag:$0x1] =	stream.indirect.gather [hbm4b:s6+s22], $0x80, s5, s22, $0xb8;
	[tilespmem:$0x1E900] =	vst v63  }
0x43: {  	s9 =	simm.s32 $0x80  }
0x44: {  	[tilespmem:s24], [sflag:$0x2] =	stream.indirect.gather [hbm4b:s6+s22], $0x80, s9, s22, $0xb8;
	[tilespmem:$0x1E900] =	vst v63  }
0x45: {  	_ = 	snop  }
0x46: {  	[tilespmem:s25], [sflag:$0x3] =	stream.linear.gather [hbm4b:s12+s5], $0x80, $0x38;
	[tilespmem:$0x1E900] =	vst v63  }
0x47: {  	_ = 	snop  }
0x48: {  	[tilespmem:s26], [sflag:$0x4] =	stream.linear.gather [hbm4b:s15+s5], $0x80, $0x38;
	[tilespmem:$0x1E900] =	vst v63  }
0x49: {  	_ =	swait.ge [sflag:s28], $0x3E80  }
0x4a: {  	[sflag:s28] =	ssyncset.done $0x0  }
0x4b: {  	[sflag:s28] =	ssyncadd.s32 $0xFFFFC180  }
0x4c: {  	_ =	swait.ge [sflag:s29], $0x80  }
0x4d: {  	s10 =	simm.s32 $0x100;
	[sflag:s29] =	ssyncset.done $0x0  }
0x4e: {  	s8 =	sand.u32 $0x7C00, s10;
	[sflag:s29] =	ssyncadd.s32 $0xFFFFFF80  }
0x4f: {  	[spmem:s3] =	stream.indirect.scatter.add.f32 [tilespmem:s20], [sflag:$0x5], $0x80, s25, s22, $0xb8;
	[tilespmem:$0x1E900] =	vst v63  }
0x50: {  	s1 =	sand.u32 $0x300, s10;
	s8 =	sadd.s32 s4, s8;
	_ =	swait.ge [sflag:s21], $0x3E80  }
0x51: {  	s1 =	sor.u32 s1, s8;
	[sflag:s21] =	ssyncset.done $0x0  }
0x52: {  	s1 =	sshrl.u32 s1, $0x3;
	s9 =	simm.s32 $0x100;
	[sflag:s21] =	ssyncadd.s32 $0xFFFFC180  }
0x53: {  	[tilespmem:s20], [sflag:$0x1] =	stream.indirect.gather [hbm4b:s6+s22], $0x80, s9, s22, $0xb8;
	[tilespmem:$0x1E900] =	vst v63  }
0x54: {  	s1 =	sadd.s32 s2, s1  }
0x55: {  	[tilespmem:s25], [sflag:$0x3] =	stream.linear.gather [hbm4b:s1+s5], $0x80, $0x38;
	[tilespmem:$0x1E900] =	vst v63  }
0x56: {  	_ =	swait.ge [sflag:s30], $0x3E80  }
0x57: {  	[sflag:s30] =	ssyncset.done $0x0  }
0x58: {  	[sflag:s30] =	ssyncadd.s32 $0xFFFFC180  }
0x59: {  	_ =	swait.ge [sflag:s31], $0x80  }
0x5a: {  	s1 =	simm.s32 $0x180;
	[sflag:s31] =	ssyncset.done $0x0  }
0x5b: {  	s11 =	sand.u32 $0x7C00, s1;
	[sflag:s31] =	ssyncadd.s32 $0xFFFFFF80  }
0x5c: {  	[spmem:s3] =	stream.indirect.scatter.add.f32 [tilespmem:s24], [sflag:$0x5], $0x80, s26, s22, $0xb8;
	[tilespmem:$0x1E900] =	vst v63  }
0x5d: {  	s13 =	sand.u32 $0x380, s1;
	s8 =	sadd.s32 s4, s11;
	_ =	swait.ge [sflag:s21], $0x3E80  }
0x5e: {  	s9 =	sor.u32 s13, s8;
	[sflag:s21] =	ssyncset.done $0x0  }
0x5f: {  	s8 =	simm.s32 $0x280;
	s9 =	sshrl.u32 s9, $0x3;
	[sflag:s21] =	ssyncadd.s32 $0xFFFFC180  }
0x60: {  	[tilespmem:s24], [sflag:$0x2] =	stream.indirect.gather [hbm4b:s6+s22], $0x80, s1, s22, $0xb8;
	[tilespmem:$0x1E900] =	vst v63  }
.LBB2_4:
0x61: {  	p0 =	sne.s32 s8, $0x2680;
	s9 =	sadd.s32 s2, s9;
	s1 =	sadd.s32 $0x100, s1  }
0x62: {  	[tilespmem:s26], [sflag:$0x4] =	stream.linear.gather [hbm4b:s9+s5], $0x80, $0x38;
	[tilespmem:$0x1E900] =	vst v63  }
0x63: {  	s9 =	smov.u32 s8;
	s8 =	sadd.s32 $0x100, s8;
	_ =	swait.ge [sflag:s28], $0x3E80  }
0x64: {  	[sflag:s28] =	ssyncset.done $0x0  }
0x65: {  	[sflag:s28] =	ssyncadd.s32 $0xFFFFC180  }
0x66: {  	_ =	swait.ge [sflag:s29], $0x80  }
0x67: {  	[sflag:s29] =	ssyncset.done $0x0  }
0x68: {  	s10 =	sadd.s32 $0xFFFFFF80, s9;
	[sflag:s29] =	ssyncadd.s32 $0xFFFFFF80  }
0x69: {  	[spmem:s3] =	stream.indirect.scatter.add.f32 [tilespmem:s20], [sflag:$0x5], $0x80, s25, s22, $0xb8;
	[tilespmem:$0x1E900] =	vst v63  }
0x6a: {  	s11 =	sand.u32 $0x7C00, s10;
	_ =	swait.ge [sflag:s21], $0x3E80  }
0x6b: {  	s10 =	sand.u32 $0x300, s10;
	s11 =	sadd.s32 s4, s11;
	[sflag:s21] =	ssyncset.done $0x0  }
0x6c: {  	s13 =	sadd.s32 $0xFFFFFF80, s1;
	s10 =	sor.u32 s10, s11;
	[sflag:s21] =	ssyncadd.s32 $0xFFFFC180  }
0x6d: {  	[tilespmem:s20], [sflag:$0x1] =	stream.indirect.gather [hbm4b:s6+s22], $0x80, s13, s22, $0xb8;
	[tilespmem:$0x1E900] =	vst v63  }
0x6e: {  	s10 =	sshrl.u32 s10, $0x3  }
0x6f: {  	s10 =	sadd.s32 s2, s10  }
0x70: {  	[tilespmem:s25], [sflag:$0x3] =	stream.linear.gather [hbm4b:s10+s5], $0x80, $0x38;
	[tilespmem:$0x1E900] =	vst v63  }
0x71: {  	_ =	swait.ge [sflag:s30], $0x3E80  }
0x72: {  	[sflag:s30] =	ssyncset.done $0x0  }
0x73: {  	[sflag:s30] =	ssyncadd.s32 $0xFFFFC180  }
0x74: {  	_ =	swait.ge [sflag:s31], $0x80  }
0x75: {  	[sflag:s31] =	ssyncset.done $0x0  }
0x76: {  	s10 =	sand.u32 $0x7C00, s9;
	[sflag:s31] =	ssyncadd.s32 $0xFFFFFF80  }
0x77: {  	[spmem:s3] =	stream.indirect.scatter.add.f32 [tilespmem:s24], [sflag:$0x5], $0x80, s26, s22, $0xb8;
	[tilespmem:$0x1E900] =	vst v63  }
.Ltmp1:
0x78: {  	_ = 	snop;
	(pc) =	sbr.rel @p0 .LBB2_4-.Ltmp1, $4  }
0x79: {  	s9 =	sand.u32 $0x380, s9;
	s10 =	sadd.s32 s4, s10;
	_ =	swait.ge [sflag:s21], $0x3E80  }
0x7a: {  	s9 =	sor.u32 s9, s10;
	[sflag:s21] =	ssyncset.done $0x0  }
0x7b: {  	s9 =	sshrl.u32 s9, $0x3;
	[sflag:s21] =	ssyncadd.s32 $0xFFFFC180  }
0x7c: {  	[tilespmem:s24], [sflag:$0x2] =	stream.indirect.gather [hbm4b:s6+s22], $0x80, s1, s22, $0xb8;
	[tilespmem:$0x1E900] =	vst v63  }
0x7d: {  	s1 =	sadd.s32 s2, s9  }
0x7e: {  	[tilespmem:s26], [sflag:$0x4] =	stream.linear.gather [hbm4b:s1+s5], $0x80, $0x38;
	[tilespmem:$0x1E900] =	vst v63  }
0x7f: {  	_ =	swait.ge [sflag:s28], $0x3E80  }
0x80: {  	[sflag:s28] =	ssyncset.done $0x0  }
0x81: {  	[sflag:s28] =	ssyncadd.s32 $0xFFFFC180  }
0x82: {  	_ =	swait.ge [sflag:s29], $0x80  }
0x83: {  	[sflag:s29] =	ssyncset.done $0x0  }
0x84: {  	[sflag:s29] =	ssyncadd.s32 $0xFFFFFF80  }
0x85: {  	[spmem:s3] =	stream.indirect.scatter.add.f32 [tilespmem:s20], [sflag:$0x5], $0x80, s25, s22, $0xb8;
	[tilespmem:$0x1E900] =	vst v63  }
0x86: {  	_ =	swait.ge [sflag:s21], $0x3E80  }
0x87: {  	[sflag:s21] =	ssyncset.done $0x0  }
0x88: {  	s11 =	simm.s32 $0x2700;
	[sflag:s21] =	ssyncadd.s32 $0xFFFFC180  }
0x89: {  	[tilespmem:s20], [sflag:$0x1] =	stream.indirect.gather [hbm4b:s6+s22], $0x80, s11, s22, $0xb8;
	[tilespmem:$0x1E900] =	vst v63  }
0x8a: {  	_ = 	snop  }
0x8b: {  	[tilespmem:s25], [sflag:$0x3] =	stream.linear.gather [hbm4b:s19+s5], $0x80, $0x38;
	[tilespmem:$0x1E900] =	vst v63  }
0x8c: {  	_ =	swait.ge [sflag:s30], $0x3E80  }
0x8d: {  	[sflag:s30] =	ssyncset.done $0x0  }
0x8e: {  	[sflag:s30] =	ssyncadd.s32 $0xFFFFC180  }
0x8f: {  	_ =	swait.ge [sflag:s31], $0x80  }
0x90: {  	[sflag:s31] =	ssyncset.done $0x0  }
0x91: {  	[sflag:s31] =	ssyncadd.s32 $0xFFFFFF80  }
0x92: {  	[spmem:s3] =	stream.indirect.scatter.add.f32 [tilespmem:s24], [sflag:$0x5], $0x80, s26, s22, $0xb8;
	[tilespmem:$0x1E900] =	vst v63  }
0x93: {  	_ =	swait.ge [sflag:s21], $0x3E80  }
0x94: {  	[sflag:s21] =	ssyncset.done $0x0  }
0x95: {  	[sflag:s21] =	ssyncadd.s32 $0xFFFFC180  }
0x96: {  	[tilespmem:s24], [sflag:$0x2] =	stream.indirect.gather [hbm4b:s6+s22], $0x80, s0, s22, $0xb8;
	[tilespmem:$0x1E900] =	vst v63  }
0x97: {  	_ = 	snop  }
0x98: {  	[tilespmem:s26], [sflag:$0x4] =	stream.linear.gather [hbm4b:s18+s5], $0x80, $0x38;
	[tilespmem:$0x1E900] =	vst v63  }
0x99: {  	_ =	swait.ge [sflag:s28], $0x3E80  }
0x9a: {  	[sflag:s28] =	ssyncset.done $0x0  }
0x9b: {  	[sflag:s28] =	ssyncadd.s32 $0xFFFFC180  }
0x9c: {  	_ =	swait.ge [sflag:s29], $0x80  }
0x9d: {  	[sflag:s29] =	ssyncset.done $0x0  }
0x9e: {  	[sflag:s29] =	ssyncadd.s32 $0xFFFFFF80  }
0x9f: {  	[spmem:s3] =	stream.indirect.scatter.add.f32 [tilespmem:s20], [sflag:$0x5], $0x80, s25, s22, $0xb8;
	[tilespmem:$0x1E900] =	vst v63  }
0xa0: {  	_ =	swait.ge [sflag:s21], $0x3E80  }
0xa1: {  	[sflag:s21] =	ssyncset.done $0x0  }
0xa2: {  	[sflag:s21] =	ssyncadd.s32 $0xFFFFC180  }
0xa3: {  	[tilespmem:s20], [sflag:$0x1] =	stream.indirect.gather [hbm4b:s6+s22], $0x80, s0, s22, $0xb8;
	[tilespmem:$0x1E900] =	vst v63  }
0xa4: {  	_ = 	snop  }
0xa5: {  	[tilespmem:s25], [sflag:$0x3] =	stream.linear.gather [hbm4b:s18+s5], $0x80, $0x38;
	[tilespmem:$0x1E900] =	vst v63  }
0xa6: {  	_ =	swait.ge [sflag:s30], $0x3E80  }
0xa7: {  	[sflag:s30] =	ssyncset.done $0x0  }
0xa8: {  	[sflag:s30] =	ssyncadd.s32 $0xFFFFC180  }
0xa9: {  	_ =	swait.ge [sflag:s31], $0x80  }
0xaa: {  	[sflag:s31] =	ssyncset.done $0x0  }
0xab: {  	[sflag:s31] =	ssyncadd.s32 $0xFFFFFF80  }
0xac: {  	[spmem:s3] =	stream.indirect.scatter.add.f32 [tilespmem:s24], [sflag:$0x5], $0x80, s26, s22, $0xb8;
	[tilespmem:$0x1E900] =	vst v63  }
0xad: {  	_ =	swait.ge [sflag:s21], $0x3E80  }
0xae: {  	[sflag:s21] =	ssyncset.done $0x0  }
0xaf: {  	[sflag:s21] =	ssyncadd.s32 $0xFFFFC180  }
0xb0: {  	[tilespmem:s24], [sflag:$0x2] =	stream.indirect.gather [hbm4b:s6+s22], $0x80, s0, s22, $0xb8;
	[tilespmem:$0x1E900] =	vst v63  }
0xb1: {  	_ = 	snop  }
0xb2: {  	[tilespmem:s26], [sflag:$0x4] =	stream.linear.gather [hbm4b:s18+s5], $0x80, $0x38;
	[tilespmem:$0x1E900] =	vst v63  }
0xb3: {  	_ =	swait.ge [sflag:s28], $0x3E80  }
0xb4: {  	[sflag:s28] =	ssyncset.done $0x0  }
0xb5: {  	[sflag:s28] =	ssyncadd.s32 $0xFFFFC180  }
0xb6: {  	_ =	swait.ge [sflag:s30], $0x3E80  }
0xb7: {  	[sflag:s30] =	ssyncset.done $0x0  }
0xb8: {  	[sflag:s30] =	ssyncadd.s32 $0xFFFFC180  }
0xb9: {  	_ =	swait.ge [sflag:s29], $0x80  }
0xba: {  	[sflag:s29] =	ssyncset.done $0x0  }
0xbb: {  	[sflag:s29] =	ssyncadd.s32 $0xFFFFFF80  }
0xbc: {  	s13 =	stileid.u32;
	_ =	swait.ge [sflag:s31], $0x80  }
0xbd: {  	s8 =	sshrl.u32 s7, $0x3;
	s23 =	sadd.s32 $0x1, s23;
	[sflag:s31] =	ssyncset.done $0x0  }
0xbe: {  	s1 =	sshll.u32 s13, $0x6;
	p0 =	sne.s32 s23, s17;
	[sflag:s31] =	ssyncadd.s32 $0xFFFFFF80  }
.Ltmp2:
0xbf: {  	s1 =	sor.u32 $0x1C05, s1;
	[bflag:$0x0] =	sbarrier.arrive $0xFFFF;
	(pc) =	sbr.rel @p0 .LBB2_1-.Ltmp2, $4  }
0xc0: {  	[hbm:s16], [sflag:s1] =	dma.local [spmem:s8], $0x2800  }
0xc1: {  	_ =	swait.ge [sflag:s21], $0x2800  }
0xc2: {  	[sflag:s21] =	ssyncset.done $0x0  }
0xc3: {  	[sflag:s21] =	ssyncadd.s32 $0xFFFFD800  }
0xc4: {  	_ =	sfence.sel $0x180000  }
0xc5: {  	[bflag:$0x0] =	sbarrier.arrive $0xFFFF  }
0xc6: {  	_ =	strace $0x9000004A  }
0xc7: {  	s0 =	stileid.u32;
	[bflag:$0x2] =	sbarrier.arrive $0xFFFF  }
0xc8: {  	p0 =	sne.s32 s0, $0x0;
	s0 =	rddreg [dreg:$0x3]  }
0xc9: {  	s0 =	sadd.s32 @!p0 $0x100000, s0  }
0xca: {  	[sflag:s0] =	ssyncadd.tile.s32 @!p0 $0x1;
	_ =	shalt  }
.Lfunc_end2:
_tile_overlayer_lowered:
.L_overlay_start_2:
0xcb: {  	(tag) =	ssettag $0x2  }
0xcc: {  	s0 =	rddreg [dreg:$0x0];
	s2 =	stileid.u32  }
0xcd: {  	s1 =	rddreg [dreg:$0x1];
	p0 =	sne.s32 s2, $0x0  }
0xce: {  	s3 =	rddreg [dreg:$0x2];
	[bflag:$0x3] =	sbarrier.arrive $0xFFFF;
	s2 =	simm.s32 @!p0 $0x1C05  }
0xcf: {  	[timem:s3], [sflag:s2] =	dma.local @!p0 [hbm:s0], s1  }
0xd0: {  	s0 =	simm.s32 @!p0 $0x5  }
0xd1: {  	_ =	swait.ge @!p0 [sflag:s0], s1  }
0xd2: {  	s1 =	ssub.s32 @!p0 $0x0, s1;
	[sflag:s0] =	ssyncset.done @!p0 $0x0  }
0xd3: {  	[sflag:s0] =	ssyncadd.s32 @!p0 s1  }
0xd4: {  	[bflag:$0x3] =	sbarrier.arrive $0xFFFF  }
0xd5: {  	_ =	shalt  }

// kernel: kernel.14.cloned.1.call-start
scs
__scs_entry_jumppad:
0x0: {  	(pc) =	sbr.rel $0x88, $3  }
0x1: {  	(tag) =	ssettag $0x0;
	lr =	simm.s32 $0x1  }
0x2: {  	[smem:$0x3F99] =	sst lr;
	_ =	strace $0xD0000000  }
0x3: {  	_ = 	snop  }
0x4: {  	_ = 	snop  }
0x5: {  	_ = 	snop  }
0x6: {  	_ = 	snop  }
0x7: {  	_ = 	snop  }
__scs_overlays_trampoline_lowered:
0x8: {  	[smem:$0x3FA8] =	sst s0  }
0x9: {  	[smem:$0x3FA9] =	sst s1  }
0xa: {  	[smem:$0x3FAA] =	sst s2  }
0xb: {  	[smem:$0x3FAB] =	sst s3  }
0xc: {  	[smem:$0x3FAC] =	sst s4  }
0xd: {  	[smem:$0x3FAD] =	sst s5  }
0xe: {  	[smem:$0x3FAE] =	sst s6  }
0xf: {  	[smem:$0x3FAF] =	sst s7  }
0x10: {  	[smem:$0x3FB0] =	sst s8  }
0x11: {  	[smem:$0x3FB1] =	sst s9;
	s0 =	simm.s32 @!p0 $0x0  }
0x12: {  	s1 =	sld [smem:$0x3F97];
	s0 =	simm.s32 @p0 $0x1  }
0x13: {  	[smem:$0x3FB2] =	sst s0;
	s0 =	simm.s32 @!p1 $0x0  }
0x14: {  	s2 =	sld [smem:$0x3F96];
	s0 =	simm.s32 @p1 $0x1  }
0x15: {  	[smem:$0x3FB3] =	sst s0;
	s0 =	simm.s32 @!p2 $0x0  }
0x16: {  	s3 =	sld [smem:$0x3FDB];
	s0 =	simm.s32 @p2 $0x1  }
0x17: {  	s4 =	simm.s32 $0x1BF5;
	[smem:$0x3FB5] =	sst s0  }
0x18: {  	s0 =	sld [smem:$0x3F98];
	_ =	swait.ge [sflag:s4], $0x0  }
0x19: {  	s7 =	sld [smem:$0x3F99]  }
0x1a: {  	s8 =	sadd.s32 $0xFFFFE003, lr  }
0x1b: {  	s9 =	sadd.s32 $0xFFFFFEF7, lr;
	s5 =	simm.s32 $0xFFFFFFFF;
	p2 =	slt.u32 s8, $0xFFFFF086  }
0x1c: {  	p1 =	slt.u32 s9, $0xF7A;
	s5 =	simm.s32 @!p2 $0x0  }
0x1d: {  	s5 =	simm.s32 @p1 $0x1;
	p0 =	seq.s32 s7, s2  }
0x1e: {  	s7 =	smul.u32 @!p0 $0xF7A, s2;
	p2 =	seq.s32 @!p0 s5, $0x0  }
0x1f: {  	s9 =	smul.u32 $0xF7A, s1;
	s8 =	simm.s32 @!p0 $0x1BF5;
	p2 =	por !p2, p0  }
0x20: {  	[sflag:s8] =	ssyncset.s32 @!p0 $0xFFFFF086;
	s6 =	sadd.s32 @!p0 s3, s7;
	s7 =	simm.s32 @!p0 $0x108  }
0x21: {  	s3 =	sadd.s32 s3, s9;
	s6 =	sadd.s32 @!p0 $0x88, s6;
	s7 =	simm.s32 @p2 $0x1082  }
0x22: {  	[simem:s7], [sflag:s8] =	dma.local @!p0 [hbm:s6], $0xF7A  }
0x23: {  	s9 =	sor.u32 $0xD0000000, s2;
	s6 =	simm.s32 $0x108;
	_ =	swait.ge @!p0 [sflag:s8], $0x0  }
0x24: {  	s3 =	sadd.s32 $0x88, s3;
	s6 =	simm.s32 @!p1 $0x1082;
	[sflag:s4] =	ssyncset.s32 $0xFFFFF086  }
0x25: {  	[simem:s6], [sflag:s4] =	dma.local [hbm:s3], $0xF7A  }
0x26: {  	[smem:$0x3F99] =	sst s1;
	(tag) =	ssettag s2;
	_ =	strace s9  }
0x27: {  	s1 =	sld [smem:$0x3FA9]  }
0x28: {  	s2 =	sld [smem:$0x3FAA]  }
0x29: {  	s4 =	sld [smem:$0x3FAC]  }
0x2a: {  	p0 =	seq.s32 s5, $0x0;
	s5 =	sld [smem:$0x3FAD]  }
0x2b: {  	s6 =	sld [smem:$0x3FAE]  }
0x2c: {  	s7 =	sld [smem:$0x3FAF]  }
0x2d: {  	s3 =	simm.s32 $0x108;
	s8 =	sld [smem:$0x3FB0]  }
0x2e: {  	s3 =	simm.s32 @!p0 $0x1082;
	s9 =	sld [smem:$0x3FB1]  }
0x2f: {  	lr =	sadd.s32 s0, s3;
	s0 =	sld [smem:$0x3FA8]  }
0x30: {  	s3 =	sld [smem:$0x3FAB]  }
0x31: {  	[smem:$0x3FB4] =	sst s10  }
0x32: {  	s10 =	sld [smem:$0x3FB2];
	_ =	sdelay $0x3  }
0x33: {  	p0 =	seq.s32 s10, $0x1;
	s10 =	sld [smem:$0x3FB4];
	_ =	sdelay $0x3  }
0x34: {  	[smem:$0x3FB4] =	sst s10  }
0x35: {  	s10 =	sld [smem:$0x3FB3];
	_ =	sdelay $0x3  }
0x36: {  	p1 =	seq.s32 s10, $0x1;
	s10 =	sld [smem:$0x3FB4];
	_ =	sdelay $0x3  }
0x37: {  	[smem:$0x3FB4] =	sst s10  }
0x38: {  	s10 =	sld [smem:$0x3FB5]  }
0x39: {  	_ = 	snop;
	(pc) =	sbr.ind lr, $3  }
0x3a: {  	_ = 	snop  }
0x3b: {  	_ = 	snop  }
0x3c: {  	p2 =	seq.s32 s10, $0x1;
	s10 =	sld [smem:$0x3FB4]  }
0x3d: {  	_ =	shalt  }
0x3e: {  	_ =	shalt  }
0x3f: {  	_ =	shalt  }
0x40: {  	_ =	shalt  }
0x41: {  	_ =	shalt  }
0x42: {  	_ =	shalt  }
0x43: {  	_ =	shalt  }
0x44: {  	_ =	shalt  }
0x45: {  	_ =	shalt  }
0x46: {  	_ =	shalt  }
0x47: {  	_ =	shalt  }
0x48: {  	_ =	shalt  }
0x49: {  	_ =	shalt  }
0x4a: {  	_ =	shalt  }
0x4b: {  	_ =	shalt  }
0x4c: {  	_ =	shalt  }
0x4d: {  	_ =	shalt  }
0x4e: {  	_ =	shalt  }
0x4f: {  	_ =	shalt  }
0x50: {  	_ =	shalt  }
0x51: {  	_ =	shalt  }
0x52: {  	_ =	shalt  }
0x53: {  	_ =	shalt  }
0x54: {  	_ =	shalt  }
0x55: {  	_ =	shalt  }
0x56: {  	_ =	shalt  }
0x57: {  	_ =	shalt  }
0x58: {  	_ =	shalt  }
0x59: {  	_ =	shalt  }
0x5a: {  	_ =	shalt  }
0x5b: {  	_ =	shalt  }
0x5c: {  	_ =	shalt  }
0x5d: {  	_ =	shalt  }
0x5e: {  	_ =	shalt  }
0x5f: {  	_ =	shalt  }
0x60: {  	_ =	shalt  }
0x61: {  	_ =	shalt  }
0x62: {  	_ =	shalt  }
0x63: {  	_ =	shalt  }
0x64: {  	_ =	shalt  }
0x65: {  	_ =	shalt  }
0x66: {  	_ =	shalt  }
0x67: {  	_ =	shalt  }
0x68: {  	_ =	shalt  }
0x69: {  	_ =	shalt  }
0x6a: {  	_ =	shalt  }
0x6b: {  	_ =	shalt  }
0x6c: {  	_ =	shalt  }
0x6d: {  	_ =	shalt  }
0x6e: {  	_ =	shalt  }
0x6f: {  	_ =	shalt  }
0x70: {  	_ =	shalt  }
0x71: {  	_ =	shalt  }
0x72: {  	_ =	shalt  }
0x73: {  	_ =	shalt  }
0x74: {  	_ =	shalt  }
0x75: {  	_ =	shalt  }
0x76: {  	_ =	shalt  }
0x77: {  	_ =	shalt  }
0x78: {  	_ =	shalt  }
0x79: {  	_ =	shalt  }
0x7a: {  	_ =	shalt  }
0x7b: {  	_ =	shalt  }
0x7c: {  	_ =	shalt  }
0x7d: {  	_ =	shalt  }
0x7e: {  	_ =	shalt  }
0x7f: {  	_ =	shalt  }
0x80: {  	_ =	shalt  }
0x81: {  	_ =	shalt  }
0x82: {  	_ =	shalt  }
0x83: {  	_ =	shalt  }
0x84: {  	_ =	shalt  }
0x85: {  	_ =	shalt  }
0x86: {  	_ =	shalt  }
0x87: {  	_ =	shalt  }
.Lfunc_end0:
.L_simem_size_0:
called_computation.2_lowered:
.L_overlay_start_0:
0x88: {  	s2 =	sld [smem:$0x3FD9]  }
0x89: {  	s3 =	sld [smem:$0x3FFE];
	_ =	sdelay $0x1  }
0x8a: {  	s1 =	srdreg.scid  }
0x8b: {  	s0 =	sand.u32 $0x1, s1  }
0x8c: {  	s17 =	sshll.u32 s0, $0xA;
	s2 =	sadd.s32 s3, s2  }
0x8d: {  	s2 =	sadd.s32 s2, s17  }
0x8e: {  	[smem:$0x3FC0] =	sst s2  }
0x8f: {  	_ = 	snop  }
0x90: {  	s2 =	sld [smem:$0x3FD0];
	(tm) =	ssettm $0x1  }
0x91: {  	s18 =	sld [smem:$0x3FFB];
	_ =	sdelay $0x3  }
0x92: {  	_ =	strace s18  }
0x93: {  	s3 =	sld [smem:$0x3FFC];
	_ =	sdelay $0x3  }
0x94: {  	_ =	strace s3  }
0x95: {  	s3 =	sld [smem:$0x3FFD];
	_ =	sdelay $0x3  }
0x96: {  	_ =	strace s3  }
0x97: {  	_ =	strace $0x8FFFFFFF  }
0x98: {  	s19 =	sld [smem:$0x3FDB];
	_ =	sdelay $0x1  }
0x99: {  	s4 =	simm.s32 $_scs_section_size  }
0x9a: {  	s5 =	simm.s32 $_size__tile_overlayer_lowered;
	s6 =	simm.s32 $_tile_overlayer_lowered  }
0x9b: {  	s22 =	simm.s32 $0x1BFF;
	s21 =	sshll.u32 s6, $0x1;
	s3 =	sadd.s32 s4, s19  }
0x9c: {  	s7 =	simm.s32 $0x0;
	s20 =	sshll.u32 s5, $0x1;
	s5 =	sadd.s32 s21, s3  }
0x9d: {  	[timem:s7], [sflag:s22] =	dma.local [hbm:s5], s20  }
0x9e: {  	_ =	swait.ge [sflag:s22], s20  }
0x9f: {  	s4 =	ssub.s32 $0x0, s20;
	[sflag:s22] =	ssyncset.done $0x0  }
0xa0: {  	[sflag:s22] =	ssyncadd.s32 s4;
	_ =	sdelay $0x1  }
0xa1: {  	s23 =	simm.s32 $0x1B8B  }
0xa2: {  	_ =	swait.ge [sflag:s23], $0x1  }
0xa3: {  	[sflag:s23] =	ssyncset.done $0x0  }
0xa4: {  	s25 =	simm.s32 $0x1B8E;
	s24 =	sld [smem:$0x3FFE];
	[sflag:s23] =	ssyncadd.s32 $0xFFFFFFFF  }
0xa5: {  	s26 =	simm.s32 $execute0_lowered;
	[smem:$0x3FD2] =	sst s25  }
0xa6: {  	s5 =	sshll.u32 s26, $0x1;
	_ =	strace $0x8000004C;
	[dreg:$0x1] =	wrdreg $0xFFFFFFFF  }
0xa7: {  	s28 =	simm.s32 $_size_execute0_lowered;
	s3 =	sadd.s32 s3, s5;
	[dreg:$0x0] =	wrdreg $0x0  }
0xa8: {  	s5 =	sshll.u32 s28, $0x1;
	[dreg:$0x2] =	wrdreg s3  }
0xa9: {  	[dreg:$0x3] =	wrdreg s5  }
0xaa: {  	[dreg:$0x4] =	wrdreg $0xC0  }
0xab: {  	_ =	task [dreg:s7], $0x5FFFF  }
0xac: {  	[dreg:$0x1] =	wrdreg $0xFFFFFFFF  }
0xad: {  	[dreg:$0x0] =	wrdreg $0x60  }
0xae: {  	[dreg:$0x2] =	wrdreg s24  }
0xaf: {  	[dreg:$0x3] =	wrdreg s2  }
0xb0: {  	[dreg:$0x4] =	wrdreg $0xA9000  }
0xb1: {  	[dreg:$0x5] =	wrdreg $0x9  }
0xb2: {  	_ =	task.clear_ibuf [dreg:s7], $0x6FFFF;
	_ =	strace $0x9000004C  }
0xb3: {  	s29 =	simm.s32 $0x9;
	_ =	strace $0x8000004E  }
0xb4: {  	_ =	swait.ge [sflag:s29], $0x1  }
0xb5: {  	[sflag:s29] =	ssyncadd.s32 $0xFFFFFFFF  }
0xb6: {  	_ =	strace $0x9000004E  }
0xb7: {  	_ =	sfence  }
0xb8: {  	s30 =	sld [smem:$0x0];
	_ =	sdelay $0x2  }
0xb9: {  	s31 =	sshll.u32 s1, $0xD;
	s1 =	sshrl.u32 s1, $0x2  }
0xba: {  	s3 =	sand.u32 $0x4000, s31;
	s1 =	sadd.s32 s1, s30  }
0xbb: {  	s0 =	sor.u32 s3, s0;
	s1 =	sshll.u32 s1, $0x11  }
0xbc: {  	s0 =	sor.u32 s1, s0  }
0xbd: {  	s0 =	sadd.s32 $0x8F2B, s0  }
0xbe: {  	[sflag:s0] =	ssyncadd.remote.s32 $0x1  }
0xbf: {  	_ =	sfence.sel $0xFFFF  }
0xc0: {  	[dreg:$0x0] =	wrdreg $0xFFFFFFFF;
	(pc) =	sbr.abs _section_cstart, $3  }
0xc1: {  	[dreg:$0x1] =	wrdreg $0xFFFFFFFF  }
0xc2: {  	_ =	task.clear_ibuf [dreg:s7], $0x2FFFF;
	_ =	strace $0x9FFFFFFF  }
0xc3: {  	(tm) =	ssettm $0x7FFFFFFF  }
tec
execute0_lowered:
.L_overlay_start_1:
0x0: {  	(tag) =	ssettag $0x1  }
0x1: {  	s0 =	srdreg.scid;
	s1 =	rddreg [dreg:$0x0]  }
0x2: {  	s6 =	stileid.u32;
	s2 =	rddreg [dreg:$0x1]  }
0x3: {  	s5 =	simm.s32 $0x0;
	s20 =	simm.s32 $0x2900;
	s28 =	simm.s32 $0x1  }
0x4: {  	s29 =	simm.s32 $0x3;
	s30 =	simm.s32 $0x2;
	s8 =	smul.u32 $0x14000, s6  }
0x5: {  	s31 =	simm.s32 $0x4;
	s0 =	sand.u32 $0x1, s0;
	s10 =	smul.u32 $0x50000, s6  }
0x6: {  	[smem:$0x7FF] =	sst s5;
	s3 =	sshll.u32 s0, $0x4;
	s7 =	smul.u32 $0x140000, s0  }
0x7: {  	s0 =	ssub.s32 $0x2, s0;
	s4 =	sor.u32 s6, s3;
	s3 =	rddreg [dreg:$0x2]  }
0x8: {  	_ =	strace $0x8000004D;
	s6 =	sadd.s32 $0xCE00, s1;
	s21 =	sshrl.u32 s10, $0x2  }
0x9: {  	s22 =	sshrl.u32 s0, $0x1;
	s4 =	smul.u32 $0x2800, s4;
	s7 =	sadd.s32 s8, s7  }
0xa: {  	s0 =	ssub.s32 s0, s22;
	s22 =	simm.s32 $0x7D;
	s7 =	sshrl.u32 s7, $0x3  }
0xb: {  	s17 =	smax.u32 s0, $0x1;
	s0 =	simm.s32 $0x2780;
	s9 =	sshrl.u32 s4, $0x3  }
0xc: {  	s14 =	sadd.s32 s9, s1;
	s1 =	sadd.s32 s7, s1;
	s7 =	sadd.s32 s21, s3  }
0xd: {  	s12 =	sadd.s32 s2, s9;
	s21 =	simm.s32 $0x5;
	s8 =	sadd.s32 $0x3C00, s7  }
0xe: {  	s23 =	sadd.s32 $0x7800, s7;
	s24 =	sadd.s32 $0xB400, s7;
	[dreg:$0x4] =	wrdreg s8  }
0xf: {  	s25 =	sadd.s32 $0xF000, s7;
	s26 =	sadd.s32 $0x12C00, s7;
	[dreg:$0x5] =	wrdreg s23  }
0x10: {  	s14 =	sadd.s32 $0x2E00, s14;
	s15 =	sadd.s32 $0x10, s12;
	[dreg:$0x6] =	wrdreg s24  }
0x11: {  	s16 =	sadd.s32 $0x34000, s1;
	s18 =	sadd.s32 $0x4F0, s12;
	[dreg:$0x7] =	wrdreg s25  }
0x12: {  	s19 =	sadd.s32 $0x4E0, s12;
	[dreg:$0x8] =	wrdreg s26;
	s24 =	simm.s32 $0x6900  }
0x13: {  	v0 =	vimm.f32 $0.0e+00;
	s25 =	simm.s32 $0x2800;
	s26 =	simm.s32 $0x2880;
	s23 =	simm.s32 $0x0  }
.LBB2_1:
0x14: {  	s1 =	simm.s32 $0x0;
	s8 =	simm.s32 $0x200  }
.LBB2_2:
0x15: {  	p0 =	sne.s32 s8, $0xEE00;
	[tilespmem:s1+$0x2970] =	vst v0  }
0x16: {  	[tilespmem:s1+$0x2900] =	vst v0  }
0x17: {  	[tilespmem:s1+$0x2910] =	vst v0  }
.Ltmp0:
0x18: {  	[tilespmem:s1+$0x2920] =	vst v0;
	(pc) =	sbr.rel @p0 .LBB2_2-.Ltmp0, $4  }
0x19: {  	[tilespmem:s1+$0x2930] =	vst v0  }
0x1a: {  	[tilespmem:s1+$0x2940] =	vst v0  }
0x1b: {  	[tilespmem:s1+$0x2950] =	vst v0  }
0x1c: {  	[tilespmem:s1+$0x2960] =	vst v0;
	s1 =	sshra.s32 s8, $0x2;
	s8 =	sadd.s32 $0x200, s8  }
0x1d: {  	[tilespmem:s1+$0x2970] =	vst v0  }
0x1e: {  	[tilespmem:s1+$0x2900] =	vst v0  }
0x1f: {  	[tilespmem:s1+$0x2910] =	vst v0  }
0x20: {  	[tilespmem:s1+$0x2920] =	vst v0  }
0x21: {  	[tilespmem:s1+$0x2930] =	vst v0  }
0x22: {  	[tilespmem:s1+$0x2940] =	vst v0  }
0x23: {  	[tilespmem:s1+$0x2950] =	vst v0  }
0x24: {  	[tilespmem:s1+$0x2960] =	vst v0  }
0x25: {  	[spmem:s7] =	stream.linear.scatter [tilespmem:s20], [sflag:$0x5], $0x3C00, $0x38;
	[tilespmem:$0x1E900] =	vst v63  }
0x26: {  	_ =	swait.ge [sflag:s21], $0x3C00  }
0x27: {  	[sflag:s21] =	ssyncset.done $0x0  }
0x28: {  	s9 =	rddreg [dreg:$0x4];
	[sflag:s21] =	ssyncadd.s32 $0xFFFFC400  }
0x29: {  	[spmem:s9] =	stream.linear.scatter [tilespmem:s20], [sflag:$0x5], $0x3C00, $0x38;
	[tilespmem:$0x1E900] =	vst v63  }
0x2a: {  	_ =	swait.ge [sflag:s21], $0x3C00  }
0x2b: {  	[sflag:s21] =	ssyncset.done $0x0  }
0x2c: {  	s10 =	rddreg [dreg:$0x5];
	[sflag:s21] =	ssyncadd.s32 $0xFFFFC400  }
0x2d: {  	[spmem:s10] =	stream.linear.scatter [tilespmem:s20], [sflag:$0x5], $0x3C00, $0x38;
	[tilespmem:$0x1E900] =	vst v63  }
0x2e: {  	_ =	swait.ge [sflag:s21], $0x3C00  }
0x2f: {  	[sflag:s21] =	ssyncset.done $0x0  }
0x30: {  	s11 =	rddreg [dreg:$0x6];
	[sflag:s21] =	ssyncadd.s32 $0xFFFFC400  }
0x31: {  	[spmem:s11] =	stream.linear.scatter [tilespmem:s20], [sflag:$0x5], $0x3C00, $0x38;
	[tilespmem:$0x1E900] =	vst v63  }
0x32: {  	_ =	swait.ge [sflag:s21], $0x3C00  }
0x33: {  	[sflag:s21] =	ssyncset.done $0x0  }
0x34: {  	s13 =	rddreg [dreg:$0x7];
	[sflag:s21] =	ssyncadd.s32 $0xFFFFC400  }
0x35: {  	[spmem:s13] =	stream.linear.scatter [tilespmem:s20], [sflag:$0x5], $0x3C00, $0x38;
	[tilespmem:$0x1E900] =	vst v63  }
0x36: {  	_ =	swait.ge [sflag:s21], $0x3C00  }
0x37: {  	[sflag:s21] =	ssyncset.done $0x0  }
0x38: {  	s8 =	rddreg [dreg:$0x8];
	[sflag:s21] =	ssyncadd.s32 $0xFFFFC400  }
0x39: {  	[spmem:s8] =	stream.linear.scatter [tilespmem:s20], [sflag:$0x5], $0x1400, $0x38;
	[tilespmem:$0x1E900] =	vst v63  }
0x3a: {  	_ =	swait.ge [sflag:s21], $0x1400  }
0x3b: {  	[sflag:s21] =	ssyncset.done $0x0  }
0x3c: {  	[sflag:s21] =	ssyncadd.s32 $0xFFFFEC00  }
0x3d: {  	[tilespmem:s5], [sflag:$0x5] =	stream.linear.gather [hbm4b:s14+s5], $0x2800, $0x38;
	[tilespmem:$0x1E900] =	vst v63  }
0x3e: {  	_ =	swait.ge [sflag:s21], $0x2800  }
0x3f: {  	[sflag:s21] =	ssyncset.done $0x0  }
0x40: {  	[sflag:s21] =	ssyncadd.s32 $0xFFFFD800  }
0x41: {  	[bflag:$0x0] =	sbarrier.arrive $0xFFFF  }
0x42: {  	[tilespmem:s20], [sflag:$0x1] =	stream.indirect.gather [hbm4b:s6+s22], $0x80, s5, s22, $0xb8;
	[tilespmem:$0x1E900] =	vst v63  }
0x43: {  	s9 =	simm.s32 $0x80  }
0x44: {  	[tilespmem:s24], [sflag:$0x2] =	stream.indirect.gather [hbm4b:s6+s22], $0x80, s9, s22, $0xb8;
	[tilespmem:$0x1E900] =	vst v63  }
0x45: {  	_ = 	snop  }
0x46: {  	[tilespmem:s25], [sflag:$0x3] =	stream.linear.gather [hbm4b:s12+s5], $0x80, $0x38;
	[tilespmem:$0x1E900] =	vst v63  }
0x47: {  	_ = 	snop  }
0x48: {  	[tilespmem:s26], [sflag:$0x4] =	stream.linear.gather [hbm4b:s15+s5], $0x80, $0x38;
	[tilespmem:$0x1E900] =	vst v63  }
0x49: {  	_ =	swait.ge [sflag:s28], $0x3E80  }
0x4a: {  	[sflag:s28] =	ssyncset.done $0x0  }
0x4b: {  	[sflag:s28] =	ssyncadd.s32 $0xFFFFC180  }
0x4c: {  	_ =	swait.ge [sflag:s29], $0x80  }
0x4d: {  	s10 =	simm.s32 $0x100;
	[sflag:s29] =	ssyncset.done $0x0  }
0x4e: {  	s8 =	sand.u32 $0x7C00, s10;
	[sflag:s29] =	ssyncadd.s32 $0xFFFFFF80  }
0x4f: {  	[spmem:s3] =	stream.indirect.scatter.add.f32 [tilespmem:s20], [sflag:$0x5], $0x80, s25, s22, $0xb8;
	[tilespmem:$0x1E900] =	vst v63  }
0x50: {  	s1 =	sand.u32 $0x300, s10;
	s8 =	sadd.s32 s4, s8;
	_ =	swait.ge [sflag:s21], $0x3E80  }
0x51: {  	s1 =	sor.u32 s1, s8;
	[sflag:s21] =	ssyncset.done $0x0  }
0x52: {  	s1 =	sshrl.u32 s1, $0x3;
	s9 =	simm.s32 $0x100;
	[sflag:s21] =	ssyncadd.s32 $0xFFFFC180  }
0x53: {  	[tilespmem:s20], [sflag:$0x1] =	stream.indirect.gather [hbm4b:s6+s22], $0x80, s9, s22, $0xb8;
	[tilespmem:$0x1E900] =	vst v63  }
0x54: {  	s1 =	sadd.s32 s2, s1  }
0x55: {  	[tilespmem:s25], [sflag:$0x3] =	stream.linear.gather [hbm4b:s1+s5], $0x80, $0x38;
	[tilespmem:$0x1E900] =	vst v63  }
0x56: {  	_ =	swait.ge [sflag:s30], $0x3E80  }
0x57: {  	[sflag:s30] =	ssyncset.done $0x0  }
0x58: {  	[sflag:s30] =	ssyncadd.s32 $0xFFFFC180  }
0x59: {  	_ =	swait.ge [sflag:s31], $0x80  }
0x5a: {  	s1 =	simm.s32 $0x180;
	[sflag:s31] =	ssyncset.done $0x0  }
0x5b: {  	s11 =	sand.u32 $0x7C00, s1;
	[sflag:s31] =	ssyncadd.s32 $0xFFFFFF80  }
0x5c: {  	[spmem:s3] =	stream.indirect.scatter.add.f32 [tilespmem:s24], [sflag:$0x5], $0x80, s26, s22, $0xb8;
	[tilespmem:$0x1E900] =	vst v63  }
0x5d: {  	s13 =	sand.u32 $0x380, s1;
	s8 =	sadd.s32 s4, s11;
	_ =	swait.ge [sflag:s21], $0x3E80  }
0x5e: {  	s9 =	sor.u32 s13, s8;
	[sflag:s21] =	ssyncset.done $0x0  }
0x5f: {  	s8 =	simm.s32 $0x280;
	s9 =	sshrl.u32 s9, $0x3;
	[sflag:s21] =	ssyncadd.s32 $0xFFFFC180  }
0x60: {  	[tilespmem:s24], [sflag:$0x2] =	stream.indirect.gather [hbm4b:s6+s22], $0x80, s1, s22, $0xb8;
	[tilespmem:$0x1E900] =	vst v63  }
.LBB2_4:
0x61: {  	p0 =	sne.s32 s8, $0x2680;
	s9 =	sadd.s32 s2, s9;
	s1 =	sadd.s32 $0x100, s1  }
0x62: {  	[tilespmem:s26], [sflag:$0x4] =	stream.linear.gather [hbm4b:s9+s5], $0x80, $0x38;
	[tilespmem:$0x1E900] =	vst v63  }
0x63: {  	s9 =	smov.u32 s8;
	s8 =	sadd.s32 $0x100, s8;
	_ =	swait.ge [sflag:s28], $0x3E80  }
0x64: {  	[sflag:s28] =	ssyncset.done $0x0  }
0x65: {  	[sflag:s28] =	ssyncadd.s32 $0xFFFFC180  }
0x66: {  	_ =	swait.ge [sflag:s29], $0x80  }
0x67: {  	[sflag:s29] =	ssyncset.done $0x0  }
0x68: {  	s10 =	sadd.s32 $0xFFFFFF80, s9;
	[sflag:s29] =	ssyncadd.s32 $0xFFFFFF80  }
0x69: {  	[spmem:s3] =	stream.indirect.scatter.add.f32 [tilespmem:s20], [sflag:$0x5], $0x80, s25, s22, $0xb8;
	[tilespmem:$0x1E900] =	vst v63  }
0x6a: {  	s11 =	sand.u32 $0x7C00, s10;
	_ =	swait.ge [sflag:s21], $0x3E80  }
0x6b: {  	s10 =	sand.u32 $0x300, s10;
	s11 =	sadd.s32 s4, s11;
	[sflag:s21] =	ssyncset.done $0x0  }
0x6c: {  	s13 =	sadd.s32 $0xFFFFFF80, s1;
	s10 =	sor.u32 s10, s11;
	[sflag:s21] =	ssyncadd.s32 $0xFFFFC180  }
0x6d: {  	[tilespmem:s20], [sflag:$0x1] =	stream.indirect.gather [hbm4b:s6+s22], $0x80, s13, s22, $0xb8;
	[tilespmem:$0x1E900] =	vst v63  }
0x6e: {  	s10 =	sshrl.u32 s10, $0x3  }
0x6f: {  	s10 =	sadd.s32 s2, s10  }
0x70: {  	[tilespmem:s25], [sflag:$0x3] =	stream.linear.gather [hbm4b:s10+s5], $0x80, $0x38;
	[tilespmem:$0x1E900] =	vst v63  }
0x71: {  	_ =	swait.ge [sflag:s30], $0x3E80  }
0x72: {  	[sflag:s30] =	ssyncset.done $0x0  }
0x73: {  	[sflag:s30] =	ssyncadd.s32 $0xFFFFC180  }
0x74: {  	_ =	swait.ge [sflag:s31], $0x80  }
0x75: {  	[sflag:s31] =	ssyncset.done $0x0  }
0x76: {  	s10 =	sand.u32 $0x7C00, s9;
	[sflag:s31] =	ssyncadd.s32 $0xFFFFFF80  }
0x77: {  	[spmem:s3] =	stream.indirect.scatter.add.f32 [tilespmem:s24], [sflag:$0x5], $0x80, s26, s22, $0xb8;
	[tilespmem:$0x1E900] =	vst v63  }
.Ltmp1:
0x78: {  	_ = 	snop;
	(pc) =	sbr.rel @p0 .LBB2_4-.Ltmp1, $4  }
0x79: {  	s9 =	sand.u32 $0x380, s9;
	s10 =	sadd.s32 s4, s10;
	_ =	swait.ge [sflag:s21], $0x3E80  }
0x7a: {  	s9 =	sor.u32 s9, s10;
	[sflag:s21] =	ssyncset.done $0x0  }
0x7b: {  	s9 =	sshrl.u32 s9, $0x3;
	[sflag:s21] =	ssyncadd.s32 $0xFFFFC180  }
0x7c: {  	[tilespmem:s24], [sflag:$0x2] =	stream.indirect.gather [hbm4b:s6+s22], $0x80, s1, s22, $0xb8;
	[tilespmem:$0x1E900] =	vst v63  }
0x7d: {  	s1 =	sadd.s32 s2, s9  }
0x7e: {  	[tilespmem:s26], [sflag:$0x4] =	stream.linear.gather [hbm4b:s1+s5], $0x80, $0x38;
	[tilespmem:$0x1E900] =	vst v63  }
0x7f: {  	_ =	swait.ge [sflag:s28], $0x3E80  }
0x80: {  	[sflag:s28] =	ssyncset.done $0x0  }
0x81: {  	[sflag:s28] =	ssyncadd.s32 $0xFFFFC180  }
0x82: {  	_ =	swait.ge [sflag:s29], $0x80  }
0x83: {  	[sflag:s29] =	ssyncset.done $0x0  }
0x84: {  	[sflag:s29] =	ssyncadd.s32 $0xFFFFFF80  }
0x85: {  	[spmem:s3] =	stream.indirect.scatter.add.f32 [tilespmem:s20], [sflag:$0x5], $0x80, s25, s22, $0xb8;
	[tilespmem:$0x1E900] =	vst v63  }
0x86: {  	_ =	swait.ge [sflag:s21], $0x3E80  }
0x87: {  	[sflag:s21] =	ssyncset.done $0x0  }
0x88: {  	s11 =	simm.s32 $0x2700;
	[sflag:s21] =	ssyncadd.s32 $0xFFFFC180  }
0x89: {  	[tilespmem:s20], [sflag:$0x1] =	stream.indirect.gather [hbm4b:s6+s22], $0x80, s11, s22, $0xb8;
	[tilespmem:$0x1E900] =	vst v63  }
0x8a: {  	_ = 	snop  }
0x8b: {  	[tilespmem:s25], [sflag:$0x3] =	stream.linear.gather [hbm4b:s19+s5], $0x80, $0x38;
	[tilespmem:$0x1E900] =	vst v63  }
0x8c: {  	_ =	swait.ge [sflag:s30], $0x3E80  }
0x8d: {  	[sflag:s30] =	ssyncset.done $0x0  }
0x8e: {  	[sflag:s30] =	ssyncadd.s32 $0xFFFFC180  }
0x8f: {  	_ =	swait.ge [sflag:s31], $0x80  }
0x90: {  	[sflag:s31] =	ssyncset.done $0x0  }
0x91: {  	[sflag:s31] =	ssyncadd.s32 $0xFFFFFF80  }
0x92: {  	[spmem:s3] =	stream.indirect.scatter.add.f32 [tilespmem:s24], [sflag:$0x5], $0x80, s26, s22, $0xb8;
	[tilespmem:$0x1E900] =	vst v63  }
0x93: {  	_ =	swait.ge [sflag:s21], $0x3E80  }
0x94: {  	[sflag:s21] =	ssyncset.done $0x0  }
0x95: {  	[sflag:s21] =	ssyncadd.s32 $0xFFFFC180  }
0x96: {  	[tilespmem:s24], [sflag:$0x2] =	stream.indirect.gather [hbm4b:s6+s22], $0x80, s0, s22, $0xb8;
	[tilespmem:$0x1E900] =	vst v63  }
0x97: {  	_ = 	snop  }
0x98: {  	[tilespmem:s26], [sflag:$0x4] =	stream.linear.gather [hbm4b:s18+s5], $0x80, $0x38;
	[tilespmem:$0x1E900] =	vst v63  }
0x99: {  	_ =	swait.ge [sflag:s28], $0x3E80  }
0x9a: {  	[sflag:s28] =	ssyncset.done $0x0  }
0x9b: {  	[sflag:s28] =	ssyncadd.s32 $0xFFFFC180  }
0x9c: {  	_ =	swait.ge [sflag:s29], $0x80  }
0x9d: {  	[sflag:s29] =	ssyncset.done $0x0  }
0x9e: {  	[sflag:s29] =	ssyncadd.s32 $0xFFFFFF80  }
0x9f: {  	[spmem:s3] =	stream.indirect.scatter.add.f32 [tilespmem:s20], [sflag:$0x5], $0x80, s25, s22, $0xb8;
	[tilespmem:$0x1E900] =	vst v63  }
0xa0: {  	_ =	swait.ge [sflag:s21], $0x3E80  }
0xa1: {  	[sflag:s21] =	ssyncset.done $0x0  }
0xa2: {  	[sflag:s21] =	ssyncadd.s32 $0xFFFFC180  }
0xa3: {  	[tilespmem:s20], [sflag:$0x1] =	stream.indirect.gather [hbm4b:s6+s22], $0x80, s0, s22, $0xb8;
	[tilespmem:$0x1E900] =	vst v63  }
0xa4: {  	_ = 	snop  }
0xa5: {  	[tilespmem:s25], [sflag:$0x3] =	stream.linear.gather [hbm4b:s18+s5], $0x80, $0x38;
	[tilespmem:$0x1E900] =	vst v63  }
0xa6: {  	_ =	swait.ge [sflag:s30], $0x3E80  }
0xa7: {  	[sflag:s30] =	ssyncset.done $0x0  }
0xa8: {  	[sflag:s30] =	ssyncadd.s32 $0xFFFFC180  }
0xa9: {  	_ =	swait.ge [sflag:s31], $0x80  }
0xaa: {  	[sflag:s31] =	ssyncset.done $0x0  }
0xab: {  	[sflag:s31] =	ssyncadd.s32 $0xFFFFFF80  }
0xac: {  	[spmem:s3] =	stream.indirect.scatter.add.f32 [tilespmem:s24], [sflag:$0x5], $0x80, s26, s22, $0xb8;
	[tilespmem:$0x1E900] =	vst v63  }
0xad: {  	_ =	swait.ge [sflag:s21], $0x3E80  }
0xae: {  	[sflag:s21] =	ssyncset.done $0x0  }
0xaf: {  	[sflag:s21] =	ssyncadd.s32 $0xFFFFC180  }
0xb0: {  	[tilespmem:s24], [sflag:$0x2] =	stream.indirect.gather [hbm4b:s6+s22], $0x80, s0, s22, $0xb8;
	[tilespmem:$0x1E900] =	vst v63  }
0xb1: {  	_ = 	snop  }
0xb2: {  	[tilespmem:s26], [sflag:$0x4] =	stream.linear.gather [hbm4b:s18+s5], $0x80, $0x38;
	[tilespmem:$0x1E900] =	vst v63  }
0xb3: {  	_ =	swait.ge [sflag:s28], $0x3E80  }
0xb4: {  	[sflag:s28] =	ssyncset.done $0x0  }
0xb5: {  	[sflag:s28] =	ssyncadd.s32 $0xFFFFC180  }
0xb6: {  	_ =	swait.ge [sflag:s30], $0x3E80  }
0xb7: {  	[sflag:s30] =	ssyncset.done $0x0  }
0xb8: {  	[sflag:s30] =	ssyncadd.s32 $0xFFFFC180  }
0xb9: {  	_ =	swait.ge [sflag:s29], $0x80  }
0xba: {  	[sflag:s29] =	ssyncset.done $0x0  }
0xbb: {  	[sflag:s29] =	ssyncadd.s32 $0xFFFFFF80  }
0xbc: {  	s13 =	stileid.u32;
	_ =	swait.ge [sflag:s31], $0x80  }
0xbd: {  	s8 =	sshrl.u32 s7, $0x3;
	s23 =	sadd.s32 $0x1, s23;
	[sflag:s31] =	ssyncset.done $0x0  }
0xbe: {  	s1 =	sshll.u32 s13, $0x6;
	p0 =	sne.s32 s23, s17;
	[sflag:s31] =	ssyncadd.s32 $0xFFFFFF80  }
.Ltmp2:
0xbf: {  	s1 =	sor.u32 $0x1C05, s1;
	[bflag:$0x0] =	sbarrier.arrive $0xFFFF;
	(pc) =	sbr.rel @p0 .LBB2_1-.Ltmp2, $4  }
0xc0: {  	[hbm:s16], [sflag:s1] =	dma.local [spmem:s8], $0x2800  }
0xc1: {  	_ =	swait.ge [sflag:s21], $0x2800  }
0xc2: {  	[sflag:s21] =	ssyncset.done $0x0  }
0xc3: {  	[sflag:s21] =	ssyncadd.s32 $0xFFFFD800  }
0xc4: {  	_ =	sfence.sel $0x180000  }
0xc5: {  	[bflag:$0x0] =	sbarrier.arrive $0xFFFF  }
0xc6: {  	_ =	strace $0x9000004D  }
0xc7: {  	s0 =	stileid.u32;
	[bflag:$0x2] =	sbarrier.arrive $0xFFFF  }
0xc8: {  	p0 =	sne.s32 s0, $0x0;
	s0 =	rddreg [dreg:$0x3]  }
0xc9: {  	s0 =	sadd.s32 @!p0 $0x100000, s0  }
0xca: {  	[sflag:s0] =	ssyncadd.tile.s32 @!p0 $0x1;
	_ =	shalt  }
.Lfunc_end2:
_tile_overlayer_lowered:
.L_overlay_start_2:
0xcb: {  	(tag) =	ssettag $0x2  }
0xcc: {  	s0 =	rddreg [dreg:$0x0];
	s2 =	stileid.u32  }
0xcd: {  	s1 =	rddreg [dreg:$0x1];
	p0 =	sne.s32 s2, $0x0  }
0xce: {  	s3 =	rddreg [dreg:$0x2];
	[bflag:$0x3] =	sbarrier.arrive $0xFFFF;
	s2 =	simm.s32 @!p0 $0x1C05  }
0xcf: {  	[timem:s3], [sflag:s2] =	dma.local @!p0 [hbm:s0], s1  }
0xd0: {  	s0 =	simm.s32 @!p0 $0x5  }
0xd1: {  	_ =	swait.ge @!p0 [sflag:s0], s1  }
0xd2: {  	s1 =	ssub.s32 @!p0 $0x0, s1;
	[sflag:s0] =	ssyncset.done @!p0 $0x0  }
0xd3: {  	[sflag:s0] =	ssyncadd.s32 @!p0 s1  }
0xd4: {  	[bflag:$0x3] =	sbarrier.arrive $0xFFFF  }
0xd5: {  	_ =	shalt  }

// kernel: kernel.8.cloned.1.call-start
scs
__scs_entry_jumppad:
0x0: {  	(pc) =	sbr.rel $0x88, $3  }
0x1: {  	(tag) =	ssettag $0x0;
	lr =	simm.s32 $0x1  }
0x2: {  	[smem:$0x3F99] =	sst lr;
	_ =	strace $0xD0000000  }
0x3: {  	_ = 	snop  }
0x4: {  	_ = 	snop  }
0x5: {  	_ = 	snop  }
0x6: {  	_ = 	snop  }
0x7: {  	_ = 	snop  }
__scs_overlays_trampoline_lowered:
0x8: {  	[smem:$0x3FA8] =	sst s0  }
0x9: {  	[smem:$0x3FA9] =	sst s1  }
0xa: {  	[smem:$0x3FAA] =	sst s2  }
0xb: {  	[smem:$0x3FAB] =	sst s3  }
0xc: {  	[smem:$0x3FAC] =	sst s4  }
0xd: {  	[smem:$0x3FAD] =	sst s5  }
0xe: {  	[smem:$0x3FAE] =	sst s6  }
0xf: {  	[smem:$0x3FAF] =	sst s7  }
0x10: {  	[smem:$0x3FB0] =	sst s8  }
0x11: {  	[smem:$0x3FB1] =	sst s9;
	s0 =	simm.s32 @!p0 $0x0  }
0x12: {  	s1 =	sld [smem:$0x3F97];
	s0 =	simm.s32 @p0 $0x1  }
0x13: {  	[smem:$0x3FB2] =	sst s0;
	s0 =	simm.s32 @!p1 $0x0  }
0x14: {  	s2 =	sld [smem:$0x3F96];
	s0 =	simm.s32 @p1 $0x1  }
0x15: {  	[smem:$0x3FB3] =	sst s0;
	s0 =	simm.s32 @!p2 $0x0  }
0x16: {  	s3 =	sld [smem:$0x3FDB];
	s0 =	simm.s32 @p2 $0x1  }
0x17: {  	s4 =	simm.s32 $0x1BF5;
	[smem:$0x3FB5] =	sst s0  }
0x18: {  	s0 =	sld [smem:$0x3F98];
	_ =	swait.ge [sflag:s4], $0x0  }
0x19: {  	s7 =	sld [smem:$0x3F99]  }
0x1a: {  	s8 =	sadd.s32 $0xFFFFE003, lr  }
0x1b: {  	s9 =	sadd.s32 $0xFFFFFEF7, lr;
	s5 =	simm.s32 $0xFFFFFFFF;
	p2 =	slt.u32 s8, $0xFFFFF086  }
0x1c: {  	p1 =	slt.u32 s9, $0xF7A;
	s5 =	simm.s32 @!p2 $0x0  }
0x1d: {  	s5 =	simm.s32 @p1 $0x1;
	p0 =	seq.s32 s7, s2  }
0x1e: {  	s7 =	smul.u32 @!p0 $0xF7A, s2;
	p2 =	seq.s32 @!p0 s5, $0x0  }
0x1f: {  	s9 =	smul.u32 $0xF7A, s1;
	s8 =	simm.s32 @!p0 $0x1BF5;
	p2 =	por !p2, p0  }
0x20: {  	[sflag:s8] =	ssyncset.s32 @!p0 $0xFFFFF086;
	s6 =	sadd.s32 @!p0 s3, s7;
	s7 =	simm.s32 @!p0 $0x108  }
0x21: {  	s3 =	sadd.s32 s3, s9;
	s6 =	sadd.s32 @!p0 $0x88, s6;
	s7 =	simm.s32 @p2 $0x1082  }
0x22: {  	[simem:s7], [sflag:s8] =	dma.local @!p0 [hbm:s6], $0xF7A  }
0x23: {  	s9 =	sor.u32 $0xD0000000, s2;
	s6 =	simm.s32 $0x108;
	_ =	swait.ge @!p0 [sflag:s8], $0x0  }
0x24: {  	s3 =	sadd.s32 $0x88, s3;
	s6 =	simm.s32 @!p1 $0x1082;
	[sflag:s4] =	ssyncset.s32 $0xFFFFF086  }
0x25: {  	[simem:s6], [sflag:s4] =	dma.local [hbm:s3], $0xF7A  }
0x26: {  	[smem:$0x3F99] =	sst s1;
	(tag) =	ssettag s2;
	_ =	strace s9  }
0x27: {  	s1 =	sld [smem:$0x3FA9]  }
0x28: {  	s2 =	sld [smem:$0x3FAA]  }
0x29: {  	s4 =	sld [smem:$0x3FAC]  }
0x2a: {  	p0 =	seq.s32 s5, $0x0;
	s5 =	sld [smem:$0x3FAD]  }
0x2b: {  	s6 =	sld [smem:$0x3FAE]  }
0x2c: {  	s7 =	sld [smem:$0x3FAF]  }
0x2d: {  	s3 =	simm.s32 $0x108;
	s8 =	sld [smem:$0x3FB0]  }
0x2e: {  	s3 =	simm.s32 @!p0 $0x1082;
	s9 =	sld [smem:$0x3FB1]  }
0x2f: {  	lr =	sadd.s32 s0, s3;
	s0 =	sld [smem:$0x3FA8]  }
0x30: {  	s3 =	sld [smem:$0x3FAB]  }
0x31: {  	[smem:$0x3FB4] =	sst s10  }
0x32: {  	s10 =	sld [smem:$0x3FB2];
	_ =	sdelay $0x3  }
0x33: {  	p0 =	seq.s32 s10, $0x1;
	s10 =	sld [smem:$0x3FB4];
	_ =	sdelay $0x3  }
0x34: {  	[smem:$0x3FB4] =	sst s10  }
0x35: {  	s10 =	sld [smem:$0x3FB3];
	_ =	sdelay $0x3  }
0x36: {  	p1 =	seq.s32 s10, $0x1;
	s10 =	sld [smem:$0x3FB4];
	_ =	sdelay $0x3  }
0x37: {  	[smem:$0x3FB4] =	sst s10  }
0x38: {  	s10 =	sld [smem:$0x3FB5]  }
0x39: {  	_ = 	snop;
	(pc) =	sbr.ind lr, $3  }
0x3a: {  	_ = 	snop  }
0x3b: {  	_ = 	snop  }
0x3c: {  	p2 =	seq.s32 s10, $0x1;
	s10 =	sld [smem:$0x3FB4]  }
0x3d: {  	_ =	shalt  }
0x3e: {  	_ =	shalt  }
0x3f: {  	_ =	shalt  }
0x40: {  	_ =	shalt  }
0x41: {  	_ =	shalt  }
0x42: {  	_ =	shalt  }
0x43: {  	_ =	shalt  }
0x44: {  	_ =	shalt  }
0x45: {  	_ =	shalt  }
0x46: {  	_ =	shalt  }
0x47: {  	_ =	shalt  }
0x48: {  	_ =	shalt  }
0x49: {  	_ =	shalt  }
0x4a: {  	_ =	shalt  }
0x4b: {  	_ =	shalt  }
0x4c: {  	_ =	shalt  }
0x4d: {  	_ =	shalt  }
0x4e: {  	_ =	shalt  }
0x4f: {  	_ =	shalt  }
0x50: {  	_ =	shalt  }
0x51: {  	_ =	shalt  }
0x52: {  	_ =	shalt  }
0x53: {  	_ =	shalt  }
0x54: {  	_ =	shalt  }
0x55: {  	_ =	shalt  }
0x56: {  	_ =	shalt  }
0x57: {  	_ =	shalt  }
0x58: {  	_ =	shalt  }
0x59: {  	_ =	shalt  }
0x5a: {  	_ =	shalt  }
0x5b: {  	_ =	shalt  }
0x5c: {  	_ =	shalt  }
0x5d: {  	_ =	shalt  }
0x5e: {  	_ =	shalt  }
0x5f: {  	_ =	shalt  }
0x60: {  	_ =	shalt  }
0x61: {  	_ =	shalt  }
0x62: {  	_ =	shalt  }
0x63: {  	_ =	shalt  }
0x64: {  	_ =	shalt  }
0x65: {  	_ =	shalt  }
0x66: {  	_ =	shalt  }
0x67: {  	_ =	shalt  }
0x68: {  	_ =	shalt  }
0x69: {  	_ =	shalt  }
0x6a: {  	_ =	shalt  }
0x6b: {  	_ =	shalt  }
0x6c: {  	_ =	shalt  }
0x6d: {  	_ =	shalt  }
0x6e: {  	_ =	shalt  }
0x6f: {  	_ =	shalt  }
0x70: {  	_ =	shalt  }
0x71: {  	_ =	shalt  }
0x72: {  	_ =	shalt  }
0x73: {  	_ =	shalt  }
0x74: {  	_ =	shalt  }
0x75: {  	_ =	shalt  }
0x76: {  	_ =	shalt  }
0x77: {  	_ =	shalt  }
0x78: {  	_ =	shalt  }
0x79: {  	_ =	shalt  }
0x7a: {  	_ =	shalt  }
0x7b: {  	_ =	shalt  }
0x7c: {  	_ =	shalt  }
0x7d: {  	_ =	shalt  }
0x7e: {  	_ =	shalt  }
0x7f: {  	_ =	shalt  }
0x80: {  	_ =	shalt  }
0x81: {  	_ =	shalt  }
0x82: {  	_ =	shalt  }
0x83: {  	_ =	shalt  }
0x84: {  	_ =	shalt  }
0x85: {  	_ =	shalt  }
0x86: {  	_ =	shalt  }
0x87: {  	_ =	shalt  }
.Lfunc_end0:
.L_simem_size_0:
called_computation_lowered:
.L_overlay_start_0:
0x88: {  	s2 =	sld [smem:$0x3FD9]  }
0x89: {  	s3 =	sld [smem:$0x3FFE];
	_ =	sdelay $0x1  }
0x8a: {  	s1 =	srdreg.scid  }
0x8b: {  	s0 =	sand.u32 $0x1, s1  }
0x8c: {  	s17 =	sshll.u32 s0, $0xA;
	s2 =	sadd.s32 s3, s2  }
0x8d: {  	s2 =	sadd.s32 s2, s17  }
0x8e: {  	[smem:$0x3FC0] =	sst s2  }
0x8f: {  	_ = 	snop  }
0x90: {  	s2 =	sld [smem:$0x3FD0];
	(tm) =	ssettm $0x1  }
0x91: {  	s18 =	sld [smem:$0x3FFB];
	_ =	sdelay $0x3  }
0x92: {  	_ =	strace s18  }
0x93: {  	s3 =	sld [smem:$0x3FFC];
	_ =	sdelay $0x3  }
0x94: {  	_ =	strace s3  }
0x95: {  	s3 =	sld [smem:$0x3FFD];
	_ =	sdelay $0x3  }
0x96: {  	_ =	strace s3  }
0x97: {  	_ =	strace $0x8FFFFFFF  }
0x98: {  	s19 =	sld [smem:$0x3FDB];
	_ =	sdelay $0x1  }
0x99: {  	s4 =	simm.s32 $_scs_section_size  }
0x9a: {  	s5 =	simm.s32 $_size__tile_overlayer_lowered;
	s6 =	simm.s32 $_tile_overlayer_lowered  }
0x9b: {  	s22 =	simm.s32 $0x1BFF;
	s21 =	sshll.u32 s6, $0x1;
	s3 =	sadd.s32 s4, s19  }
0x9c: {  	s7 =	simm.s32 $0x0;
	s20 =	sshll.u32 s5, $0x1;
	s5 =	sadd.s32 s21, s3  }
0x9d: {  	[timem:s7], [sflag:s22] =	dma.local [hbm:s5], s20  }
0x9e: {  	_ =	swait.ge [sflag:s22], s20  }
0x9f: {  	s4 =	ssub.s32 $0x0, s20;
	[sflag:s22] =	ssyncset.done $0x0  }
0xa0: {  	[sflag:s22] =	ssyncadd.s32 s4;
	_ =	sdelay $0x1  }
0xa1: {  	s23 =	simm.s32 $0x1B8B  }
0xa2: {  	_ =	swait.ge [sflag:s23], $0x1  }
0xa3: {  	[sflag:s23] =	ssyncset.done $0x0  }
0xa4: {  	s25 =	simm.s32 $0x1B8E;
	s24 =	sld [smem:$0x3FFE];
	[sflag:s23] =	ssyncadd.s32 $0xFFFFFFFF  }
0xa5: {  	s26 =	simm.s32 $execute0_lowered;
	[smem:$0x3FD2] =	sst s25  }
0xa6: {  	s5 =	sshll.u32 s26, $0x1;
	_ =	strace $0x80000046;
	[dreg:$0x1] =	wrdreg $0xFFFFFFFF  }
0xa7: {  	s28 =	simm.s32 $_size_execute0_lowered;
	s3 =	sadd.s32 s3, s5;
	[dreg:$0x0] =	wrdreg $0x0  }
0xa8: {  	s5 =	sshll.u32 s28, $0x1;
	[dreg:$0x2] =	wrdreg s3  }
0xa9: {  	[dreg:$0x3] =	wrdreg s5  }
0xaa: {  	[dreg:$0x4] =	wrdreg $0xC0  }
0xab: {  	_ =	task [dreg:s7], $0x5FFFF  }
0xac: {  	[dreg:$0x1] =	wrdreg $0xFFFFFFFF  }
0xad: {  	[dreg:$0x0] =	wrdreg $0x60  }
0xae: {  	[dreg:$0x2] =	wrdreg s2  }
0xaf: {  	[dreg:$0x3] =	wrdreg s24  }
0xb0: {  	[dreg:$0x4] =	wrdreg $0x28800  }
0xb1: {  	[dreg:$0x5] =	wrdreg $0x9  }
0xb2: {  	_ =	task.clear_ibuf [dreg:s7], $0x6FFFF;
	_ =	strace $0x90000046  }
0xb3: {  	s29 =	simm.s32 $0x9;
	_ =	strace $0x80000048  }
0xb4: {  	_ =	swait.ge [sflag:s29], $0x1  }
0xb5: {  	[sflag:s29] =	ssyncadd.s32 $0xFFFFFFFF  }
0xb6: {  	_ =	strace $0x90000048  }
0xb7: {  	_ =	sfence  }
0xb8: {  	s30 =	sld [smem:$0x0];
	_ =	sdelay $0x2  }
0xb9: {  	s31 =	sshll.u32 s1, $0xD;
	s1 =	sshrl.u32 s1, $0x2  }
0xba: {  	s3 =	sand.u32 $0x4000, s31;
	s1 =	sadd.s32 s1, s30  }
0xbb: {  	s0 =	sor.u32 s3, s0;
	s1 =	sshll.u32 s1, $0x11  }
0xbc: {  	s0 =	sor.u32 s1, s0  }
0xbd: {  	s0 =	sadd.s32 $0x8F2B, s0  }
0xbe: {  	[sflag:s0] =	ssyncadd.remote.s32 $0x1  }
0xbf: {  	_ =	sfence.sel $0xFFFF  }
0xc0: {  	[dreg:$0x0] =	wrdreg $0xFFFFFFFF;
	(pc) =	sbr.abs _section_cstart, $3  }
0xc1: {  	[dreg:$0x1] =	wrdreg $0xFFFFFFFF  }
0xc2: {  	_ =	task.clear_ibuf [dreg:s7], $0x2FFFF;
	_ =	strace $0x9FFFFFFF  }
0xc3: {  	(tm) =	ssettm $0x7FFFFFFF  }
tec
execute0_lowered:
.L_overlay_start_1:
0x0: {  	(tag) =	ssettag $0x1  }
0x1: {  	s0 =	rddreg [dreg:$0x0]  }
0x2: {  	s1 =	rddreg [dreg:$0x1]  }
0x3: {  	s3 =	srdreg.scid;
	s10 =	stileid.u32  }
0x4: {  	s2 =	rddreg [dreg:$0x2];
	s12 =	simm.s32 $0x2800;
	s13 =	simm.s32 $0x7D  }
0x5: {  	s14 =	simm.s32 $0x80;
	s15 =	simm.s32 $0x100;
	s16 =	simm.s32 $0x180  }
0x6: {  	s17 =	simm.s32 $0x200;
	s18 =	simm.s32 $0x280;
	s19 =	simm.s32 $0x300  }
0x7: {  	s20 =	simm.s32 $0x380;
	s21 =	simm.s32 $0x400;
	s22 =	simm.s32 $0x480  }
0x8: {  	s23 =	simm.s32 $0x500;
	s24 =	simm.s32 $0x580;
	s28 =	simm.s32 $0x700  }
0x9: {  	s29 =	simm.s32 $0x780;
	s30 =	simm.s32 $0x1;
	s31 =	simm.s32 $0x0  }
0xa: {  	s6 =	sand.u32 $0x1, s3;
	s7 =	smul.u32 $0x280, s10;
	s3 =	simm.s32 $0x0  }
0xb: {  	s4 =	sadd.s32 $0x2200, s1;
	s5 =	smul.u32 $0x2800, s6;
	[smem:$0x7FF] =	sst s3  }
0xc: {  	s9 =	sshll.u32 s6, $0x4;
	s6 =	ssub.s32 $0x2, s6;
	_ =	strace $0x80000047  }
0xd: {  	s25 =	sor.u32 s10, s9;
	s26 =	sshrl.u32 s6, $0x1;
	s10 =	sshll.u32 s10, $0x6  }
0xe: {  	s11 =	sadd.s32 s7, s2;
	s8 =	sadd.s32 s7, s5;
	s5 =	sadd.s32 $0x2000, s1  }
0xf: {  	s9 =	ssub.s32 s6, s26;
	s6 =	sor.u32 $0x1C02, s10;
	s8 =	sshrl.u32 s8, $0x3  }
0x10: {  	s10 =	sshrl.u32 s11, $0x3;
	s1 =	sadd.s32 s8, s1;
	s8 =	smul.u32 $0x500, s25  }
0x11: {  	s11 =	simm.s32 $0x2;
	s26 =	simm.s32 $0x680;
	s9 =	smax.u32 s9, $0x1  }
0x12: {  	s25 =	simm.s32 $0x600;
	s7 =	sadd.s32 s0, s8;
	s8 =	sadd.s32 $0x2400, s1  }
.LBB2_1:
0x13: {  	[spmem:s10], [sflag:s6] =	dma.local [hbm:s5], $0x50  }
0x14: {  	_ =	swait.ge [sflag:s11], $0x50  }
0x15: {  	[sflag:s11] =	ssyncset.done $0x0  }
0x16: {  	[sflag:s11] =	ssyncadd.s32 $0xFFFFFFB0  }
0x17: {  	[tilespmem:s12], [sflag:$0x2] =	stream.linear.gather [hbm4b:s4+s3], $0x80, $0x38;
	[tilespmem:$0x2B00] =	vst v63  }
0x18: {  	_ =	swait.ge [sflag:s11], $0x80  }
0x19: {  	[sflag:s11] =	ssyncset.done $0x0  }
0x1a: {  	[sflag:s11] =	ssyncadd.s32 $0xFFFFFF80  }
0x1b: {  	[tilespmem:s3], [sflag:$0x2] =	stream.linear.gather [hbm4b:s7+s3], $0x2800, $0x38;
	[tilespmem:$0x2B00] =	vst v63  }
0x1c: {  	_ =	swait.ge [sflag:s11], $0x2800  }
0x1d: {  	[sflag:s11] =	ssyncset.done $0x0  }
0x1e: {  	[sflag:s11] =	ssyncadd.s32 $0xFFFFD800  }
0x1f: {  	[bflag:$0x0] =	sbarrier.arrive $0xFFFF  }
0x20: {  	[spmem:s2] =	stream.indirect.scatter.add.f32 [tilespmem:s12], [sflag:$0x1], $0x1, s3, s13, $0xb8;
	[tilespmem:$0x2B00] =	vst v63  }
0x21: {  	_ = 	snop  }
0x22: {  	[spmem:s2] =	stream.indirect.scatter.add.f32 [tilespmem:s12], [sflag:$0x1], $0x1, s14, s13, $0xb8;
	[tilespmem:$0x2B00] =	vst v63  }
0x23: {  	_ = 	snop  }
0x24: {  	[spmem:s2] =	stream.indirect.scatter.add.f32 [tilespmem:s12], [sflag:$0x1], $0x1, s15, s13, $0xb8;
	[tilespmem:$0x2B00] =	vst v63  }
0x25: {  	_ = 	snop  }
0x26: {  	[spmem:s2] =	stream.indirect.scatter.add.f32 [tilespmem:s12], [sflag:$0x1], $0x1, s16, s13, $0xb8;
	[tilespmem:$0x2B00] =	vst v63  }
0x27: {  	_ = 	snop  }
0x28: {  	[spmem:s2] =	stream.indirect.scatter.add.f32 [tilespmem:s12], [sflag:$0x1], $0x1, s17, s13, $0xb8;
	[tilespmem:$0x2B00] =	vst v63  }
0x29: {  	_ = 	snop  }
0x2a: {  	[spmem:s2] =	stream.indirect.scatter.add.f32 [tilespmem:s12], [sflag:$0x1], $0x1, s18, s13, $0xb8;
	[tilespmem:$0x2B00] =	vst v63  }
0x2b: {  	_ = 	snop  }
0x2c: {  	[spmem:s2] =	stream.indirect.scatter.add.f32 [tilespmem:s12], [sflag:$0x1], $0x1, s19, s13, $0xb8;
	[tilespmem:$0x2B00] =	vst v63  }
0x2d: {  	_ = 	snop  }
0x2e: {  	[spmem:s2] =	stream.indirect.scatter.add.f32 [tilespmem:s12], [sflag:$0x1], $0x1, s20, s13, $0xb8;
	[tilespmem:$0x2B00] =	vst v63  }
0x2f: {  	_ = 	snop  }
0x30: {  	[spmem:s2] =	stream.indirect.scatter.add.f32 [tilespmem:s12], [sflag:$0x1], $0x1, s21, s13, $0xb8;
	[tilespmem:$0x2B00] =	vst v63  }
0x31: {  	_ = 	snop  }
0x32: {  	[spmem:s2] =	stream.indirect.scatter.add.f32 [tilespmem:s12], [sflag:$0x1], $0x1, s22, s13, $0xb8;
	[tilespmem:$0x2B00] =	vst v63  }
0x33: {  	_ = 	snop  }
0x34: {  	[spmem:s2] =	stream.indirect.scatter.add.f32 [tilespmem:s12], [sflag:$0x1], $0x1, s23, s13, $0xb8;
	[tilespmem:$0x2B00] =	vst v63  }
0x35: {  	_ = 	snop  }
0x36: {  	[spmem:s2] =	stream.indirect.scatter.add.f32 [tilespmem:s12], [sflag:$0x1], $0x1, s24, s13, $0xb8;
	[tilespmem:$0x2B00] =	vst v63  }
0x37: {  	_ = 	snop  }
0x38: {  	[spmem:s2] =	stream.indirect.scatter.add.f32 [tilespmem:s12], [sflag:$0x1], $0x1, s25, s13, $0xb8;
	[tilespmem:$0x2B00] =	vst v63  }
0x39: {  	_ = 	snop  }
0x3a: {  	[spmem:s2] =	stream.indirect.scatter.add.f32 [tilespmem:s12], [sflag:$0x1], $0x1, s26, s13, $0xb8;
	[tilespmem:$0x2B00] =	vst v63  }
0x3b: {  	_ = 	snop  }
0x3c: {  	[spmem:s2] =	stream.indirect.scatter.add.f32 [tilespmem:s12], [sflag:$0x1], $0x1, s28, s13, $0xb8;
	[tilespmem:$0x2B00] =	vst v63  }
0x3d: {  	_ = 	snop  }
0x3e: {  	[spmem:s2] =	stream.indirect.scatter.add.f32 [tilespmem:s12], [sflag:$0x1], $0x1, s29, s13, $0xb8;
	[tilespmem:$0x2B00] =	vst v63  }
0x3f: {  	_ =	swait.ge [sflag:s30], $0x7D  }
0x40: {  	[sflag:s30] =	ssyncset.done $0x0  }
0x41: {  	s1 =	simm.s32 $0x200;
	s0 =	simm.s32 $0x800;
	[sflag:s30] =	ssyncadd.s32 $0xFFFFFF83  }
.LBB2_2:
0x42: {  	[spmem:s2] =	stream.indirect.scatter.add.f32 [tilespmem:s12], [sflag:$0x1], $0x1, s0, s13, $0xb8;
	[tilespmem:$0x2B00] =	vst v63  }
0x43: {  	s0 =	smov.u32 s1;
	p0 =	sne.s32 s1, $0x7E00  }
.Ltmp0:
0x44: {  	s1 =	sadd.s32 $0x200, s1;
	(pc) =	sbr.rel @p0 .LBB2_2-.Ltmp0, $4  }
0x45: {  	_ = 	snop  }
0x46: {  	_ =	swait.ge [sflag:s30], $0x7D  }
0x47: {  	s0 =	sshra.s32 s0, $0x2;
	[sflag:s30] =	ssyncset.done $0x0  }
0x48: {  	s0 =	sadd.s32 $0x800, s0;
	[sflag:s30] =	ssyncadd.s32 $0xFFFFFF83  }
0x49: {  	[spmem:s2] =	stream.indirect.scatter.add.f32 [tilespmem:s12], [sflag:$0x1], $0x1, s0, s13, $0xb8;
	[tilespmem:$0x2B00] =	vst v63  }
0x4a: {  	_ =	swait.ge [sflag:s30], $0x7D  }
0x4b: {  	[sflag:s30] =	ssyncset.done $0x0  }
0x4c: {  	[sflag:s30] =	ssyncadd.s32 $0xFFFFFF83  }
0x4d: {  	_ =	swait.ge [sflag:s30], $0x7D  }
0x4e: {  	[sflag:s30] =	ssyncset.done $0x0  }
0x4f: {  	[sflag:s30] =	ssyncadd.s32 $0xFFFFFF83  }
0x50: {  	_ =	swait.ge [sflag:s30], $0x7D  }
0x51: {  	[sflag:s30] =	ssyncset.done $0x0  }
0x52: {  	[sflag:s30] =	ssyncadd.s32 $0xFFFFFF83  }
0x53: {  	_ =	swait.ge [sflag:s30], $0x7D  }
0x54: {  	[sflag:s30] =	ssyncset.done $0x0  }
0x55: {  	[sflag:s30] =	ssyncadd.s32 $0xFFFFFF83  }
0x56: {  	_ =	swait.ge [sflag:s30], $0x7D  }
0x57: {  	[sflag:s30] =	ssyncset.done $0x0  }
0x58: {  	[sflag:s30] =	ssyncadd.s32 $0xFFFFFF83  }
0x59: {  	_ =	swait.ge [sflag:s30], $0x7D  }
0x5a: {  	[sflag:s30] =	ssyncset.done $0x0  }
0x5b: {  	[sflag:s30] =	ssyncadd.s32 $0xFFFFFF83  }
0x5c: {  	_ =	swait.ge [sflag:s30], $0x7D  }
0x5d: {  	[sflag:s30] =	ssyncset.done $0x0  }
0x5e: {  	[sflag:s30] =	ssyncadd.s32 $0xFFFFFF83  }
0x5f: {  	_ =	swait.ge [sflag:s30], $0x7D  }
0x60: {  	[sflag:s30] =	ssyncset.done $0x0  }
0x61: {  	[sflag:s30] =	ssyncadd.s32 $0xFFFFFF83  }
0x62: {  	_ =	swait.ge [sflag:s30], $0x7D  }
0x63: {  	[sflag:s30] =	ssyncset.done $0x0  }
0x64: {  	[sflag:s30] =	ssyncadd.s32 $0xFFFFFF83  }
0x65: {  	_ =	swait.ge [sflag:s30], $0x7D  }
0x66: {  	[sflag:s30] =	ssyncset.done $0x0  }
0x67: {  	[sflag:s30] =	ssyncadd.s32 $0xFFFFFF83  }
0x68: {  	_ =	swait.ge [sflag:s30], $0x7D  }
0x69: {  	[sflag:s30] =	ssyncset.done $0x0  }
0x6a: {  	[sflag:s30] =	ssyncadd.s32 $0xFFFFFF83  }
0x6b: {  	_ =	swait.ge [sflag:s30], $0x7D  }
0x6c: {  	[sflag:s30] =	ssyncset.done $0x0  }
0x6d: {  	[sflag:s30] =	ssyncadd.s32 $0xFFFFFF83  }
0x6e: {  	_ =	swait.ge [sflag:s30], $0x7D  }
0x6f: {  	[sflag:s30] =	ssyncset.done $0x0  }
0x70: {  	[sflag:s30] =	ssyncadd.s32 $0xFFFFFF83  }
0x71: {  	_ =	swait.ge [sflag:s30], $0x7D  }
0x72: {  	[sflag:s30] =	ssyncset.done $0x0  }
0x73: {  	[sflag:s30] =	ssyncadd.s32 $0xFFFFFF83  }
0x74: {  	_ =	swait.ge [sflag:s30], $0x7D  }
0x75: {  	[sflag:s30] =	ssyncset.done $0x0  }
0x76: {  	[sflag:s30] =	ssyncadd.s32 $0xFFFFFF83  }
0x77: {  	_ =	swait.ge [sflag:s30], $0x7D  }
0x78: {  	s31 =	sadd.s32 $0x1, s31;
	[sflag:s30] =	ssyncset.done $0x0  }
0x79: {  	p0 =	sne.s32 s31, s9;
	[sflag:s30] =	ssyncadd.s32 $0xFFFFFF83  }
.Ltmp1:
0x7a: {  	[bflag:$0x0] =	sbarrier.arrive $0xFFFF;
	(pc) =	sbr.rel @p0 .LBB2_1-.Ltmp1, $4  }
0x7b: {  	[hbm:s8], [sflag:s6] =	dma.local [spmem:s10], $0x50  }
0x7c: {  	_ =	swait.ge [sflag:s11], $0x50  }
0x7d: {  	[sflag:s11] =	ssyncset.done $0x0  }
0x7e: {  	[sflag:s11] =	ssyncadd.s32 $0xFFFFFFB0  }
0x7f: {  	_ =	sfence.sel $0x180000  }
0x80: {  	[bflag:$0x0] =	sbarrier.arrive $0xFFFF  }
0x81: {  	_ =	strace $0x90000047  }
0x82: {  	s0 =	stileid.u32;
	[bflag:$0x2] =	sbarrier.arrive $0xFFFF  }
0x83: {  	p0 =	sne.s32 s0, $0x0;
	s0 =	rddreg [dreg:$0x3]  }
0x84: {  	s0 =	sadd.s32 @!p0 $0x100000, s0  }
0x85: {  	[sflag:s0] =	ssyncadd.tile.s32 @!p0 $0x1;
	_ =	shalt  }
.Lfunc_end2:
_tile_overlayer_lowered:
.L_overlay_start_2:
0x86: {  	(tag) =	ssettag $0x2  }
0x87: {  	s0 =	rddreg [dreg:$0x0];
	s2 =	stileid.u32  }
0x88: {  	s1 =	rddreg [dreg:$0x1];
	p0 =	sne.s32 s2, $0x0  }
0x89: {  	s3 =	rddreg [dreg:$0x2];
	[bflag:$0x3] =	sbarrier.arrive $0xFFFF;
	s2 =	simm.s32 @!p0 $0x1C02  }
0x8a: {  	[timem:s3], [sflag:s2] =	dma.local @!p0 [hbm:s0], s1  }
0x8b: {  	s0 =	simm.s32 @!p0 $0x2  }
0x8c: {  	_ =	swait.ge @!p0 [sflag:s0], s1  }
0x8d: {  	s1 =	ssub.s32 @!p0 $0x0, s1;
	[sflag:s0] =	ssyncset.done @!p0 $0x0  }
0x8e: {  	[sflag:s0] =	ssyncadd.s32 @!p0 s1  }
0x8f: {  	[bflag:$0x3] =	sbarrier.arrive $0xFFFF  }
0x90: {  	_ =	shalt  }

</sc_bundles>
